<compile_context>
chip_gen: v7x
topology: tpu7x:2x2x1
jax: 0.10.2.dev20260603
libtpu: 0.0.44.dev20260713+nightly
codegen_flags: <defaults>
</compile_context>

<pallas_src>
import functools

import jax
import jax.numpy as jnp
from jax import lax
from jax.experimental import pallas as pl
from jax.experimental.pallas import tpu as pltpu
from jax.experimental.pallas import tpu_sc as plsc

VOCAB = 1000000
EMBED_DIM = 64
HIDDEN = 256
NUM_CLASSES = 50
BATCH = 4096
SEQ = 200

NC = 2
NS = 16
NW = NC * NS
BPW = BATCH // NW
CHUNK_A = 104
CHUNK_B = SEQ - CHUNK_A
INV_SEQ = 1.0 / SEQ


def _pool_body(x_hbm, emb_hbm, out_hbm, idx_v, ra0, rb0, ra1, rb1,
               ra2, rb2, ra3, rb3, pooled_v,
               sa0, sb0, sa1, sb1, sa2, sb2, sa3, sb3):
    wid = lax.axis_index("s") * NC + lax.axis_index("c")
    base = wid * BPW
    pltpu.sync_copy(x_hbm.at[pl.ds(base * SEQ, BPW * SEQ)], idx_v)

    def dbl(k, _):
        idx_v[pl.ds(16 * k, 16)] = jnp.left_shift(idx_v[pl.ds(16 * k, 16)], 1)
        return 0

    lax.fori_loop(0, BPW * SEQ // 16, dbl, 0)

    def start_a(b, rows, sem):
        pltpu.async_copy(
            emb_hbm.at[idx_v.at[pl.ds(b * SEQ, CHUNK_A)]], rows, sem)

    def start_b(b, rows, sem):
        pltpu.async_copy(
            emb_hbm.at[idx_v.at[pl.ds(b * SEQ + CHUNK_A, CHUNK_B)]], rows,
            sem)

    start_a(0, ra0, sa0)
    start_b(0, rb0, sb0)
    start_a(1, ra1, sa1)
    start_b(1, rb1, sb1)
    start_a(2, ra2, sa2)
    start_b(2, rb2, sb2)
    start_a(3, ra3, sa3)
    start_b(3, rb3, sb3)

    def accum(rows, init, lo, hi):
        def j_body(j, acc):
            return tuple(
                acc[i] + rows[j, pl.ds(16 * i, 16)] for i in range(4))
        return lax.fori_loop(lo, hi, j_body, init, unroll=8)

    def wait_a(rows, sem):
        pltpu.make_async_copy(
            emb_hbm.at[idx_v.at[pl.ds(0, CHUNK_A)]], rows, sem).wait()

    def wait_b(rows, sem):
        pltpu.make_async_copy(
            emb_hbm.at[idx_v.at[pl.ds(0, CHUNK_B)]], rows, sem).wait()

    def one_row(b, guard, ra, sa, rb, sb):
        wait_a(ra, sa)
        acc = tuple(ra[0, pl.ds(16 * i, 16)] for i in range(4))
        acc = accum(ra, acc, 1, CHUNK_A)

        @pl.when(guard)
        def _():
            start_a(b + 4, ra, sa)

        wait_b(rb, sb)
        acc = accum(rb, acc, 0, CHUNK_B)

        @pl.when(guard)
        def _():
            start_b(b + 4, rb, sb)

        for i in range(4):
            pooled_v[b, pl.ds(16 * i, 16)] = acc[i] * INV_SEQ

    def bb_body(bb, _):
        guard = bb < BPW // 4 - 1
        one_row(4 * bb, guard, ra0, sa0, rb0, sb0)
        one_row(4 * bb + 1, guard, ra1, sa1, rb1, sb1)
        one_row(4 * bb + 2, guard, ra2, sa2, rb2, sb2)
        one_row(4 * bb + 3, guard, ra3, sa3, rb3, sb3)
        return 0

    lax.fori_loop(0, BPW // 4, bb_body, 0)
    pltpu.sync_copy(pooled_v, out_hbm.at[pl.ds(base, BPW)])


@functools.partial(
    pl.kernel,
    out_type=jax.ShapeDtypeStruct((BATCH, EMBED_DIM), jnp.float32),
    mesh=plsc.VectorSubcoreMesh(core_axis_name="c", subcore_axis_name="s"),
    compiler_params=pltpu.CompilerParams(use_tc_tiling_on_sc=False),
    scratch_types=[
        pltpu.VMEM((BPW * SEQ,), jnp.int32),
        pltpu.VMEM((CHUNK_A, EMBED_DIM), jnp.float32),
        pltpu.VMEM((CHUNK_B, EMBED_DIM), jnp.float32),
        pltpu.VMEM((CHUNK_A, EMBED_DIM), jnp.float32),
        pltpu.VMEM((CHUNK_B, EMBED_DIM), jnp.float32),
        pltpu.VMEM((CHUNK_A, EMBED_DIM), jnp.float32),
        pltpu.VMEM((CHUNK_B, EMBED_DIM), jnp.float32),
        pltpu.VMEM((CHUNK_A, EMBED_DIM), jnp.float32),
        pltpu.VMEM((CHUNK_B, EMBED_DIM), jnp.float32),
        pltpu.VMEM((BPW, EMBED_DIM), jnp.float32),
    ] + [pltpu.SemaphoreType.DMA] * 8,
)
def _pool_sc(x_hbm, emb_hbm, out_hbm, idx_v, ra0, rb0, ra1, rb1,
             ra2, rb2, ra3, rb3, pooled_v,
             sa0, sb0, sa1, sb1, sa2, sb2, sa3, sb3):
    _pool_body(x_hbm, emb_hbm, out_hbm, idx_v, ra0, rb0, ra1, rb1,
               ra2, rb2, ra3, rb3, pooled_v,
               sa0, sb0, sa1, sb1, sa2, sb2, sa3, sb3)


def _mlp_body(p_ref, w1_ref, b1_ref, w2_ref, b2_ref, o_ref):
    h = jnp.dot(p_ref[...], w1_ref[...], preferred_element_type=jnp.float32)
    h = jnp.maximum(h + b1_ref[...], 0.0)
    o_ref[...] = (
        jnp.dot(h, w2_ref[...], preferred_element_type=jnp.float32)
        + b2_ref[...])


def _mlp_tc(pooled, W1, b1, W2p, b2p):
    return pl.pallas_call(
        _mlp_body,
        out_shape=jax.ShapeDtypeStruct((BATCH, 128), jnp.float32),
    )(pooled, W1, b1, W2p, b2p)


@jax.jit
def kernel(x, emb, W1, b1, W2, b2):
    x = x.astype(jnp.int32).reshape(BATCH * SEQ)
    embp = jnp.pad(emb, ((0, 0), (0, 64))).reshape(2 * VOCAB, EMBED_DIM)
    pooled = _pool_sc(x, embp)

    W2p = jnp.pad(W2, ((0, 0), (0, 128 - NUM_CLASSES)))
    b2p = jnp.pad(b2, (0, 128 - NUM_CLASSES)).reshape(1, 128)
    out = _mlp_tc(pooled, W1, b1.reshape(1, HIDDEN), W2p, b2p)
    return out[:, :NUM_CLASSES]

# --- scband reference (transcript-rebuilt; emitter-appended) ---
"""Pipeline reference for scband-fast-text-model-8899172237485 (READ-ONLY COPY).

The authoritative reference and input builder live on the scoring server;
editing this copy changes nothing except your own understanding.
"""

import jax, jax.numpy as jnp
import numpy as np

VOCAB = 1000000
EMBED_DIM = 64
HIDDEN = 256
NUM_CLASSES = 50
BATCH = 4096
SEQ = 200


def setup_inputs(seed: int = 0) -> dict:
    key = jax.random.key(seed)
    k_idx, k_emb, k_w1, k_b1, k_w2, k_b2 = jax.random.split(key, 6)
    x = jax.random.randint(k_idx, (BATCH, SEQ), 0, VOCAB, dtype=jnp.int64 if jax.config.jax_enable_x64 else jnp.int32)
    emb = jax.random.normal(k_emb, (VOCAB, EMBED_DIM), dtype=jnp.float32) * 0.02
    W1 = jax.random.normal(k_w1, (EMBED_DIM, HIDDEN), dtype=jnp.float32) * (1.0 / np.sqrt(EMBED_DIM))
    b1 = jnp.zeros((HIDDEN,), dtype=jnp.float32)
    W2 = jax.random.normal(k_w2, (HIDDEN, NUM_CLASSES), dtype=jnp.float32) * (1.0 / np.sqrt(HIDDEN))
    b2 = jnp.zeros((NUM_CLASSES,), dtype=jnp.float32)
    return {"x": x, "emb": emb, "W1": W1, "b1": b1, "W2": W2, "b2": b2}


def reference(x, emb, W1, b1, W2, b2):
    # embedding lookup: [B, S, D]
    embedded = jnp.take(emb, x, axis=0)
    # mean pool over sequence dim
    pooled = jnp.mean(embedded, axis=1)
    # MLP head (dropout is identity at inference)
    h = jnp.maximum(pooled @ W1 + b1, 0.0)
    out = h @ W2 + b2
    return out

if __name__ == "__main__":
    import jax
    _d = setup_inputs()
    print(jax.jit(kernel)(*tuple(_d.values())))

</pallas_src>

<mosaic_0001>
#map = affine_map<(d0, d1) -> (0)>
#map1 = affine_map<(d0, d1) -> (0, 0)>
module attributes {stable_mosaic.version = 14 : i64} {
  func.func @_pool_sc(%arg0: i32, %arg1: i32, %arg2: memref<819200xi32, #tpu.memory_space<hbm>>, %arg3: memref<2000000x64xf32, #tpu.memory_space<hbm>>, %arg4: memref<4096x64xf32, #tpu.memory_space<hbm>>, %arg5: memref<25600xi32, #tpu.memory_space<vmem>>, %arg6: memref<104x64xf32, #tpu.memory_space<vmem>>, %arg7: memref<96x64xf32, #tpu.memory_space<vmem>>, %arg8: memref<104x64xf32, #tpu.memory_space<vmem>>, %arg9: memref<96x64xf32, #tpu.memory_space<vmem>>, %arg10: memref<104x64xf32, #tpu.memory_space<vmem>>, %arg11: memref<96x64xf32, #tpu.memory_space<vmem>>, %arg12: memref<104x64xf32, #tpu.memory_space<vmem>>, %arg13: memref<96x64xf32, #tpu.memory_space<vmem>>, %arg14: memref<128x64xf32, #tpu.memory_space<vmem>>, %arg15: memref<!tpu.dma_semaphore, #tpu.memory_space<semaphore_mem>>, %arg16: memref<!tpu.dma_semaphore, #tpu.memory_space<semaphore_mem>>, %arg17: memref<!tpu.dma_semaphore, #tpu.memory_space<semaphore_mem>>, %arg18: memref<!tpu.dma_semaphore, #tpu.memory_space<semaphore_mem>>, %arg19: memref<!tpu.dma_semaphore, #tpu.memory_space<semaphore_mem>>, %arg20: memref<!tpu.dma_semaphore, #tpu.memory_space<semaphore_mem>>, %arg21: memref<!tpu.dma_semaphore, #tpu.memory_space<semaphore_mem>>, %arg22: memref<!tpu.dma_semaphore, #tpu.memory_space<semaphore_mem>>) attributes {dimension_semantics = [#tpu.dimension_semantics<core_parallel>, #tpu.dimension_semantics<subcore_parallel>], iteration_bounds = array<i64: 2, 16>, scalar_prefetch = 0 : i64, scratch_operands = 18 : i64, tpu.core_type = #tpu.core_type<sc_vector_subcore>, window_params = [{transform_indices = #map}, {transform_indices = #map1}, {transform_indices = #map1}]} {
    %mul3A = arith.constant 2 : i32
    %mul3A_0 = arith.muli %arg1, %mul3A : i32
    %add3A = arith.addi %mul3A_0, %arg0 : i32
    %mul3A_1 = arith.constant 128 : i32
    %mul3A_2 = arith.muli %add3A, %mul3A_1 : i32
    %mul3A_3 = arith.constant 200 : i32
    %mul3A_4 = arith.muli %mul3A_2, %mul3A_3 : i32
    "tpu.region"() ({
      %run_scoped3A = tpu.sem_alloc : memref<!tpu.dma_semaphore, #tpu.memory_space<semaphore_mem>>
      %dma_start3A_57 = tpu.memref_slice %arg2[%mul3A_4] : memref<819200xi32, #tpu.memory_space<hbm>> -> memref<25600xi32, #tpu.memory_space<hbm>>
      %dma_start3A_58 = tpu.memref_slice %arg2[%mul3A_4] : memref<819200xi32, #tpu.memory_space<hbm>> -> memref<25600xi32, #tpu.memory_space<hbm>>
      tpu.enqueue_dma source(%dma_start3A_58 : memref<25600xi32, #tpu.memory_space<hbm>>) target(%arg5 : memref<25600xi32, #tpu.memory_space<vmem>>) target_semaphore(%run_scoped3A : memref<!tpu.dma_semaphore, #tpu.memory_space<semaphore_mem>>)
      %dma_wait3A = tpu.memref_slice %arg2[%mul3A_4] : memref<819200xi32, #tpu.memory_space<hbm>> -> memref<25600xi32, #tpu.memory_space<hbm>>
      %dma_wait3A_59 = tpu.memref_slice %arg2[%mul3A_4] : memref<819200xi32, #tpu.memory_space<hbm>> -> memref<25600xi32, #tpu.memory_space<hbm>>
      tpu.wait_dma2 semaphore(%run_scoped3A : memref<!tpu.dma_semaphore, #tpu.memory_space<semaphore_mem>>) src(%dma_wait3A_59 : memref<25600xi32, #tpu.memory_space<hbm>>) dst(%arg5 : memref<25600xi32, #tpu.memory_space<vmem>>)
      tpu.yield
    }) : () -> ()
    %scan3A = arith.constant 0 : i32
    %scan3A_5 = arith.constant 0 : i32
    %scan3A_6 = arith.constant 1600 : i32
    %scan3A_7 = arith.addi %scan3A_5, %scan3A_6 : i32
    %scan3A_8 = arith.constant 1 : i32
    %scan3A_9 = scf.for %scan3A_57 = %scan3A_5 to %scan3A_7 step %scan3A_8 iter_args(%scan3A_58 = %scan3A) -> (i32)  : i32 {
      %mul3A_59 = arith.constant 16 : i32
      %mul3A_60 = arith.muli %mul3A_59, %scan3A_57 : i32
      %get3A = arith.index_cast %mul3A_60 : i32 to index
      %get3A_61 = tpu.vector_load %arg5[%get3A] {strides = array<i32>} : memref<25600xi32, #tpu.memory_space<vmem>>, vector<16xi32>,
      %get3A_62 = vector.shape_cast %get3A_61 : vector<16xi32> to vector<16xi32>
      %shift_left3A = arith.constant 1 : i32
      %shift_left3A_63 = vector.broadcast %shift_left3A : i32 to vector<16xi32>
      %shift_left3A_64 = arith.shli %get3A_62, %shift_left3A_63 : vector<16xi32>
      %mul3A_65 = arith.constant 16 : i32
      %mul3A_66 = arith.muli %mul3A_65, %scan3A_57 : i32
      %swap3A = arith.index_cast %mul3A_66 : i32 to index
      %swap3A_67 = tpu.vector_load %arg5[%swap3A] {strides = array<i32>} : memref<25600xi32, #tpu.memory_space<vmem>>, vector<16xi32>,
      %swap3A_68 = vector.shape_cast %swap3A_67 : vector<16xi32> to vector<16xi32>
      %swap3A_69 = vector.shape_cast %shift_left3A_64 : vector<16xi32> to vector<16xi32>
      tpu.vector_store %arg5[%swap3A], %swap3A_69 {strides = array<i32>} : memref<25600xi32, #tpu.memory_space<vmem>>, vector<16xi32>,
      %scan3A_70 = arith.constant 0 : i32
      scf.yield %scan3A_70 : i32
    }
    %scan3A_10 = arith.constant 1600 : i32
    %dma_start3A = arith.constant 0 : i32
    %dma_start3A_11 = tpu.memref_slice %arg5[%dma_start3A] : memref<25600xi32, #tpu.memory_space<vmem>> -> memref<104xi32, #tpu.memory_space<vmem>>
    %dma_start3A_12 = arith.constant 0 : i32
    %dma_start3A_13 = arith.constant 0 : i32
    %dma_start3A_14 = tpu.memref_slice %arg3[%dma_start3A_12, %dma_start3A_13] : memref<2000000x64xf32, #tpu.memory_space<hbm>> -> memref<2000000x64xf32, #tpu.memory_space<hbm>>
    tpu.enqueue_indirect_dma source(%dma_start3A_14 : memref<2000000x64xf32, #tpu.memory_space<hbm>>) target(%arg6 : memref<104x64xf32, #tpu.memory_space<vmem>>) offsets(%dma_start3A_11 : memref<104xi32, #tpu.memory_space<vmem>>) semaphore(%arg15 : memref<!tpu.dma_semaphore, #tpu.memory_space<semaphore_mem>>)
    %dma_start3A_15 = arith.constant 104 : i32
    %dma_start3A_16 = tpu.memref_slice %arg5[%dma_start3A_15] : memref<25600xi32, #tpu.memory_space<vmem>> -> memref<96xi32, #tpu.memory_space<vmem>>
    %dma_start3A_17 = arith.constant 0 : i32
    %dma_start3A_18 = arith.constant 0 : i32
    %dma_start3A_19 = tpu.memref_slice %arg3[%dma_start3A_17, %dma_start3A_18] : memref<2000000x64xf32, #tpu.memory_space<hbm>> -> memref<2000000x64xf32, #tpu.memory_space<hbm>>
    tpu.enqueue_indirect_dma source(%dma_start3A_19 : memref<2000000x64xf32, #tpu.memory_space<hbm>>) target(%arg7 : memref<96x64xf32, #tpu.memory_space<vmem>>) offsets(%dma_start3A_16 : memref<96xi32, #tpu.memory_space<vmem>>) semaphore(%arg16 : memref<!tpu.dma_semaphore, #tpu.memory_space<semaphore_mem>>)
    %dma_start3A_20 = arith.constant 200 : i32
    %dma_start3A_21 = tpu.memref_slice %arg5[%dma_start3A_20] : memref<25600xi32, #tpu.memory_space<vmem>> -> memref<104xi32, #tpu.memory_space<vmem>>
    %dma_start3A_22 = arith.constant 0 : i32
    %dma_start3A_23 = arith.constant 0 : i32
    %dma_start3A_24 = tpu.memref_slice %arg3[%dma_start3A_22, %dma_start3A_23] : memref<2000000x64xf32, #tpu.memory_space<hbm>> -> memref<2000000x64xf32, #tpu.memory_space<hbm>>
    tpu.enqueue_indirect_dma source(%dma_start3A_24 : memref<2000000x64xf32, #tpu.memory_space<hbm>>) target(%arg8 : memref<104x64xf32, #tpu.memory_space<vmem>>) offsets(%dma_start3A_21 : memref<104xi32, #tpu.memory_space<vmem>>) semaphore(%arg17 : memref<!tpu.dma_semaphore, #tpu.memory_space<semaphore_mem>>)
    %dma_start3A_25 = arith.constant 304 : i32
    %dma_start3A_26 = tpu.memref_slice %arg5[%dma_start3A_25] : memref<25600xi32, #tpu.memory_space<vmem>> -> memref<96xi32, #tpu.memory_space<vmem>>
    %dma_start3A_27 = arith.constant 0 : i32
    %dma_start3A_28 = arith.constant 0 : i32
    %dma_start3A_29 = tpu.memref_slice %arg3[%dma_start3A_27, %dma_start3A_28] : memref<2000000x64xf32, #tpu.memory_space<hbm>> -> memref<2000000x64xf32, #tpu.memory_space<hbm>>
    tpu.enqueue_indirect_dma source(%dma_start3A_29 : memref<2000000x64xf32, #tpu.memory_space<hbm>>) target(%arg9 : memref<96x64xf32, #tpu.memory_space<vmem>>) offsets(%dma_start3A_26 : memref<96xi32, #tpu.memory_space<vmem>>) semaphore(%arg18 : memref<!tpu.dma_semaphore, #tpu.memory_space<semaphore_mem>>)
    %dma_start3A_30 = arith.constant 400 : i32
    %dma_start3A_31 = tpu.memref_slice %arg5[%dma_start3A_30] : memref<25600xi32, #tpu.memory_space<vmem>> -> memref<104xi32, #tpu.memory_space<vmem>>
    %dma_start3A_32 = arith.constant 0 : i32
    %dma_start3A_33 = arith.constant 0 : i32
    %dma_start3A_34 = tpu.memref_slice %arg3[%dma_start3A_32, %dma_start3A_33] : memref<2000000x64xf32, #tpu.memory_space<hbm>> -> memref<2000000x64xf32, #tpu.memory_space<hbm>>
    tpu.enqueue_indirect_dma source(%dma_start3A_34 : memref<2000000x64xf32, #tpu.memory_space<hbm>>) target(%arg10 : memref<104x64xf32, #tpu.memory_space<vmem>>) offsets(%dma_start3A_31 : memref<104xi32, #tpu.memory_space<vmem>>) semaphore(%arg19 : memref<!tpu.dma_semaphore, #tpu.memory_space<semaphore_mem>>)
    %dma_start3A_35 = arith.constant 504 : i32
    %dma_start3A_36 = tpu.memref_slice %arg5[%dma_start3A_35] : memref<25600xi32, #tpu.memory_space<vmem>> -> memref<96xi32, #tpu.memory_space<vmem>>
    %dma_start3A_37 = arith.constant 0 : i32
    %dma_start3A_38 = arith.constant 0 : i32
    %dma_start3A_39 = tpu.memref_slice %arg3[%dma_start3A_37, %dma_start3A_38] : memref<2000000x64xf32, #tpu.memory_space<hbm>> -> memref<2000000x64xf32, #tpu.memory_space<hbm>>
    tpu.enqueue_indirect_dma source(%dma_start3A_39 : memref<2000000x64xf32, #tpu.memory_space<hbm>>) target(%arg11 : memref<96x64xf32, #tpu.memory_space<vmem>>) offsets(%dma_start3A_36 : memref<96xi32, #tpu.memory_space<vmem>>) semaphore(%arg20 : memref<!tpu.dma_semaphore, #tpu.memory_space<semaphore_mem>>)
    %dma_start3A_40 = arith.constant 600 : i32
    %dma_start3A_41 = tpu.memref_slice %arg5[%dma_start3A_40] : memref<25600xi32, #tpu.memory_space<vmem>> -> memref<104xi32, #tpu.memory_space<vmem>>
    %dma_start3A_42 = arith.constant 0 : i32
    %dma_start3A_43 = arith.constant 0 : i32
    %dma_start3A_44 = tpu.memref_slice %arg3[%dma_start3A_42, %dma_start3A_43] : memref<2000000x64xf32, #tpu.memory_space<hbm>> -> memref<2000000x64xf32, #tpu.memory_space<hbm>>
    tpu.enqueue_indirect_dma source(%dma_start3A_44 : memref<2000000x64xf32, #tpu.memory_space<hbm>>) target(%arg12 : memref<104x64xf32, #tpu.memory_space<vmem>>) offsets(%dma_start3A_41 : memref<104xi32, #tpu.memory_space<vmem>>) semaphore(%arg21 : memref<!tpu.dma_semaphore, #tpu.memory_space<semaphore_mem>>)
    %dma_start3A_45 = arith.constant 704 : i32
    %dma_start3A_46 = tpu.memref_slice %arg5[%dma_start3A_45] : memref<25600xi32, #tpu.memory_space<vmem>> -> memref<96xi32, #tpu.memory_space<vmem>>
    %dma_start3A_47 = arith.constant 0 : i32
    %dma_start3A_48 = arith.constant 0 : i32
    %dma_start3A_49 = tpu.memref_slice %arg3[%dma_start3A_47, %dma_start3A_48] : memref<2000000x64xf32, #tpu.memory_space<hbm>> -> memref<2000000x64xf32, #tpu.memory_space<hbm>>
    tpu.enqueue_indirect_dma source(%dma_start3A_49 : memref<2000000x64xf32, #tpu.memory_space<hbm>>) target(%arg13 : memref<96x64xf32, #tpu.memory_space<vmem>>) offsets(%dma_start3A_46 : memref<96xi32, #tpu.memory_space<vmem>>) semaphore(%arg22 : memref<!tpu.dma_semaphore, #tpu.memory_space<semaphore_mem>>)
    %scan3A_50 = arith.constant 0 : i32
    %scan3A_51 = arith.constant 0 : i32
    %scan3A_52 = arith.constant 32 : i32
    %scan3A_53 = arith.addi %scan3A_51, %scan3A_52 : i32
    %scan3A_54 = arith.constant 1 : i32
    %scan3A_55 = scf.for %scan3A_57 = %scan3A_51 to %scan3A_53 step %scan3A_54 iter_args(%scan3A_58 = %scan3A_50) -> (i32)  : i32 {
      %lt3A = arith.constant 31 : i32
      %lt3A_59 = arith.cmpi slt, %scan3A_57, %lt3A : i32
      %mul3A_60 = arith.constant 4 : i32
      %mul3A_61 = arith.muli %mul3A_60, %scan3A_57 : i32
      %dma_wait3A = arith.constant 0 : i32
      %dma_wait3A_62 = tpu.memref_slice %arg5[%dma_wait3A] : memref<25600xi32, #tpu.memory_space<vmem>> -> memref<104xi32, #tpu.memory_space<vmem>>
      %dma_wait3A_63 = arith.constant 0 : i32
      %dma_wait3A_64 = arith.constant 0 : i32
      %dma_wait3A_65 = tpu.memref_slice %arg3[%dma_wait3A_63, %dma_wait3A_64] : memref<2000000x64xf32, #tpu.memory_space<hbm>> -> memref<2000000x64xf32, #tpu.memory_space<hbm>>
      tpu.wait_indirect_dma semaphore(%arg15 : memref<!tpu.dma_semaphore, #tpu.memory_space<semaphore_mem>>) src(%dma_wait3A_65 : memref<2000000x64xf32, #tpu.memory_space<hbm>>) dst(%arg6 : memref<104x64xf32, #tpu.memory_space<vmem>>)
      %get3A = arith.constant 0 : i32
      %get3A_66 = arith.index_cast %get3A : i32 to index
      %get3A_67 = arith.constant 0 : index
      %get3A_68 = tpu.vector_load %arg6[%get3A_66, %get3A_67] {strides = array<i32>} : memref<104x64xf32, #tpu.memory_space<vmem>>, vector<1x16xf32>,
      %get3A_69 = vector.shape_cast %get3A_68 : vector<1x16xf32> to vector<16xf32>
      %get3A_70 = arith.constant 0 : i32
      %get3A_71 = arith.index_cast %get3A_70 : i32 to index
      %get3A_72 = arith.constant 16 : index
      %get3A_73 = tpu.vector_load %arg6[%get3A_71, %get3A_72] {strides = array<i32>} : memref<104x64xf32, #tpu.memory_space<vmem>>, vector<1x16xf32>,
      %get3A_74 = vector.shape_cast %get3A_73 : vector<1x16xf32> to vector<16xf32>
      %get3A_75 = arith.constant 0 : i32
      %get3A_76 = arith.index_cast %get3A_75 : i32 to index
      %get3A_77 = arith.constant 32 : index
      %get3A_78 = tpu.vector_load %arg6[%get3A_76, %get3A_77] {strides = array<i32>} : memref<104x64xf32, #tpu.memory_space<vmem>>, vector<1x16xf32>,
      %get3A_79 = vector.shape_cast %get3A_78 : vector<1x16xf32> to vector<16xf32>
      %get3A_80 = arith.constant 0 : i32
      %get3A_81 = arith.index_cast %get3A_80 : i32 to index
      %get3A_82 = arith.constant 48 : index
      %get3A_83 = tpu.vector_load %arg6[%get3A_81, %get3A_82] {strides = array<i32>} : memref<104x64xf32, #tpu.memory_space<vmem>>, vector<1x16xf32>,
      %get3A_84 = vector.shape_cast %get3A_83 : vector<1x16xf32> to vector<16xf32>
      %scan3A_85 = arith.constant 1 : i32
      %scan3A_86 = arith.constant 96 : i32
      %scan3A_87 = arith.addi %scan3A_85, %scan3A_86 : i32
      %scan3A_88 = arith.constant 8 : i32
      %scan3A_89:4 = scf.for %scan3A_1006 = %scan3A_85 to %scan3A_87 step %scan3A_88 iter_args(%scan3A_1007 = %get3A_69, %scan3A_1008 = %get3A_74, %scan3A_1009 = %get3A_79, %scan3A_1010 = %get3A_84) -> (vector<16xf32>, vector<16xf32>, vector<16xf32>, vector<16xf32>)  : i32 {
        %get3A_1011 = arith.index_cast %scan3A_1006 : i32 to index
        %get3A_1012 = arith.constant 0 : index
        %get3A_1013 = tpu.vector_load %arg6[%get3A_1011, %get3A_1012] {strides = array<i32>} : memref<104x64xf32, #tpu.memory_space<vmem>>, vector<1x16xf32>,
        %get3A_1014 = vector.shape_cast %get3A_1013 : vector<1x16xf32> to vector<16xf32>
        %add3A_1015 = arith.addf %scan3A_1007, %get3A_1014 : vector<16xf32>
        %get3A_1016 = arith.index_cast %scan3A_1006 : i32 to index
        %get3A_1017 = arith.constant 16 : index
        %get3A_1018 = tpu.vector_load %arg6[%get3A_1016, %get3A_1017] {strides = array<i32>} : memref<104x64xf32, #tpu.memory_space<vmem>>, vector<1x16xf32>,
        %get3A_1019 = vector.shape_cast %get3A_1018 : vector<1x16xf32> to vector<16xf32>
        %add3A_1020 = arith.addf %scan3A_1008, %get3A_1019 : vector<16xf32>
        %get3A_1021 = arith.index_cast %scan3A_1006 : i32 to index
        %get3A_1022 = arith.constant 32 : index
        %get3A_1023 = tpu.vector_load %arg6[%get3A_1021, %get3A_1022] {strides = array<i32>} : memref<104x64xf32, #tpu.memory_space<vmem>>, vector<1x16xf32>,
        %get3A_1024 = vector.shape_cast %get3A_1023 : vector<1x16xf32> to vector<16xf32>
        %add3A_1025 = arith.addf %scan3A_1009, %get3A_1024 : vector<16xf32>
        %get3A_1026 = arith.index_cast %scan3A_1006 : i32 to index
        %get3A_1027 = arith.constant 48 : index
        %get3A_1028 = tpu.vector_load %arg6[%get3A_1026, %get3A_1027] {strides = array<i32>} : memref<104x64xf32, #tpu.memory_space<vmem>>, vector<1x16xf32>,
        %get3A_1029 = vector.shape_cast %get3A_1028 : vector<1x16xf32> to vector<16xf32>
        %add3A_1030 = arith.addf %scan3A_1010, %get3A_1029 : vector<16xf32>
        %scan3A_1031 = arith.constant 1 : i32
        %scan3A_1032 = arith.addi %scan3A_1006, %scan3A_1031 : i32
        %get3A_1033 = arith.index_cast %scan3A_1032 : i32 to index
        %get3A_1034 = arith.constant 0 : index
        %get3A_1035 = tpu.vector_load %arg6[%get3A_1033, %get3A_1034] {strides = array<i32>} : memref<104x64xf32, #tpu.memory_space<vmem>>, vector<1x16xf32>,
        %get3A_1036 = vector.shape_cast %get3A_1035 : vector<1x16xf32> to vector<16xf32>
        %add3A_1037 = arith.addf %add3A_1015, %get3A_1036 : vector<16xf32>
        %get3A_1038 = arith.index_cast %scan3A_1032 : i32 to index
        %get3A_1039 = arith.constant 16 : index
        %get3A_1040 = tpu.vector_load %arg6[%get3A_1038, %get3A_1039] {strides = array<i32>} : memref<104x64xf32, #tpu.memory_space<vmem>>, vector<1x16xf32>,
        %get3A_1041 = vector.shape_cast %get3A_1040 : vector<1x16xf32> to vector<16xf32>
        %add3A_1042 = arith.addf %add3A_1020, %get3A_1041 : vector<16xf32>
        %get3A_1043 = arith.index_cast %scan3A_1032 : i32 to index
        %get3A_1044 = arith.constant 32 : index
        %get3A_1045 = tpu.vector_load %arg6[%get3A_1043, %get3A_1044] {strides = array<i32>} : memref<104x64xf32, #tpu.memory_space<vmem>>, vector<1x16xf32>,
        %get3A_1046 = vector.shape_cast %get3A_1045 : vector<1x16xf32> to vector<16xf32>
        %add3A_1047 = arith.addf %add3A_1025, %get3A_1046 : vector<16xf32>
        %get3A_1048 = arith.index_cast %scan3A_1032 : i32 to index
        %get3A_1049 = arith.constant 48 : index
        %get3A_1050 = tpu.vector_load %arg6[%get3A_1048, %get3A_1049] {strides = array<i32>} : memref<104x64xf32, #tpu.memory_space<vmem>>, vector<1x16xf32>,
        %get3A_1051 = vector.shape_cast %get3A_1050 : vector<1x16xf32> to vector<16xf32>
        %add3A_1052 = arith.addf %add3A_1030, %get3A_1051 : vector<16xf32>
        %scan3A_1053 = arith.constant 2 : i32
        %scan3A_1054 = arith.addi %scan3A_1006, %scan3A_1053 : i32
        %get3A_1055 = arith.index_cast %scan3A_1054 : i32 to index
        %get3A_1056 = arith.constant 0 : index
        %get3A_1057 = tpu.vector_load %arg6[%get3A_1055, %get3A_1056] {strides = array<i32>} : memref<104x64xf32, #tpu.memory_space<vmem>>, vector<1x16xf32>,
        %get3A_1058 = vector.shape_cast %get3A_1057 : vector<1x16xf32> to vector<16xf32>
        %add3A_1059 = arith.addf %add3A_1037, %get3A_1058 : vector<16xf32>
        %get3A_1060 = arith.index_cast %scan3A_1054 : i32 to index
        %get3A_1061 = arith.constant 16 : index
        %get3A_1062 = tpu.vector_load %arg6[%get3A_1060, %get3A_1061] {strides = array<i32>} : memref<104x64xf32, #tpu.memory_space<vmem>>, vector<1x16xf32>,
        %get3A_1063 = vector.shape_cast %get3A_1062 : vector<1x16xf32> to vector<16xf32>
        %add3A_1064 = arith.addf %add3A_1042, %get3A_1063 : vector<16xf32>
        %get3A_1065 = arith.index_cast %scan3A_1054 : i32 to index
        %get3A_1066 = arith.constant 32 : index
        %get3A_1067 = tpu.vector_load %arg6[%get3A_1065, %get3A_1066] {strides = array<i32>} : memref<104x64xf32, #tpu.memory_space<vmem>>, vector<1x16xf32>,
        %get3A_1068 = vector.shape_cast %get3A_1067 : vector<1x16xf32> to vector<16xf32>
        %add3A_1069 = arith.addf %add3A_1047, %get3A_1068 : vector<16xf32>
        %get3A_1070 = arith.index_cast %scan3A_1054 : i32 to index
        %get3A_1071 = arith.constant 48 : index
        %get3A_1072 = tpu.vector_load %arg6[%get3A_1070, %get3A_1071] {strides = array<i32>} : memref<104x64xf32, #tpu.memory_space<vmem>>, vector<1x16xf32>,
        %get3A_1073 = vector.shape_cast %get3A_1072 : vector<1x16xf32> to vector<16xf32>
        %add3A_1074 = arith.addf %add3A_1052, %get3A_1073 : vector<16xf32>
        %scan3A_1075 = arith.constant 3 : i32
        %scan3A_1076 = arith.addi %scan3A_1006, %scan3A_1075 : i32
        %get3A_1077 = arith.index_cast %scan3A_1076 : i32 to index
        %get3A_1078 = arith.constant 0 : index
        %get3A_1079 = tpu.vector_load %arg6[%get3A_1077, %get3A_1078] {strides = array<i32>} : memref<104x64xf32, #tpu.memory_space<vmem>>, vector<1x16xf32>,
        %get3A_1080 = vector.shape_cast %get3A_1079 : vector<1x16xf32> to vector<16xf32>
        %add3A_1081 = arith.addf %add3A_1059, %get3A_1080 : vector<16xf32>
        %get3A_1082 = arith.index_cast %scan3A_1076 : i32 to index
        %get3A_1083 = arith.constant 16 : index
        %get3A_1084 = tpu.vector_load %arg6[%get3A_1082, %get3A_1083] {strides = array<i32>} : memref<104x64xf32, #tpu.memory_space<vmem>>, vector<1x16xf32>,
        %get3A_1085 = vector.shape_cast %get3A_1084 : vector<1x16xf32> to vector<16xf32>
        %add3A_1086 = arith.addf %add3A_1064, %get3A_1085 : vector<16xf32>
        %get3A_1087 = arith.index_cast %scan3A_1076 : i32 to index
        %get3A_1088 = arith.constant 32 : index
        %get3A_1089 = tpu.vector_load %arg6[%get3A_1087, %get3A_1088] {strides = array<i32>} : memref<104x64xf32, #tpu.memory_space<vmem>>, vector<1x16xf32>,
        %get3A_1090 = vector.shape_cast %get3A_1089 : vector<1x16xf32> to vector<16xf32>
        %add3A_1091 = arith.addf %add3A_1069, %get3A_1090 : vector<16xf32>
        %get3A_1092 = arith.index_cast %scan3A_1076 : i32 to index
        %get3A_1093 = arith.constant 48 : index
        %get3A_1094 = tpu.vector_load %arg6[%get3A_1092, %get3A_1093] {strides = array<i32>} : memref<104x64xf32, #tpu.memory_space<vmem>>, vector<1x16xf32>,
        %get3A_1095 = vector.shape_cast %get3A_1094 : vector<1x16xf32> to vector<16xf32>
        %add3A_1096 = arith.addf %add3A_1074, %get3A_1095 : vector<16xf32>
        %scan3A_1097 = arith.constant 4 : i32
        %scan3A_1098 = arith.addi %scan3A_1006, %scan3A_1097 : i32
        %get3A_1099 = arith.index_cast %scan3A_1098 : i32 to index
        %get3A_1100 = arith.constant 0 : index
        %get3A_1101 = tpu.vector_load %arg6[%get3A_1099, %get3A_1100] {strides = array<i32>} : memref<104x64xf32, #tpu.memory_space<vmem>>, vector<1x16xf32>,
        %get3A_1102 = vector.shape_cast %get3A_1101 : vector<1x16xf32> to vector<16xf32>
        %add3A_1103 = arith.addf %add3A_1081, %get3A_1102 : vector<16xf32>
        %get3A_1104 = arith.index_cast %scan3A_1098 : i32 to index
        %get3A_1105 = arith.constant 16 : index
        %get3A_1106 = tpu.vector_load %arg6[%get3A_1104, %get3A_1105] {strides = array<i32>} : memref<104x64xf32, #tpu.memory_space<vmem>>, vector<1x16xf32>,
        %get3A_1107 = vector.shape_cast %get3A_1106 : vector<1x16xf32> to vector<16xf32>
        %add3A_1108 = arith.addf %add3A_1086, %get3A_1107 : vector<16xf32>
        %get3A_1109 = arith.index_cast %scan3A_1098 : i32 to index
        %get3A_1110 = arith.constant 32 : index
        %get3A_1111 = tpu.vector_load %arg6[%get3A_1109, %get3A_1110] {strides = array<i32>} : memref<104x64xf32, #tpu.memory_space<vmem>>, vector<1x16xf32>,
        %get3A_1112 = vector.shape_cast %get3A_1111 : vector<1x16xf32> to vector<16xf32>
        %add3A_1113 = arith.addf %add3A_1091, %get3A_1112 : vector<16xf32>
        %get3A_1114 = arith.index_cast %scan3A_1098 : i32 to index
        %get3A_1115 = arith.constant 48 : index
        %get3A_1116 = tpu.vector_load %arg6[%get3A_1114, %get3A_1115] {strides = array<i32>} : memref<104x64xf32, #tpu.memory_space<vmem>>, vector<1x16xf32>,
        %get3A_1117 = vector.shape_cast %get3A_1116 : vector<1x16xf32> to vector<16xf32>
        %add3A_1118 = arith.addf %add3A_1096, %get3A_1117 : vector<16xf32>
        %scan3A_1119 = arith.constant 5 : i32
        %scan3A_1120 = arith.addi %scan3A_1006, %scan3A_1119 : i32
        %get3A_1121 = arith.index_cast %scan3A_1120 : i32 to index
        %get3A_1122 = arith.constant 0 : index
        %get3A_1123 = tpu.vector_load %arg6[%get3A_1121, %get3A_1122] {strides = array<i32>} : memref<104x64xf32, #tpu.memory_space<vmem>>, vector<1x16xf32>,
        %get3A_1124 = vector.shape_cast %get3A_1123 : vector<1x16xf32> to vector<16xf32>
        %add3A_1125 = arith.addf %add3A_1103, %get3A_1124 : vector<16xf32>
        %get3A_1126 = arith.index_cast %scan3A_1120 : i32 to index
        %get3A_1127 = arith.constant 16 : index
        %get3A_1128 = tpu.vector_load %arg6[%get3A_1126, %get3A_1127] {strides = array<i32>} : memref<104x64xf32, #tpu.memory_space<vmem>>, vector<1x16xf32>,
        %get3A_1129 = vector.shape_cast %get3A_1128 : vector<1x16xf32> to vector<16xf32>
        %add3A_1130 = arith.addf %add3A_1108, %get3A_1129 : vector<16xf32>
        %get3A_1131 = arith.index_cast %scan3A_1120 : i32 to index
        %get3A_1132 = arith.constant 32 : index
        %get3A_1133 = tpu.vector_load %arg6[%get3A_1131, %get3A_1132] {strides = array<i32>} : memref<104x64xf32, #tpu.memory_space<vmem>>, vector<1x16xf32>,
        %get3A_1134 = vector.shape_cast %get3A_1133 : vector<1x16xf32> to vector<16xf32>
        %add3A_1135 = arith.addf %add3A_1113, %get3A_1134 : vector<16xf32>
        %get3A_1136 = arith.index_cast %scan3A_1120 : i32 to index
        %get3A_1137 = arith.constant 48 : index
        %get3A_1138 = tpu.vector_load %arg6[%get3A_1136, %get3A_1137] {strides = array<i32>} : memref<104x64xf32, #tpu.memory_space<vmem>>, vector<1x16xf32>,
        %get3A_1139 = vector.shape_cast %get3A_1138 : vector<1x16xf32> to vector<16xf32>
        %add3A_1140 = arith.addf %add3A_1118, %get3A_1139 : vector<16xf32>
        %scan3A_1141 = arith.constant 6 : i32
        %scan3A_1142 = arith.addi %scan3A_1006, %scan3A_1141 : i32
        %get3A_1143 = arith.index_cast %scan3A_1142 : i32 to index
        %get3A_1144 = arith.constant 0 : index
        %get3A_1145 = tpu.vector_load %arg6[%get3A_1143, %get3A_1144] {strides = array<i32>} : memref<104x64xf32, #tpu.memory_space<vmem>>, vector<1x16xf32>,
        %get3A_1146 = vector.shape_cast %get3A_1145 : vector<1x16xf32> to vector<16xf32>
        %add3A_1147 = arith.addf %add3A_1125, %get3A_1146 : vector<16xf32>
        %get3A_1148 = arith.index_cast %scan3A_1142 : i32 to index
        %get3A_1149 = arith.constant 16 : index
        %get3A_1150 = tpu.vector_load %arg6[%get3A_1148, %get3A_1149] {strides = array<i32>} : memref<104x64xf32, #tpu.memory_space<vmem>>, vector<1x16xf32>,
        %get3A_1151 = vector.shape_cast %get3A_1150 : vector<1x16xf32> to vector<16xf32>
        %add3A_1152 = arith.addf %add3A_1130, %get3A_1151 : vector<16xf32>
        %get3A_1153 = arith.index_cast %scan3A_1142 : i32 to index
        %get3A_1154 = arith.constant 32 : index
        %get3A_1155 = tpu.vector_load %arg6[%get3A_1153, %get3A_1154] {strides = array<i32>} : memref<104x64xf32, #tpu.memory_space<vmem>>, vector<1x16xf32>,
        %get3A_1156 = vector.shape_cast %get3A_1155 : vector<1x16xf32> to vector<16xf32>
        %add3A_1157 = arith.addf %add3A_1135, %get3A_1156 : vector<16xf32>
        %get3A_1158 = arith.index_cast %scan3A_1142 : i32 to index
        %get3A_1159 = arith.constant 48 : index
        %get3A_1160 = tpu.vector_load %arg6[%get3A_1158, %get3A_1159] {strides = array<i32>} : memref<104x64xf32, #tpu.memory_space<vmem>>, vector<1x16xf32>,
        %get3A_1161 = vector.shape_cast %get3A_1160 : vector<1x16xf32> to vector<16xf32>
        %add3A_1162 = arith.addf %add3A_1140, %get3A_1161 : vector<16xf32>
        %scan3A_1163 = arith.constant 7 : i32
        %scan3A_1164 = arith.addi %scan3A_1006, %scan3A_1163 : i32
        %get3A_1165 = arith.index_cast %scan3A_1164 : i32 to index
        %get3A_1166 = arith.constant 0 : index
        %get3A_1167 = tpu.vector_load %arg6[%get3A_1165, %get3A_1166] {strides = array<i32>} : memref<104x64xf32, #tpu.memory_space<vmem>>, vector<1x16xf32>,
        %get3A_1168 = vector.shape_cast %get3A_1167 : vector<1x16xf32> to vector<16xf32>
        %add3A_1169 = arith.addf %add3A_1147, %get3A_1168 : vector<16xf32>
        %get3A_1170 = arith.index_cast %scan3A_1164 : i32 to index
        %get3A_1171 = arith.constant 16 : index
        %get3A_1172 = tpu.vector_load %arg6[%get3A_1170, %get3A_1171] {strides = array<i32>} : memref<104x64xf32, #tpu.memory_space<vmem>>, vector<1x16xf32>,
        %get3A_1173 = vector.shape_cast %get3A_1172 : vector<1x16xf32> to vector<16xf32>
        %add3A_1174 = arith.addf %add3A_1152, %get3A_1173 : vector<16xf32>
        %get3A_1175 = arith.index_cast %scan3A_1164 : i32 to index
        %get3A_1176 = arith.constant 32 : index
        %get3A_1177 = tpu.vector_load %arg6[%get3A_1175, %get3A_1176] {strides = array<i32>} : memref<104x64xf32, #tpu.memory_space<vmem>>, vector<1x16xf32>,
        %get3A_1178 = vector.shape_cast %get3A_1177 : vector<1x16xf32> to vector<16xf32>
        %add3A_1179 = arith.addf %add3A_1157, %get3A_1178 : vector<16xf32>
        %get3A_1180 = arith.index_cast %scan3A_1164 : i32 to index
        %get3A_1181 = arith.constant 48 : index
        %get3A_1182 = tpu.vector_load %arg6[%get3A_1180, %get3A_1181] {strides = array<i32>} : memref<104x64xf32, #tpu.memory_space<vmem>>, vector<1x16xf32>,
        %get3A_1183 = vector.shape_cast %get3A_1182 : vector<1x16xf32> to vector<16xf32>
        %add3A_1184 = arith.addf %add3A_1162, %get3A_1183 : vector<16xf32>
        scf.yield %add3A_1169, %add3A_1174, %add3A_1179, %add3A_1184 : vector<16xf32>, vector<16xf32>, vector<16xf32>, vector<16xf32>
      }
      %scan3A_90 = arith.constant 96 : i32
      %scan3A_91 = arith.addi %scan3A_85, %scan3A_90 : i32
      %get3A_92 = arith.index_cast %scan3A_91 : i32 to index
      %get3A_93 = arith.constant 0 : index
      %get3A_94 = tpu.vector_load %arg6[%get3A_92, %get3A_93] {strides = array<i32>} : memref<104x64xf32, #tpu.memory_space<vmem>>, vector<1x16xf32>,
      %get3A_95 = vector.shape_cast %get3A_94 : vector<1x16xf32> to vector<16xf32>
      %add3A_96 = arith.addf %scan3A_89#0, %get3A_95 : vector<16xf32>
      %get3A_97 = arith.index_cast %scan3A_91 : i32 to index
      %get3A_98 = arith.constant 16 : index
      %get3A_99 = tpu.vector_load %arg6[%get3A_97, %get3A_98] {strides = array<i32>} : memref<104x64xf32, #tpu.memory_space<vmem>>, vector<1x16xf32>,
      %get3A_100 = vector.shape_cast %get3A_99 : vector<1x16xf32> to vector<16xf32>
      %add3A_101 = arith.addf %scan3A_89#1, %get3A_100 : vector<16xf32>
      %get3A_102 = arith.index_cast %scan3A_91 : i32 to index
      %get3A_103 = arith.constant 32 : index
      %get3A_104 = tpu.vector_load %arg6[%get3A_102, %get3A_103] {strides = array<i32>} : memref<104x64xf32, #tpu.memory_space<vmem>>, vector<1x16xf32>,
      %get3A_105 = vector.shape_cast %get3A_104 : vector<1x16xf32> to vector<16xf32>
      %add3A_106 = arith.addf %scan3A_89#2, %get3A_105 : vector<16xf32>
      %get3A_107 = arith.index_cast %scan3A_91 : i32 to index
      %get3A_108 = arith.constant 48 : index
      %get3A_109 = tpu.vector_load %arg6[%get3A_107, %get3A_108] {strides = array<i32>} : memref<104x64xf32, #tpu.memory_space<vmem>>, vector<1x16xf32>,
      %get3A_110 = vector.shape_cast %get3A_109 : vector<1x16xf32> to vector<16xf32>
      %add3A_111 = arith.addf %scan3A_89#3, %get3A_110 : vector<16xf32>
      %scan3A_112 = arith.constant 97 : i32
      %scan3A_113 = arith.addi %scan3A_85, %scan3A_112 : i32
      %get3A_114 = arith.index_cast %scan3A_113 : i32 to index
      %get3A_115 = arith.constant 0 : index
      %get3A_116 = tpu.vector_load %arg6[%get3A_114, %get3A_115] {strides = array<i32>} : memref<104x64xf32, #tpu.memory_space<vmem>>, vector<1x16xf32>,
      %get3A_117 = vector.shape_cast %get3A_116 : vector<1x16xf32> to vector<16xf32>
      %add3A_118 = arith.addf %add3A_96, %get3A_117 : vector<16xf32>
      %get3A_119 = arith.index_cast %scan3A_113 : i32 to index
      %get3A_120 = arith.constant 16 : index
      %get3A_121 = tpu.vector_load %arg6[%get3A_119, %get3A_120] {strides = array<i32>} : memref<104x64xf32, #tpu.memory_space<vmem>>, vector<1x16xf32>,
      %get3A_122 = vector.shape_cast %get3A_121 : vector<1x16xf32> to vector<16xf32>
      %add3A_123 = arith.addf %add3A_101, %get3A_122 : vector<16xf32>
      %get3A_124 = arith.index_cast %scan3A_113 : i32 to index
      %get3A_125 = arith.constant 32 : index
      %get3A_126 = tpu.vector_load %arg6[%get3A_124, %get3A_125] {strides = array<i32>} : memref<104x64xf32, #tpu.memory_space<vmem>>, vector<1x16xf32>,
      %get3A_127 = vector.shape_cast %get3A_126 : vector<1x16xf32> to vector<16xf32>
      %add3A_128 = arith.addf %add3A_106, %get3A_127 : vector<16xf32>
      %get3A_129 = arith.index_cast %scan3A_113 : i32 to index
      %get3A_130 = arith.constant 48 : index
      %get3A_131 = tpu.vector_load %arg6[%get3A_129, %get3A_130] {strides = array<i32>} : memref<104x64xf32, #tpu.memory_space<vmem>>, vector<1x16xf32>,
      %get3A_132 = vector.shape_cast %get3A_131 : vector<1x16xf32> to vector<16xf32>
      %add3A_133 = arith.addf %add3A_111, %get3A_132 : vector<16xf32>
      %scan3A_134 = arith.constant 98 : i32
      %scan3A_135 = arith.addi %scan3A_85, %scan3A_134 : i32
      %get3A_136 = arith.index_cast %scan3A_135 : i32 to index
      %get3A_137 = arith.constant 0 : index
      %get3A_138 = tpu.vector_load %arg6[%get3A_136, %get3A_137] {strides = array<i32>} : memref<104x64xf32, #tpu.memory_space<vmem>>, vector<1x16xf32>,
      %get3A_139 = vector.shape_cast %get3A_138 : vector<1x16xf32> to vector<16xf32>
      %add3A_140 = arith.addf %add3A_118, %get3A_139 : vector<16xf32>
      %get3A_141 = arith.index_cast %scan3A_135 : i32 to index
      %get3A_142 = arith.constant 16 : index
      %get3A_143 = tpu.vector_load %arg6[%get3A_141, %get3A_142] {strides = array<i32>} : memref<104x64xf32, #tpu.memory_space<vmem>>, vector<1x16xf32>,
      %get3A_144 = vector.shape_cast %get3A_143 : vector<1x16xf32> to vector<16xf32>
      %add3A_145 = arith.addf %add3A_123, %get3A_144 : vector<16xf32>
      %get3A_146 = arith.index_cast %scan3A_135 : i32 to index
      %get3A_147 = arith.constant 32 : index
      %get3A_148 = tpu.vector_load %arg6[%get3A_146, %get3A_147] {strides = array<i32>} : memref<104x64xf32, #tpu.memory_space<vmem>>, vector<1x16xf32>,
      %get3A_149 = vector.shape_cast %get3A_148 : vector<1x16xf32> to vector<16xf32>
      %add3A_150 = arith.addf %add3A_128, %get3A_149 : vector<16xf32>
      %get3A_151 = arith.index_cast %scan3A_135 : i32 to index
      %get3A_152 = arith.constant 48 : index
      %get3A_153 = tpu.vector_load %arg6[%get3A_151, %get3A_152] {strides = array<i32>} : memref<104x64xf32, #tpu.memory_space<vmem>>, vector<1x16xf32>,
      %get3A_154 = vector.shape_cast %get3A_153 : vector<1x16xf32> to vector<16xf32>
      %add3A_155 = arith.addf %add3A_133, %get3A_154 : vector<16xf32>
      %scan3A_156 = arith.constant 99 : i32
      %scan3A_157 = arith.addi %scan3A_85, %scan3A_156 : i32
      %get3A_158 = arith.index_cast %scan3A_157 : i32 to index
      %get3A_159 = arith.constant 0 : index
      %get3A_160 = tpu.vector_load %arg6[%get3A_158, %get3A_159] {strides = array<i32>} : memref<104x64xf32, #tpu.memory_space<vmem>>, vector<1x16xf32>,
      %get3A_161 = vector.shape_cast %get3A_160 : vector<1x16xf32> to vector<16xf32>
      %add3A_162 = arith.addf %add3A_140, %get3A_161 : vector<16xf32>
      %get3A_163 = arith.index_cast %scan3A_157 : i32 to index
      %get3A_164 = arith.constant 16 : index
      %get3A_165 = tpu.vector_load %arg6[%get3A_163, %get3A_164] {strides = array<i32>} : memref<104x64xf32, #tpu.memory_space<vmem>>, vector<1x16xf32>,
      %get3A_166 = vector.shape_cast %get3A_165 : vector<1x16xf32> to vector<16xf32>
      %add3A_167 = arith.addf %add3A_145, %get3A_166 : vector<16xf32>
      %get3A_168 = arith.index_cast %scan3A_157 : i32 to index
      %get3A_169 = arith.constant 32 : index
      %get3A_170 = tpu.vector_load %arg6[%get3A_168, %get3A_169] {strides = array<i32>} : memref<104x64xf32, #tpu.memory_space<vmem>>, vector<1x16xf32>,
      %get3A_171 = vector.shape_cast %get3A_170 : vector<1x16xf32> to vector<16xf32>
      %add3A_172 = arith.addf %add3A_150, %get3A_171 : vector<16xf32>
      %get3A_173 = arith.index_cast %scan3A_157 : i32 to index
      %get3A_174 = arith.constant 48 : index
      %get3A_175 = tpu.vector_load %arg6[%get3A_173, %get3A_174] {strides = array<i32>} : memref<104x64xf32, #tpu.memory_space<vmem>>, vector<1x16xf32>,
      %get3A_176 = vector.shape_cast %get3A_175 : vector<1x16xf32> to vector<16xf32>
      %add3A_177 = arith.addf %add3A_155, %get3A_176 : vector<16xf32>
      %scan3A_178 = arith.constant 100 : i32
      %scan3A_179 = arith.addi %scan3A_85, %scan3A_178 : i32
      %get3A_180 = arith.index_cast %scan3A_179 : i32 to index
      %get3A_181 = arith.constant 0 : index
      %get3A_182 = tpu.vector_load %arg6[%get3A_180, %get3A_181] {strides = array<i32>} : memref<104x64xf32, #tpu.memory_space<vmem>>, vector<1x16xf32>,
      %get3A_183 = vector.shape_cast %get3A_182 : vector<1x16xf32> to vector<16xf32>
      %add3A_184 = arith.addf %add3A_162, %get3A_183 : vector<16xf32>
      %get3A_185 = arith.index_cast %scan3A_179 : i32 to index
      %get3A_186 = arith.constant 16 : index
      %get3A_187 = tpu.vector_load %arg6[%get3A_185, %get3A_186] {strides = array<i32>} : memref<104x64xf32, #tpu.memory_space<vmem>>, vector<1x16xf32>,
      %get3A_188 = vector.shape_cast %get3A_187 : vector<1x16xf32> to vector<16xf32>
      %add3A_189 = arith.addf %add3A_167, %get3A_188 : vector<16xf32>
      %get3A_190 = arith.index_cast %scan3A_179 : i32 to index
      %get3A_191 = arith.constant 32 : index
      %get3A_192 = tpu.vector_load %arg6[%get3A_190, %get3A_191] {strides = array<i32>} : memref<104x64xf32, #tpu.memory_space<vmem>>, vector<1x16xf32>,
      %get3A_193 = vector.shape_cast %get3A_192 : vector<1x16xf32> to vector<16xf32>
      %add3A_194 = arith.addf %add3A_172, %get3A_193 : vector<16xf32>
      %get3A_195 = arith.index_cast %scan3A_179 : i32 to index
      %get3A_196 = arith.constant 48 : index
      %get3A_197 = tpu.vector_load %arg6[%get3A_195, %get3A_196] {strides = array<i32>} : memref<104x64xf32, #tpu.memory_space<vmem>>, vector<1x16xf32>,
      %get3A_198 = vector.shape_cast %get3A_197 : vector<1x16xf32> to vector<16xf32>
      %add3A_199 = arith.addf %add3A_177, %get3A_198 : vector<16xf32>
      %scan3A_200 = arith.constant 101 : i32
      %scan3A_201 = arith.addi %scan3A_85, %scan3A_200 : i32
      %get3A_202 = arith.index_cast %scan3A_201 : i32 to index
      %get3A_203 = arith.constant 0 : index
      %get3A_204 = tpu.vector_load %arg6[%get3A_202, %get3A_203] {strides = array<i32>} : memref<104x64xf32, #tpu.memory_space<vmem>>, vector<1x16xf32>,
      %get3A_205 = vector.shape_cast %get3A_204 : vector<1x16xf32> to vector<16xf32>
      %add3A_206 = arith.addf %add3A_184, %get3A_205 : vector<16xf32>
      %get3A_207 = arith.index_cast %scan3A_201 : i32 to index
      %get3A_208 = arith.constant 16 : index
      %get3A_209 = tpu.vector_load %arg6[%get3A_207, %get3A_208] {strides = array<i32>} : memref<104x64xf32, #tpu.memory_space<vmem>>, vector<1x16xf32>,
      %get3A_210 = vector.shape_cast %get3A_209 : vector<1x16xf32> to vector<16xf32>
      %add3A_211 = arith.addf %add3A_189, %get3A_210 : vector<16xf32>
      %get3A_212 = arith.index_cast %scan3A_201 : i32 to index
      %get3A_213 = arith.constant 32 : index
      %get3A_214 = tpu.vector_load %arg6[%get3A_212, %get3A_213] {strides = array<i32>} : memref<104x64xf32, #tpu.memory_space<vmem>>, vector<1x16xf32>,
      %get3A_215 = vector.shape_cast %get3A_214 : vector<1x16xf32> to vector<16xf32>
      %add3A_216 = arith.addf %add3A_194, %get3A_215 : vector<16xf32>
      %get3A_217 = arith.index_cast %scan3A_201 : i32 to index
      %get3A_218 = arith.constant 48 : index
      %get3A_219 = tpu.vector_load %arg6[%get3A_217, %get3A_218] {strides = array<i32>} : memref<104x64xf32, #tpu.memory_space<vmem>>, vector<1x16xf32>,
      %get3A_220 = vector.shape_cast %get3A_219 : vector<1x16xf32> to vector<16xf32>
      %add3A_221 = arith.addf %add3A_199, %get3A_220 : vector<16xf32>
      %scan3A_222 = arith.constant 102 : i32
      %scan3A_223 = arith.addi %scan3A_85, %scan3A_222 : i32
      %get3A_224 = arith.index_cast %scan3A_223 : i32 to index
      %get3A_225 = arith.constant 0 : index
      %get3A_226 = tpu.vector_load %arg6[%get3A_224, %get3A_225] {strides = array<i32>} : memref<104x64xf32, #tpu.memory_space<vmem>>, vector<1x16xf32>,
      %get3A_227 = vector.shape_cast %get3A_226 : vector<1x16xf32> to vector<16xf32>
      %add3A_228 = arith.addf %add3A_206, %get3A_227 : vector<16xf32>
      %get3A_229 = arith.index_cast %scan3A_223 : i32 to index
      %get3A_230 = arith.constant 16 : index
      %get3A_231 = tpu.vector_load %arg6[%get3A_229, %get3A_230] {strides = array<i32>} : memref<104x64xf32, #tpu.memory_space<vmem>>, vector<1x16xf32>,
      %get3A_232 = vector.shape_cast %get3A_231 : vector<1x16xf32> to vector<16xf32>
      %add3A_233 = arith.addf %add3A_211, %get3A_232 : vector<16xf32>
      %get3A_234 = arith.index_cast %scan3A_223 : i32 to index
      %get3A_235 = arith.constant 32 : index
      %get3A_236 = tpu.vector_load %arg6[%get3A_234, %get3A_235] {strides = array<i32>} : memref<104x64xf32, #tpu.memory_space<vmem>>, vector<1x16xf32>,
      %get3A_237 = vector.shape_cast %get3A_236 : vector<1x16xf32> to vector<16xf32>
      %add3A_238 = arith.addf %add3A_216, %get3A_237 : vector<16xf32>
      %get3A_239 = arith.index_cast %scan3A_223 : i32 to index
      %get3A_240 = arith.constant 48 : index
      %get3A_241 = tpu.vector_load %arg6[%get3A_239, %get3A_240] {strides = array<i32>} : memref<104x64xf32, #tpu.memory_space<vmem>>, vector<1x16xf32>,
      %get3A_242 = vector.shape_cast %get3A_241 : vector<1x16xf32> to vector<16xf32>
      %add3A_243 = arith.addf %add3A_221, %get3A_242 : vector<16xf32>
      %scan3A_244 = arith.constant 103 : i32
      %convert_element_type3A = arith.extui %lt3A_59 : i1 to i32
      %cond3A = arith.constant 0 : i32
      %cond3A_245 = arith.cmpi ne, %convert_element_type3A, %cond3A : i32
      scf.if %cond3A_245 {
        %add3A_1006 = arith.constant 4 : i32
        %add3A_1007 = arith.addi %mul3A_61, %add3A_1006 : i32
        %mul3A_1008 = arith.constant 200 : i32
        %mul3A_1009 = arith.muli %add3A_1007, %mul3A_1008 : i32
        %dma_start3A_1010 = tpu.memref_slice %arg5[%mul3A_1009] : memref<25600xi32, #tpu.memory_space<vmem>> -> memref<104xi32, #tpu.memory_space<vmem>>
        %dma_start3A_1011 = arith.constant 0 : i32
        %dma_start3A_1012 = arith.constant 0 : i32
        %dma_start3A_1013 = tpu.memref_slice %arg3[%dma_start3A_1011, %dma_start3A_1012] : memref<2000000x64xf32, #tpu.memory_space<hbm>> -> memref<2000000x64xf32, #tpu.memory_space<hbm>>
        tpu.enqueue_indirect_dma source(%dma_start3A_1013 : memref<2000000x64xf32, #tpu.memory_space<hbm>>) target(%arg6 : memref<104x64xf32, #tpu.memory_space<vmem>>) offsets(%dma_start3A_1010 : memref<104xi32, #tpu.memory_space<vmem>>) semaphore(%arg15 : memref<!tpu.dma_semaphore, #tpu.memory_space<semaphore_mem>>)
      } else {
      }
      %dma_wait3A_246 = arith.constant 0 : i32
      %dma_wait3A_247 = tpu.memref_slice %arg5[%dma_wait3A_246] : memref<25600xi32, #tpu.memory_space<vmem>> -> memref<96xi32, #tpu.memory_space<vmem>>
      %dma_wait3A_248 = arith.constant 0 : i32
      %dma_wait3A_249 = arith.constant 0 : i32
      %dma_wait3A_250 = tpu.memref_slice %arg3[%dma_wait3A_248, %dma_wait3A_249] : memref<2000000x64xf32, #tpu.memory_space<hbm>> -> memref<2000000x64xf32, #tpu.memory_space<hbm>>
      tpu.wait_indirect_dma semaphore(%arg16 : memref<!tpu.dma_semaphore, #tpu.memory_space<semaphore_mem>>) src(%dma_wait3A_250 : memref<2000000x64xf32, #tpu.memory_space<hbm>>) dst(%arg7 : memref<96x64xf32, #tpu.memory_space<vmem>>)
      %scan3A_251 = arith.constant 0 : i32
      %scan3A_252 = arith.constant 96 : i32
      %scan3A_253 = arith.addi %scan3A_251, %scan3A_252 : i32
      %scan3A_254 = arith.constant 8 : i32
      %scan3A_255:4 = scf.for %scan3A_1006 = %scan3A_251 to %scan3A_253 step %scan3A_254 iter_args(%scan3A_1007 = %add3A_228, %scan3A_1008 = %add3A_233, %scan3A_1009 = %add3A_238, %scan3A_1010 = %add3A_243) -> (vector<16xf32>, vector<16xf32>, vector<16xf32>, vector<16xf32>)  : i32 {
        %get3A_1011 = arith.index_cast %scan3A_1006 : i32 to index
        %get3A_1012 = arith.constant 0 : index
        %get3A_1013 = tpu.vector_load %arg7[%get3A_1011, %get3A_1012] {strides = array<i32>} : memref<96x64xf32, #tpu.memory_space<vmem>>, vector<1x16xf32>,
        %get3A_1014 = vector.shape_cast %get3A_1013 : vector<1x16xf32> to vector<16xf32>
        %add3A_1015 = arith.addf %scan3A_1007, %get3A_1014 : vector<16xf32>
        %get3A_1016 = arith.index_cast %scan3A_1006 : i32 to index
        %get3A_1017 = arith.constant 16 : index
        %get3A_1018 = tpu.vector_load %arg7[%get3A_1016, %get3A_1017] {strides = array<i32>} : memref<96x64xf32, #tpu.memory_space<vmem>>, vector<1x16xf32>,
        %get3A_1019 = vector.shape_cast %get3A_1018 : vector<1x16xf32> to vector<16xf32>
        %add3A_1020 = arith.addf %scan3A_1008, %get3A_1019 : vector<16xf32>
        %get3A_1021 = arith.index_cast %scan3A_1006 : i32 to index
        %get3A_1022 = arith.constant 32 : index
        %get3A_1023 = tpu.vector_load %arg7[%get3A_1021, %get3A_1022] {strides = array<i32>} : memref<96x64xf32, #tpu.memory_space<vmem>>, vector<1x16xf32>,
        %get3A_1024 = vector.shape_cast %get3A_1023 : vector<1x16xf32> to vector<16xf32>
        %add3A_1025 = arith.addf %scan3A_1009, %get3A_1024 : vector<16xf32>
        %get3A_1026 = arith.index_cast %scan3A_1006 : i32 to index
        %get3A_1027 = arith.constant 48 : index
        %get3A_1028 = tpu.vector_load %arg7[%get3A_1026, %get3A_1027] {strides = array<i32>} : memref<96x64xf32, #tpu.memory_space<vmem>>, vector<1x16xf32>,
        %get3A_1029 = vector.shape_cast %get3A_1028 : vector<1x16xf32> to vector<16xf32>
        %add3A_1030 = arith.addf %scan3A_1010, %get3A_1029 : vector<16xf32>
        %scan3A_1031 = arith.constant 1 : i32
        %scan3A_1032 = arith.addi %scan3A_1006, %scan3A_1031 : i32
        %get3A_1033 = arith.index_cast %scan3A_1032 : i32 to index
        %get3A_1034 = arith.constant 0 : index
        %get3A_1035 = tpu.vector_load %arg7[%get3A_1033, %get3A_1034] {strides = array<i32>} : memref<96x64xf32, #tpu.memory_space<vmem>>, vector<1x16xf32>,
        %get3A_1036 = vector.shape_cast %get3A_1035 : vector<1x16xf32> to vector<16xf32>
        %add3A_1037 = arith.addf %add3A_1015, %get3A_1036 : vector<16xf32>
        %get3A_1038 = arith.index_cast %scan3A_1032 : i32 to index
        %get3A_1039 = arith.constant 16 : index
        %get3A_1040 = tpu.vector_load %arg7[%get3A_1038, %get3A_1039] {strides = array<i32>} : memref<96x64xf32, #tpu.memory_space<vmem>>, vector<1x16xf32>,
        %get3A_1041 = vector.shape_cast %get3A_1040 : vector<1x16xf32> to vector<16xf32>
        %add3A_1042 = arith.addf %add3A_1020, %get3A_1041 : vector<16xf32>
        %get3A_1043 = arith.index_cast %scan3A_1032 : i32 to index
        %get3A_1044 = arith.constant 32 : index
        %get3A_1045 = tpu.vector_load %arg7[%get3A_1043, %get3A_1044] {strides = array<i32>} : memref<96x64xf32, #tpu.memory_space<vmem>>, vector<1x16xf32>,
        %get3A_1046 = vector.shape_cast %get3A_1045 : vector<1x16xf32> to vector<16xf32>
        %add3A_1047 = arith.addf %add3A_1025, %get3A_1046 : vector<16xf32>
        %get3A_1048 = arith.index_cast %scan3A_1032 : i32 to index
        %get3A_1049 = arith.constant 48 : index
        %get3A_1050 = tpu.vector_load %arg7[%get3A_1048, %get3A_1049] {strides = array<i32>} : memref<96x64xf32, #tpu.memory_space<vmem>>, vector<1x16xf32>,
        %get3A_1051 = vector.shape_cast %get3A_1050 : vector<1x16xf32> to vector<16xf32>
        %add3A_1052 = arith.addf %add3A_1030, %get3A_1051 : vector<16xf32>
        %scan3A_1053 = arith.constant 2 : i32
        %scan3A_1054 = arith.addi %scan3A_1006, %scan3A_1053 : i32
        %get3A_1055 = arith.index_cast %scan3A_1054 : i32 to index
        %get3A_1056 = arith.constant 0 : index
        %get3A_1057 = tpu.vector_load %arg7[%get3A_1055, %get3A_1056] {strides = array<i32>} : memref<96x64xf32, #tpu.memory_space<vmem>>, vector<1x16xf32>,
        %get3A_1058 = vector.shape_cast %get3A_1057 : vector<1x16xf32> to vector<16xf32>
        %add3A_1059 = arith.addf %add3A_1037, %get3A_1058 : vector<16xf32>
        %get3A_1060 = arith.index_cast %scan3A_1054 : i32 to index
        %get3A_1061 = arith.constant 16 : index
        %get3A_1062 = tpu.vector_load %arg7[%get3A_1060, %get3A_1061] {strides = array<i32>} : memref<96x64xf32, #tpu.memory_space<vmem>>, vector<1x16xf32>,
        %get3A_1063 = vector.shape_cast %get3A_1062 : vector<1x16xf32> to vector<16xf32>
        %add3A_1064 = arith.addf %add3A_1042, %get3A_1063 : vector<16xf32>
        %get3A_1065 = arith.index_cast %scan3A_1054 : i32 to index
        %get3A_1066 = arith.constant 32 : index
        %get3A_1067 = tpu.vector_load %arg7[%get3A_1065, %get3A_1066] {strides = array<i32>} : memref<96x64xf32, #tpu.memory_space<vmem>>, vector<1x16xf32>,
        %get3A_1068 = vector.shape_cast %get3A_1067 : vector<1x16xf32> to vector<16xf32>
        %add3A_1069 = arith.addf %add3A_1047, %get3A_1068 : vector<16xf32>
        %get3A_1070 = arith.index_cast %scan3A_1054 : i32 to index
        %get3A_1071 = arith.constant 48 : index
        %get3A_1072 = tpu.vector_load %arg7[%get3A_1070, %get3A_1071] {strides = array<i32>} : memref<96x64xf32, #tpu.memory_space<vmem>>, vector<1x16xf32>,
        %get3A_1073 = vector.shape_cast %get3A_1072 : vector<1x16xf32> to vector<16xf32>
        %add3A_1074 = arith.addf %add3A_1052, %get3A_1073 : vector<16xf32>
        %scan3A_1075 = arith.constant 3 : i32
        %scan3A_1076 = arith.addi %scan3A_1006, %scan3A_1075 : i32
        %get3A_1077 = arith.index_cast %scan3A_1076 : i32 to index
        %get3A_1078 = arith.constant 0 : index
        %get3A_1079 = tpu.vector_load %arg7[%get3A_1077, %get3A_1078] {strides = array<i32>} : memref<96x64xf32, #tpu.memory_space<vmem>>, vector<1x16xf32>,
        %get3A_1080 = vector.shape_cast %get3A_1079 : vector<1x16xf32> to vector<16xf32>
        %add3A_1081 = arith.addf %add3A_1059, %get3A_1080 : vector<16xf32>
        %get3A_1082 = arith.index_cast %scan3A_1076 : i32 to index
        %get3A_1083 = arith.constant 16 : index
        %get3A_1084 = tpu.vector_load %arg7[%get3A_1082, %get3A_1083] {strides = array<i32>} : memref<96x64xf32, #tpu.memory_space<vmem>>, vector<1x16xf32>,
        %get3A_1085 = vector.shape_cast %get3A_1084 : vector<1x16xf32> to vector<16xf32>
        %add3A_1086 = arith.addf %add3A_1064, %get3A_1085 : vector<16xf32>
        %get3A_1087 = arith.index_cast %scan3A_1076 : i32 to index
        %get3A_1088 = arith.constant 32 : index
        %get3A_1089 = tpu.vector_load %arg7[%get3A_1087, %get3A_1088] {strides = array<i32>} : memref<96x64xf32, #tpu.memory_space<vmem>>, vector<1x16xf32>,
        %get3A_1090 = vector.shape_cast %get3A_1089 : vector<1x16xf32> to vector<16xf32>
        %add3A_1091 = arith.addf %add3A_1069, %get3A_1090 : vector<16xf32>
        %get3A_1092 = arith.index_cast %scan3A_1076 : i32 to index
        %get3A_1093 = arith.constant 48 : index
        %get3A_1094 = tpu.vector_load %arg7[%get3A_1092, %get3A_1093] {strides = array<i32>} : memref<96x64xf32, #tpu.memory_space<vmem>>, vector<1x16xf32>,
        %get3A_1095 = vector.shape_cast %get3A_1094 : vector<1x16xf32> to vector<16xf32>
        %add3A_1096 = arith.addf %add3A_1074, %get3A_1095 : vector<16xf32>
        %scan3A_1097 = arith.constant 4 : i32
        %scan3A_1098 = arith.addi %scan3A_1006, %scan3A_1097 : i32
        %get3A_1099 = arith.index_cast %scan3A_1098 : i32 to index
        %get3A_1100 = arith.constant 0 : index
        %get3A_1101 = tpu.vector_load %arg7[%get3A_1099, %get3A_1100] {strides = array<i32>} : memref<96x64xf32, #tpu.memory_space<vmem>>, vector<1x16xf32>,
        %get3A_1102 = vector.shape_cast %get3A_1101 : vector<1x16xf32> to vector<16xf32>
        %add3A_1103 = arith.addf %add3A_1081, %get3A_1102 : vector<16xf32>
        %get3A_1104 = arith.index_cast %scan3A_1098 : i32 to index
        %get3A_1105 = arith.constant 16 : index
        %get3A_1106 = tpu.vector_load %arg7[%get3A_1104, %get3A_1105] {strides = array<i32>} : memref<96x64xf32, #tpu.memory_space<vmem>>, vector<1x16xf32>,
        %get3A_1107 = vector.shape_cast %get3A_1106 : vector<1x16xf32> to vector<16xf32>
        %add3A_1108 = arith.addf %add3A_1086, %get3A_1107 : vector<16xf32>
        %get3A_1109 = arith.index_cast %scan3A_1098 : i32 to index
        %get3A_1110 = arith.constant 32 : index
        %get3A_1111 = tpu.vector_load %arg7[%get3A_1109, %get3A_1110] {strides = array<i32>} : memref<96x64xf32, #tpu.memory_space<vmem>>, vector<1x16xf32>,
        %get3A_1112 = vector.shape_cast %get3A_1111 : vector<1x16xf32> to vector<16xf32>
        %add3A_1113 = arith.addf %add3A_1091, %get3A_1112 : vector<16xf32>
        %get3A_1114 = arith.index_cast %scan3A_1098 : i32 to index
        %get3A_1115 = arith.constant 48 : index
        %get3A_1116 = tpu.vector_load %arg7[%get3A_1114, %get3A_1115] {strides = array<i32>} : memref<96x64xf32, #tpu.memory_space<vmem>>, vector<1x16xf32>,
        %get3A_1117 = vector.shape_cast %get3A_1116 : vector<1x16xf32> to vector<16xf32>
        %add3A_1118 = arith.addf %add3A_1096, %get3A_1117 : vector<16xf32>
        %scan3A_1119 = arith.constant 5 : i32
        %scan3A_1120 = arith.addi %scan3A_1006, %scan3A_1119 : i32
        %get3A_1121 = arith.index_cast %scan3A_1120 : i32 to index
        %get3A_1122 = arith.constant 0 : index
        %get3A_1123 = tpu.vector_load %arg7[%get3A_1121, %get3A_1122] {strides = array<i32>} : memref<96x64xf32, #tpu.memory_space<vmem>>, vector<1x16xf32>,
        %get3A_1124 = vector.shape_cast %get3A_1123 : vector<1x16xf32> to vector<16xf32>
        %add3A_1125 = arith.addf %add3A_1103, %get3A_1124 : vector<16xf32>
        %get3A_1126 = arith.index_cast %scan3A_1120 : i32 to index
        %get3A_1127 = arith.constant 16 : index
        %get3A_1128 = tpu.vector_load %arg7[%get3A_1126, %get3A_1127] {strides = array<i32>} : memref<96x64xf32, #tpu.memory_space<vmem>>, vector<1x16xf32>,
        %get3A_1129 = vector.shape_cast %get3A_1128 : vector<1x16xf32> to vector<16xf32>
        %add3A_1130 = arith.addf %add3A_1108, %get3A_1129 : vector<16xf32>
        %get3A_1131 = arith.index_cast %scan3A_1120 : i32 to index
        %get3A_1132 = arith.constant 32 : index
        %get3A_1133 = tpu.vector_load %arg7[%get3A_1131, %get3A_1132] {strides = array<i32>} : memref<96x64xf32, #tpu.memory_space<vmem>>, vector<1x16xf32>,
        %get3A_1134 = vector.shape_cast %get3A_1133 : vector<1x16xf32> to vector<16xf32>
        %add3A_1135 = arith.addf %add3A_1113, %get3A_1134 : vector<16xf32>
        %get3A_1136 = arith.index_cast %scan3A_1120 : i32 to index
        %get3A_1137 = arith.constant 48 : index
        %get3A_1138 = tpu.vector_load %arg7[%get3A_1136, %get3A_1137] {strides = array<i32>} : memref<96x64xf32, #tpu.memory_space<vmem>>, vector<1x16xf32>,
        %get3A_1139 = vector.shape_cast %get3A_1138 : vector<1x16xf32> to vector<16xf32>
        %add3A_1140 = arith.addf %add3A_1118, %get3A_1139 : vector<16xf32>
        %scan3A_1141 = arith.constant 6 : i32
        %scan3A_1142 = arith.addi %scan3A_1006, %scan3A_1141 : i32
        %get3A_1143 = arith.index_cast %scan3A_1142 : i32 to index
        %get3A_1144 = arith.constant 0 : index
        %get3A_1145 = tpu.vector_load %arg7[%get3A_1143, %get3A_1144] {strides = array<i32>} : memref<96x64xf32, #tpu.memory_space<vmem>>, vector<1x16xf32>,
        %get3A_1146 = vector.shape_cast %get3A_1145 : vector<1x16xf32> to vector<16xf32>
        %add3A_1147 = arith.addf %add3A_1125, %get3A_1146 : vector<16xf32>
        %get3A_1148 = arith.index_cast %scan3A_1142 : i32 to index
        %get3A_1149 = arith.constant 16 : index
        %get3A_1150 = tpu.vector_load %arg7[%get3A_1148, %get3A_1149] {strides = array<i32>} : memref<96x64xf32, #tpu.memory_space<vmem>>, vector<1x16xf32>,
        %get3A_1151 = vector.shape_cast %get3A_1150 : vector<1x16xf32> to vector<16xf32>
        %add3A_1152 = arith.addf %add3A_1130, %get3A_1151 : vector<16xf32>
        %get3A_1153 = arith.index_cast %scan3A_1142 : i32 to index
        %get3A_1154 = arith.constant 32 : index
        %get3A_1155 = tpu.vector_load %arg7[%get3A_1153, %get3A_1154] {strides = array<i32>} : memref<96x64xf32, #tpu.memory_space<vmem>>, vector<1x16xf32>,
        %get3A_1156 = vector.shape_cast %get3A_1155 : vector<1x16xf32> to vector<16xf32>
        %add3A_1157 = arith.addf %add3A_1135, %get3A_1156 : vector<16xf32>
        %get3A_1158 = arith.index_cast %scan3A_1142 : i32 to index
        %get3A_1159 = arith.constant 48 : index
        %get3A_1160 = tpu.vector_load %arg7[%get3A_1158, %get3A_1159] {strides = array<i32>} : memref<96x64xf32, #tpu.memory_space<vmem>>, vector<1x16xf32>,
        %get3A_1161 = vector.shape_cast %get3A_1160 : vector<1x16xf32> to vector<16xf32>
        %add3A_1162 = arith.addf %add3A_1140, %get3A_1161 : vector<16xf32>
        %scan3A_1163 = arith.constant 7 : i32
        %scan3A_1164 = arith.addi %scan3A_1006, %scan3A_1163 : i32
        %get3A_1165 = arith.index_cast %scan3A_1164 : i32 to index
        %get3A_1166 = arith.constant 0 : index
        %get3A_1167 = tpu.vector_load %arg7[%get3A_1165, %get3A_1166] {strides = array<i32>} : memref<96x64xf32, #tpu.memory_space<vmem>>, vector<1x16xf32>,
        %get3A_1168 = vector.shape_cast %get3A_1167 : vector<1x16xf32> to vector<16xf32>
        %add3A_1169 = arith.addf %add3A_1147, %get3A_1168 : vector<16xf32>
        %get3A_1170 = arith.index_cast %scan3A_1164 : i32 to index
        %get3A_1171 = arith.constant 16 : index
        %get3A_1172 = tpu.vector_load %arg7[%get3A_1170, %get3A_1171] {strides = array<i32>} : memref<96x64xf32, #tpu.memory_space<vmem>>, vector<1x16xf32>,
        %get3A_1173 = vector.shape_cast %get3A_1172 : vector<1x16xf32> to vector<16xf32>
        %add3A_1174 = arith.addf %add3A_1152, %get3A_1173 : vector<16xf32>
        %get3A_1175 = arith.index_cast %scan3A_1164 : i32 to index
        %get3A_1176 = arith.constant 32 : index
        %get3A_1177 = tpu.vector_load %arg7[%get3A_1175, %get3A_1176] {strides = array<i32>} : memref<96x64xf32, #tpu.memory_space<vmem>>, vector<1x16xf32>,
        %get3A_1178 = vector.shape_cast %get3A_1177 : vector<1x16xf32> to vector<16xf32>
        %add3A_1179 = arith.addf %add3A_1157, %get3A_1178 : vector<16xf32>
        %get3A_1180 = arith.index_cast %scan3A_1164 : i32 to index
        %get3A_1181 = arith.constant 48 : index
        %get3A_1182 = tpu.vector_load %arg7[%get3A_1180, %get3A_1181] {strides = array<i32>} : memref<96x64xf32, #tpu.memory_space<vmem>>, vector<1x16xf32>,
        %get3A_1183 = vector.shape_cast %get3A_1182 : vector<1x16xf32> to vector<16xf32>
        %add3A_1184 = arith.addf %add3A_1162, %get3A_1183 : vector<16xf32>
        scf.yield %add3A_1169, %add3A_1174, %add3A_1179, %add3A_1184 : vector<16xf32>, vector<16xf32>, vector<16xf32>, vector<16xf32>
      }
      %scan3A_256 = arith.constant 96 : i32
      %convert_element_type3A_257 = arith.extui %lt3A_59 : i1 to i32
      %cond3A_258 = arith.constant 0 : i32
      %cond3A_259 = arith.cmpi ne, %convert_element_type3A_257, %cond3A_258 : i32
      scf.if %cond3A_259 {
        %add3A_1006 = arith.constant 4 : i32
        %add3A_1007 = arith.addi %mul3A_61, %add3A_1006 : i32
        %mul3A_1008 = arith.constant 200 : i32
        %mul3A_1009 = arith.muli %add3A_1007, %mul3A_1008 : i32
        %add3A_1010 = arith.constant 104 : i32
        %add3A_1011 = arith.addi %mul3A_1009, %add3A_1010 : i32
        %dma_start3A_1012 = tpu.memref_slice %arg5[%add3A_1011] : memref<25600xi32, #tpu.memory_space<vmem>> -> memref<96xi32, #tpu.memory_space<vmem>>
        %dma_start3A_1013 = arith.constant 0 : i32
        %dma_start3A_1014 = arith.constant 0 : i32
        %dma_start3A_1015 = tpu.memref_slice %arg3[%dma_start3A_1013, %dma_start3A_1014] : memref<2000000x64xf32, #tpu.memory_space<hbm>> -> memref<2000000x64xf32, #tpu.memory_space<hbm>>
        tpu.enqueue_indirect_dma source(%dma_start3A_1015 : memref<2000000x64xf32, #tpu.memory_space<hbm>>) target(%arg7 : memref<96x64xf32, #tpu.memory_space<vmem>>) offsets(%dma_start3A_1012 : memref<96xi32, #tpu.memory_space<vmem>>) semaphore(%arg16 : memref<!tpu.dma_semaphore, #tpu.memory_space<semaphore_mem>>)
      } else {
      }
      %mul3A_260 = arith.constant 5.000000e-03 : f32
      %mul3A_261 = vector.broadcast %mul3A_260 : f32 to vector<16xf32>
      %mul3A_262 = arith.mulf %scan3A_255#0, %mul3A_261 : vector<16xf32>
      %swap3A = arith.index_cast %mul3A_61 : i32 to index
      %swap3A_263 = arith.constant 0 : index
      %swap3A_264 = tpu.vector_load %arg14[%swap3A, %swap3A_263] {strides = array<i32>} : memref<128x64xf32, #tpu.memory_space<vmem>>, vector<1x16xf32>,
      %swap3A_265 = vector.shape_cast %swap3A_264 : vector<1x16xf32> to vector<16xf32>
      %swap3A_266 = vector.shape_cast %mul3A_262 : vector<16xf32> to vector<1x16xf32>
      tpu.vector_store %arg14[%swap3A, %swap3A_263], %swap3A_266 {strides = array<i32>} : memref<128x64xf32, #tpu.memory_space<vmem>>, vector<1x16xf32>,
      %mul3A_267 = arith.constant 5.000000e-03 : f32
      %mul3A_268 = vector.broadcast %mul3A_267 : f32 to vector<16xf32>
      %mul3A_269 = arith.mulf %scan3A_255#1, %mul3A_268 : vector<16xf32>
      %swap3A_270 = arith.index_cast %mul3A_61 : i32 to index
      %swap3A_271 = arith.constant 16 : index
      %swap3A_272 = tpu.vector_load %arg14[%swap3A_270, %swap3A_271] {strides = array<i32>} : memref<128x64xf32, #tpu.memory_space<vmem>>, vector<1x16xf32>,
      %swap3A_273 = vector.shape_cast %swap3A_272 : vector<1x16xf32> to vector<16xf32>
      %swap3A_274 = vector.shape_cast %mul3A_269 : vector<16xf32> to vector<1x16xf32>
      tpu.vector_store %arg14[%swap3A_270, %swap3A_271], %swap3A_274 {strides = array<i32>} : memref<128x64xf32, #tpu.memory_space<vmem>>, vector<1x16xf32>,
      %mul3A_275 = arith.constant 5.000000e-03 : f32
      %mul3A_276 = vector.broadcast %mul3A_275 : f32 to vector<16xf32>
      %mul3A_277 = arith.mulf %scan3A_255#2, %mul3A_276 : vector<16xf32>
      %swap3A_278 = arith.index_cast %mul3A_61 : i32 to index
      %swap3A_279 = arith.constant 32 : index
      %swap3A_280 = tpu.vector_load %arg14[%swap3A_278, %swap3A_279] {strides = array<i32>} : memref<128x64xf32, #tpu.memory_space<vmem>>, vector<1x16xf32>,
      %swap3A_281 = vector.shape_cast %swap3A_280 : vector<1x16xf32> to vector<16xf32>
      %swap3A_282 = vector.shape_cast %mul3A_277 : vector<16xf32> to vector<1x16xf32>
      tpu.vector_store %arg14[%swap3A_278, %swap3A_279], %swap3A_282 {strides = array<i32>} : memref<128x64xf32, #tpu.memory_space<vmem>>, vector<1x16xf32>,
      %mul3A_283 = arith.constant 5.000000e-03 : f32
      %mul3A_284 = vector.broadcast %mul3A_283 : f32 to vector<16xf32>
      %mul3A_285 = arith.mulf %scan3A_255#3, %mul3A_284 : vector<16xf32>
      %swap3A_286 = arith.index_cast %mul3A_61 : i32 to index
      %swap3A_287 = arith.constant 48 : index
      %swap3A_288 = tpu.vector_load %arg14[%swap3A_286, %swap3A_287] {strides = array<i32>} : memref<128x64xf32, #tpu.memory_space<vmem>>, vector<1x16xf32>,
      %swap3A_289 = vector.shape_cast %swap3A_288 : vector<1x16xf32> to vector<16xf32>
      %swap3A_290 = vector.shape_cast %mul3A_285 : vector<16xf32> to vector<1x16xf32>
      tpu.vector_store %arg14[%swap3A_286, %swap3A_287], %swap3A_290 {strides = array<i32>} : memref<128x64xf32, #tpu.memory_space<vmem>>, vector<1x16xf32>,
      %mul3A_291 = arith.constant 4 : i32
      %mul3A_292 = arith.muli %mul3A_291, %scan3A_57 : i32
      %add3A_293 = arith.constant 1 : i32
      %add3A_294 = arith.addi %mul3A_292, %add3A_293 : i32
      %dma_wait3A_295 = arith.constant 0 : i32
      %dma_wait3A_296 = tpu.memref_slice %arg5[%dma_wait3A_295] : memref<25600xi32, #tpu.memory_space<vmem>> -> memref<104xi32, #tpu.memory_space<vmem>>
      %dma_wait3A_297 = arith.constant 0 : i32
      %dma_wait3A_298 = arith.constant 0 : i32
      %dma_wait3A_299 = tpu.memref_slice %arg3[%dma_wait3A_297, %dma_wait3A_298] : memref<2000000x64xf32, #tpu.memory_space<hbm>> -> memref<2000000x64xf32, #tpu.memory_space<hbm>>
      tpu.wait_indirect_dma semaphore(%arg17 : memref<!tpu.dma_semaphore, #tpu.memory_space<semaphore_mem>>) src(%dma_wait3A_299 : memref<2000000x64xf32, #tpu.memory_space<hbm>>) dst(%arg8 : memref<104x64xf32, #tpu.memory_space<vmem>>)
      %get3A_300 = arith.constant 0 : i32
      %get3A_301 = arith.index_cast %get3A_300 : i32 to index
      %get3A_302 = arith.constant 0 : index
      %get3A_303 = tpu.vector_load %arg8[%get3A_301, %get3A_302] {strides = array<i32>} : memref<104x64xf32, #tpu.memory_space<vmem>>, vector<1x16xf32>,
      %get3A_304 = vector.shape_cast %get3A_303 : vector<1x16xf32> to vector<16xf32>
      %get3A_305 = arith.constant 0 : i32
      %get3A_306 = arith.index_cast %get3A_305 : i32 to index
      %get3A_307 = arith.constant 16 : index
      %get3A_308 = tpu.vector_load %arg8[%get3A_306, %get3A_307] {strides = array<i32>} : memref<104x64xf32, #tpu.memory_space<vmem>>, vector<1x16xf32>,
      %get3A_309 = vector.shape_cast %get3A_308 : vector<1x16xf32> to vector<16xf32>
      %get3A_310 = arith.constant 0 : i32
      %get3A_311 = arith.index_cast %get3A_310 : i32 to index
      %get3A_312 = arith.constant 32 : index
      %get3A_313 = tpu.vector_load %arg8[%get3A_311, %get3A_312] {strides = array<i32>} : memref<104x64xf32, #tpu.memory_space<vmem>>, vector<1x16xf32>,
      %get3A_314 = vector.shape_cast %get3A_313 : vector<1x16xf32> to vector<16xf32>
      %get3A_315 = arith.constant 0 : i32
      %get3A_316 = arith.index_cast %get3A_315 : i32 to index
      %get3A_317 = arith.constant 48 : index
      %get3A_318 = tpu.vector_load %arg8[%get3A_316, %get3A_317] {strides = array<i32>} : memref<104x64xf32, #tpu.memory_space<vmem>>, vector<1x16xf32>,
      %get3A_319 = vector.shape_cast %get3A_318 : vector<1x16xf32> to vector<16xf32>
      %scan3A_320 = arith.constant 1 : i32
      %scan3A_321 = arith.constant 96 : i32
      %scan3A_322 = arith.addi %scan3A_320, %scan3A_321 : i32
      %scan3A_323 = arith.constant 8 : i32
      %scan3A_324:4 = scf.for %scan3A_1006 = %scan3A_320 to %scan3A_322 step %scan3A_323 iter_args(%scan3A_1007 = %get3A_304, %scan3A_1008 = %get3A_309, %scan3A_1009 = %get3A_314, %scan3A_1010 = %get3A_319) -> (vector<16xf32>, vector<16xf32>, vector<16xf32>, vector<16xf32>)  : i32 {
        %get3A_1011 = arith.index_cast %scan3A_1006 : i32 to index
        %get3A_1012 = arith.constant 0 : index
        %get3A_1013 = tpu.vector_load %arg8[%get3A_1011, %get3A_1012] {strides = array<i32>} : memref<104x64xf32, #tpu.memory_space<vmem>>, vector<1x16xf32>,
        %get3A_1014 = vector.shape_cast %get3A_1013 : vector<1x16xf32> to vector<16xf32>
        %add3A_1015 = arith.addf %scan3A_1007, %get3A_1014 : vector<16xf32>
        %get3A_1016 = arith.index_cast %scan3A_1006 : i32 to index
        %get3A_1017 = arith.constant 16 : index
        %get3A_1018 = tpu.vector_load %arg8[%get3A_1016, %get3A_1017] {strides = array<i32>} : memref<104x64xf32, #tpu.memory_space<vmem>>, vector<1x16xf32>,
        %get3A_1019 = vector.shape_cast %get3A_1018 : vector<1x16xf32> to vector<16xf32>
        %add3A_1020 = arith.addf %scan3A_1008, %get3A_1019 : vector<16xf32>
        %get3A_1021 = arith.index_cast %scan3A_1006 : i32 to index
        %get3A_1022 = arith.constant 32 : index
        %get3A_1023 = tpu.vector_load %arg8[%get3A_1021, %get3A_1022] {strides = array<i32>} : memref<104x64xf32, #tpu.memory_space<vmem>>, vector<1x16xf32>,
        %get3A_1024 = vector.shape_cast %get3A_1023 : vector<1x16xf32> to vector<16xf32>
        %add3A_1025 = arith.addf %scan3A_1009, %get3A_1024 : vector<16xf32>
        %get3A_1026 = arith.index_cast %scan3A_1006 : i32 to index
        %get3A_1027 = arith.constant 48 : index
        %get3A_1028 = tpu.vector_load %arg8[%get3A_1026, %get3A_1027] {strides = array<i32>} : memref<104x64xf32, #tpu.memory_space<vmem>>, vector<1x16xf32>,
        %get3A_1029 = vector.shape_cast %get3A_1028 : vector<1x16xf32> to vector<16xf32>
        %add3A_1030 = arith.addf %scan3A_1010, %get3A_1029 : vector<16xf32>
        %scan3A_1031 = arith.constant 1 : i32
        %scan3A_1032 = arith.addi %scan3A_1006, %scan3A_1031 : i32
        %get3A_1033 = arith.index_cast %scan3A_1032 : i32 to index
        %get3A_1034 = arith.constant 0 : index
        %get3A_1035 = tpu.vector_load %arg8[%get3A_1033, %get3A_1034] {strides = array<i32>} : memref<104x64xf32, #tpu.memory_space<vmem>>, vector<1x16xf32>,
        %get3A_1036 = vector.shape_cast %get3A_1035 : vector<1x16xf32> to vector<16xf32>
        %add3A_1037 = arith.addf %add3A_1015, %get3A_1036 : vector<16xf32>
        %get3A_1038 = arith.index_cast %scan3A_1032 : i32 to index
        %get3A_1039 = arith.constant 16 : index
        %get3A_1040 = tpu.vector_load %arg8[%get3A_1038, %get3A_1039] {strides = array<i32>} : memref<104x64xf32, #tpu.memory_space<vmem>>, vector<1x16xf32>,
        %get3A_1041 = vector.shape_cast %get3A_1040 : vector<1x16xf32> to vector<16xf32>
        %add3A_1042 = arith.addf %add3A_1020, %get3A_1041 : vector<16xf32>
        %get3A_1043 = arith.index_cast %scan3A_1032 : i32 to index
        %get3A_1044 = arith.constant 32 : index
        %get3A_1045 = tpu.vector_load %arg8[%get3A_1043, %get3A_1044] {strides = array<i32>} : memref<104x64xf32, #tpu.memory_space<vmem>>, vector<1x16xf32>,
        %get3A_1046 = vector.shape_cast %get3A_1045 : vector<1x16xf32> to vector<16xf32>
        %add3A_1047 = arith.addf %add3A_1025, %get3A_1046 : vector<16xf32>
        %get3A_1048 = arith.index_cast %scan3A_1032 : i32 to index
        %get3A_1049 = arith.constant 48 : index
        %get3A_1050 = tpu.vector_load %arg8[%get3A_1048, %get3A_1049] {strides = array<i32>} : memref<104x64xf32, #tpu.memory_space<vmem>>, vector<1x16xf32>,
        %get3A_1051 = vector.shape_cast %get3A_1050 : vector<1x16xf32> to vector<16xf32>
        %add3A_1052 = arith.addf %add3A_1030, %get3A_1051 : vector<16xf32>
        %scan3A_1053 = arith.constant 2 : i32
        %scan3A_1054 = arith.addi %scan3A_1006, %scan3A_1053 : i32
        %get3A_1055 = arith.index_cast %scan3A_1054 : i32 to index
        %get3A_1056 = arith.constant 0 : index
        %get3A_1057 = tpu.vector_load %arg8[%get3A_1055, %get3A_1056] {strides = array<i32>} : memref<104x64xf32, #tpu.memory_space<vmem>>, vector<1x16xf32>,
        %get3A_1058 = vector.shape_cast %get3A_1057 : vector<1x16xf32> to vector<16xf32>
        %add3A_1059 = arith.addf %add3A_1037, %get3A_1058 : vector<16xf32>
        %get3A_1060 = arith.index_cast %scan3A_1054 : i32 to index
        %get3A_1061 = arith.constant 16 : index
        %get3A_1062 = tpu.vector_load %arg8[%get3A_1060, %get3A_1061] {strides = array<i32>} : memref<104x64xf32, #tpu.memory_space<vmem>>, vector<1x16xf32>,
        %get3A_1063 = vector.shape_cast %get3A_1062 : vector<1x16xf32> to vector<16xf32>
        %add3A_1064 = arith.addf %add3A_1042, %get3A_1063 : vector<16xf32>
        %get3A_1065 = arith.index_cast %scan3A_1054 : i32 to index
        %get3A_1066 = arith.constant 32 : index
        %get3A_1067 = tpu.vector_load %arg8[%get3A_1065, %get3A_1066] {strides = array<i32>} : memref<104x64xf32, #tpu.memory_space<vmem>>, vector<1x16xf32>,
        %get3A_1068 = vector.shape_cast %get3A_1067 : vector<1x16xf32> to vector<16xf32>
        %add3A_1069 = arith.addf %add3A_1047, %get3A_1068 : vector<16xf32>
        %get3A_1070 = arith.index_cast %scan3A_1054 : i32 to index
        %get3A_1071 = arith.constant 48 : index
        %get3A_1072 = tpu.vector_load %arg8[%get3A_1070, %get3A_1071] {strides = array<i32>} : memref<104x64xf32, #tpu.memory_space<vmem>>, vector<1x16xf32>,
        %get3A_1073 = vector.shape_cast %get3A_1072 : vector<1x16xf32> to vector<16xf32>
        %add3A_1074 = arith.addf %add3A_1052, %get3A_1073 : vector<16xf32>
        %scan3A_1075 = arith.constant 3 : i32
        %scan3A_1076 = arith.addi %scan3A_1006, %scan3A_1075 : i32
        %get3A_1077 = arith.index_cast %scan3A_1076 : i32 to index
        %get3A_1078 = arith.constant 0 : index
        %get3A_1079 = tpu.vector_load %arg8[%get3A_1077, %get3A_1078] {strides = array<i32>} : memref<104x64xf32, #tpu.memory_space<vmem>>, vector<1x16xf32>,
        %get3A_1080 = vector.shape_cast %get3A_1079 : vector<1x16xf32> to vector<16xf32>
        %add3A_1081 = arith.addf %add3A_1059, %get3A_1080 : vector<16xf32>
        %get3A_1082 = arith.index_cast %scan3A_1076 : i32 to index
        %get3A_1083 = arith.constant 16 : index
        %get3A_1084 = tpu.vector_load %arg8[%get3A_1082, %get3A_1083] {strides = array<i32>} : memref<104x64xf32, #tpu.memory_space<vmem>>, vector<1x16xf32>,
        %get3A_1085 = vector.shape_cast %get3A_1084 : vector<1x16xf32> to vector<16xf32>
        %add3A_1086 = arith.addf %add3A_1064, %get3A_1085 : vector<16xf32>
        %get3A_1087 = arith.index_cast %scan3A_1076 : i32 to index
        %get3A_1088 = arith.constant 32 : index
        %get3A_1089 = tpu.vector_load %arg8[%get3A_1087, %get3A_1088] {strides = array<i32>} : memref<104x64xf32, #tpu.memory_space<vmem>>, vector<1x16xf32>,
        %get3A_1090 = vector.shape_cast %get3A_1089 : vector<1x16xf32> to vector<16xf32>
        %add3A_1091 = arith.addf %add3A_1069, %get3A_1090 : vector<16xf32>
        %get3A_1092 = arith.index_cast %scan3A_1076 : i32 to index
        %get3A_1093 = arith.constant 48 : index
        %get3A_1094 = tpu.vector_load %arg8[%get3A_1092, %get3A_1093] {strides = array<i32>} : memref<104x64xf32, #tpu.memory_space<vmem>>, vector<1x16xf32>,
        %get3A_1095 = vector.shape_cast %get3A_1094 : vector<1x16xf32> to vector<16xf32>
        %add3A_1096 = arith.addf %add3A_1074, %get3A_1095 : vector<16xf32>
        %scan3A_1097 = arith.constant 4 : i32
        %scan3A_1098 = arith.addi %scan3A_1006, %scan3A_1097 : i32
        %get3A_1099 = arith.index_cast %scan3A_1098 : i32 to index
        %get3A_1100 = arith.constant 0 : index
        %get3A_1101 = tpu.vector_load %arg8[%get3A_1099, %get3A_1100] {strides = array<i32>} : memref<104x64xf32, #tpu.memory_space<vmem>>, vector<1x16xf32>,
        %get3A_1102 = vector.shape_cast %get3A_1101 : vector<1x16xf32> to vector<16xf32>
        %add3A_1103 = arith.addf %add3A_1081, %get3A_1102 : vector<16xf32>
        %get3A_1104 = arith.index_cast %scan3A_1098 : i32 to index
        %get3A_1105 = arith.constant 16 : index
        %get3A_1106 = tpu.vector_load %arg8[%get3A_1104, %get3A_1105] {strides = array<i32>} : memref<104x64xf32, #tpu.memory_space<vmem>>, vector<1x16xf32>,
        %get3A_1107 = vector.shape_cast %get3A_1106 : vector<1x16xf32> to vector<16xf32>
        %add3A_1108 = arith.addf %add3A_1086, %get3A_1107 : vector<16xf32>
        %get3A_1109 = arith.index_cast %scan3A_1098 : i32 to index
        %get3A_1110 = arith.constant 32 : index
        %get3A_1111 = tpu.vector_load %arg8[%get3A_1109, %get3A_1110] {strides = array<i32>} : memref<104x64xf32, #tpu.memory_space<vmem>>, vector<1x16xf32>,
        %get3A_1112 = vector.shape_cast %get3A_1111 : vector<1x16xf32> to vector<16xf32>
        %add3A_1113 = arith.addf %add3A_1091, %get3A_1112 : vector<16xf32>
        %get3A_1114 = arith.index_cast %scan3A_1098 : i32 to index
        %get3A_1115 = arith.constant 48 : index
        %get3A_1116 = tpu.vector_load %arg8[%get3A_1114, %get3A_1115] {strides = array<i32>} : memref<104x64xf32, #tpu.memory_space<vmem>>, vector<1x16xf32>,
        %get3A_1117 = vector.shape_cast %get3A_1116 : vector<1x16xf32> to vector<16xf32>
        %add3A_1118 = arith.addf %add3A_1096, %get3A_1117 : vector<16xf32>
        %scan3A_1119 = arith.constant 5 : i32
        %scan3A_1120 = arith.addi %scan3A_1006, %scan3A_1119 : i32
        %get3A_1121 = arith.index_cast %scan3A_1120 : i32 to index
        %get3A_1122 = arith.constant 0 : index
        %get3A_1123 = tpu.vector_load %arg8[%get3A_1121, %get3A_1122] {strides = array<i32>} : memref<104x64xf32, #tpu.memory_space<vmem>>, vector<1x16xf32>,
        %get3A_1124 = vector.shape_cast %get3A_1123 : vector<1x16xf32> to vector<16xf32>
        %add3A_1125 = arith.addf %add3A_1103, %get3A_1124 : vector<16xf32>
        %get3A_1126 = arith.index_cast %scan3A_1120 : i32 to index
        %get3A_1127 = arith.constant 16 : index
        %get3A_1128 = tpu.vector_load %arg8[%get3A_1126, %get3A_1127] {strides = array<i32>} : memref<104x64xf32, #tpu.memory_space<vmem>>, vector<1x16xf32>,
        %get3A_1129 = vector.shape_cast %get3A_1128 : vector<1x16xf32> to vector<16xf32>
        %add3A_1130 = arith.addf %add3A_1108, %get3A_1129 : vector<16xf32>
        %get3A_1131 = arith.index_cast %scan3A_1120 : i32 to index
        %get3A_1132 = arith.constant 32 : index
        %get3A_1133 = tpu.vector_load %arg8[%get3A_1131, %get3A_1132] {strides = array<i32>} : memref<104x64xf32, #tpu.memory_space<vmem>>, vector<1x16xf32>,
        %get3A_1134 = vector.shape_cast %get3A_1133 : vector<1x16xf32> to vector<16xf32>
        %add3A_1135 = arith.addf %add3A_1113, %get3A_1134 : vector<16xf32>
        %get3A_1136 = arith.index_cast %scan3A_1120 : i32 to index
        %get3A_1137 = arith.constant 48 : index
        %get3A_1138 = tpu.vector_load %arg8[%get3A_1136, %get3A_1137] {strides = array<i32>} : memref<104x64xf32, #tpu.memory_space<vmem>>, vector<1x16xf32>,
        %get3A_1139 = vector.shape_cast %get3A_1138 : vector<1x16xf32> to vector<16xf32>
        %add3A_1140 = arith.addf %add3A_1118, %get3A_1139 : vector<16xf32>
        %scan3A_1141 = arith.constant 6 : i32
        %scan3A_1142 = arith.addi %scan3A_1006, %scan3A_1141 : i32
        %get3A_1143 = arith.index_cast %scan3A_1142 : i32 to index
        %get3A_1144 = arith.constant 0 : index
        %get3A_1145 = tpu.vector_load %arg8[%get3A_1143, %get3A_1144] {strides = array<i32>} : memref<104x64xf32, #tpu.memory_space<vmem>>, vector<1x16xf32>,
        %get3A_1146 = vector.shape_cast %get3A_1145 : vector<1x16xf32> to vector<16xf32>
        %add3A_1147 = arith.addf %add3A_1125, %get3A_1146 : vector<16xf32>
        %get3A_1148 = arith.index_cast %scan3A_1142 : i32 to index
        %get3A_1149 = arith.constant 16 : index
        %get3A_1150 = tpu.vector_load %arg8[%get3A_1148, %get3A_1149] {strides = array<i32>} : memref<104x64xf32, #tpu.memory_space<vmem>>, vector<1x16xf32>,
        %get3A_1151 = vector.shape_cast %get3A_1150 : vector<1x16xf32> to vector<16xf32>
        %add3A_1152 = arith.addf %add3A_1130, %get3A_1151 : vector<16xf32>
        %get3A_1153 = arith.index_cast %scan3A_1142 : i32 to index
        %get3A_1154 = arith.constant 32 : index
        %get3A_1155 = tpu.vector_load %arg8[%get3A_1153, %get3A_1154] {strides = array<i32>} : memref<104x64xf32, #tpu.memory_space<vmem>>, vector<1x16xf32>,
        %get3A_1156 = vector.shape_cast %get3A_1155 : vector<1x16xf32> to vector<16xf32>
        %add3A_1157 = arith.addf %add3A_1135, %get3A_1156 : vector<16xf32>
        %get3A_1158 = arith.index_cast %scan3A_1142 : i32 to index
        %get3A_1159 = arith.constant 48 : index
        %get3A_1160 = tpu.vector_load %arg8[%get3A_1158, %get3A_1159] {strides = array<i32>} : memref<104x64xf32, #tpu.memory_space<vmem>>, vector<1x16xf32>,
        %get3A_1161 = vector.shape_cast %get3A_1160 : vector<1x16xf32> to vector<16xf32>
        %add3A_1162 = arith.addf %add3A_1140, %get3A_1161 : vector<16xf32>
        %scan3A_1163 = arith.constant 7 : i32
        %scan3A_1164 = arith.addi %scan3A_1006, %scan3A_1163 : i32
        %get3A_1165 = arith.index_cast %scan3A_1164 : i32 to index
        %get3A_1166 = arith.constant 0 : index
        %get3A_1167 = tpu.vector_load %arg8[%get3A_1165, %get3A_1166] {strides = array<i32>} : memref<104x64xf32, #tpu.memory_space<vmem>>, vector<1x16xf32>,
        %get3A_1168 = vector.shape_cast %get3A_1167 : vector<1x16xf32> to vector<16xf32>
        %add3A_1169 = arith.addf %add3A_1147, %get3A_1168 : vector<16xf32>
        %get3A_1170 = arith.index_cast %scan3A_1164 : i32 to index
        %get3A_1171 = arith.constant 16 : index
        %get3A_1172 = tpu.vector_load %arg8[%get3A_1170, %get3A_1171] {strides = array<i32>} : memref<104x64xf32, #tpu.memory_space<vmem>>, vector<1x16xf32>,
        %get3A_1173 = vector.shape_cast %get3A_1172 : vector<1x16xf32> to vector<16xf32>
        %add3A_1174 = arith.addf %add3A_1152, %get3A_1173 : vector<16xf32>
        %get3A_1175 = arith.index_cast %scan3A_1164 : i32 to index
        %get3A_1176 = arith.constant 32 : index
        %get3A_1177 = tpu.vector_load %arg8[%get3A_1175, %get3A_1176] {strides = array<i32>} : memref<104x64xf32, #tpu.memory_space<vmem>>, vector<1x16xf32>,
        %get3A_1178 = vector.shape_cast %get3A_1177 : vector<1x16xf32> to vector<16xf32>
        %add3A_1179 = arith.addf %add3A_1157, %get3A_1178 : vector<16xf32>
        %get3A_1180 = arith.index_cast %scan3A_1164 : i32 to index
        %get3A_1181 = arith.constant 48 : index
        %get3A_1182 = tpu.vector_load %arg8[%get3A_1180, %get3A_1181] {strides = array<i32>} : memref<104x64xf32, #tpu.memory_space<vmem>>, vector<1x16xf32>,
        %get3A_1183 = vector.shape_cast %get3A_1182 : vector<1x16xf32> to vector<16xf32>
        %add3A_1184 = arith.addf %add3A_1162, %get3A_1183 : vector<16xf32>
        scf.yield %add3A_1169, %add3A_1174, %add3A_1179, %add3A_1184 : vector<16xf32>, vector<16xf32>, vector<16xf32>, vector<16xf32>
      }
      %scan3A_325 = arith.constant 96 : i32
      %scan3A_326 = arith.addi %scan3A_320, %scan3A_325 : i32
      %get3A_327 = arith.index_cast %scan3A_326 : i32 to index
      %get3A_328 = arith.constant 0 : index
      %get3A_329 = tpu.vector_load %arg8[%get3A_327, %get3A_328] {strides = array<i32>} : memref<104x64xf32, #tpu.memory_space<vmem>>, vector<1x16xf32>,
      %get3A_330 = vector.shape_cast %get3A_329 : vector<1x16xf32> to vector<16xf32>
      %add3A_331 = arith.addf %scan3A_324#0, %get3A_330 : vector<16xf32>
      %get3A_332 = arith.index_cast %scan3A_326 : i32 to index
      %get3A_333 = arith.constant 16 : index
      %get3A_334 = tpu.vector_load %arg8[%get3A_332, %get3A_333] {strides = array<i32>} : memref<104x64xf32, #tpu.memory_space<vmem>>, vector<1x16xf32>,
      %get3A_335 = vector.shape_cast %get3A_334 : vector<1x16xf32> to vector<16xf32>
      %add3A_336 = arith.addf %scan3A_324#1, %get3A_335 : vector<16xf32>
      %get3A_337 = arith.index_cast %scan3A_326 : i32 to index
      %get3A_338 = arith.constant 32 : index
      %get3A_339 = tpu.vector_load %arg8[%get3A_337, %get3A_338] {strides = array<i32>} : memref<104x64xf32, #tpu.memory_space<vmem>>, vector<1x16xf32>,
      %get3A_340 = vector.shape_cast %get3A_339 : vector<1x16xf32> to vector<16xf32>
      %add3A_341 = arith.addf %scan3A_324#2, %get3A_340 : vector<16xf32>
      %get3A_342 = arith.index_cast %scan3A_326 : i32 to index
      %get3A_343 = arith.constant 48 : index
      %get3A_344 = tpu.vector_load %arg8[%get3A_342, %get3A_343] {strides = array<i32>} : memref<104x64xf32, #tpu.memory_space<vmem>>, vector<1x16xf32>,
      %get3A_345 = vector.shape_cast %get3A_344 : vector<1x16xf32> to vector<16xf32>
      %add3A_346 = arith.addf %scan3A_324#3, %get3A_345 : vector<16xf32>
      %scan3A_347 = arith.constant 97 : i32
      %scan3A_348 = arith.addi %scan3A_320, %scan3A_347 : i32
      %get3A_349 = arith.index_cast %scan3A_348 : i32 to index
      %get3A_350 = arith.constant 0 : index
      %get3A_351 = tpu.vector_load %arg8[%get3A_349, %get3A_350] {strides = array<i32>} : memref<104x64xf32, #tpu.memory_space<vmem>>, vector<1x16xf32>,
      %get3A_352 = vector.shape_cast %get3A_351 : vector<1x16xf32> to vector<16xf32>
      %add3A_353 = arith.addf %add3A_331, %get3A_352 : vector<16xf32>
      %get3A_354 = arith.index_cast %scan3A_348 : i32 to index
      %get3A_355 = arith.constant 16 : index
      %get3A_356 = tpu.vector_load %arg8[%get3A_354, %get3A_355] {strides = array<i32>} : memref<104x64xf32, #tpu.memory_space<vmem>>, vector<1x16xf32>,
      %get3A_357 = vector.shape_cast %get3A_356 : vector<1x16xf32> to vector<16xf32>
      %add3A_358 = arith.addf %add3A_336, %get3A_357 : vector<16xf32>
      %get3A_359 = arith.index_cast %scan3A_348 : i32 to index
      %get3A_360 = arith.constant 32 : index
      %get3A_361 = tpu.vector_load %arg8[%get3A_359, %get3A_360] {strides = array<i32>} : memref<104x64xf32, #tpu.memory_space<vmem>>, vector<1x16xf32>,
      %get3A_362 = vector.shape_cast %get3A_361 : vector<1x16xf32> to vector<16xf32>
      %add3A_363 = arith.addf %add3A_341, %get3A_362 : vector<16xf32>
      %get3A_364 = arith.index_cast %scan3A_348 : i32 to index
      %get3A_365 = arith.constant 48 : index
      %get3A_366 = tpu.vector_load %arg8[%get3A_364, %get3A_365] {strides = array<i32>} : memref<104x64xf32, #tpu.memory_space<vmem>>, vector<1x16xf32>,
      %get3A_367 = vector.shape_cast %get3A_366 : vector<1x16xf32> to vector<16xf32>
      %add3A_368 = arith.addf %add3A_346, %get3A_367 : vector<16xf32>
      %scan3A_369 = arith.constant 98 : i32
      %scan3A_370 = arith.addi %scan3A_320, %scan3A_369 : i32
      %get3A_371 = arith.index_cast %scan3A_370 : i32 to index
      %get3A_372 = arith.constant 0 : index
      %get3A_373 = tpu.vector_load %arg8[%get3A_371, %get3A_372] {strides = array<i32>} : memref<104x64xf32, #tpu.memory_space<vmem>>, vector<1x16xf32>,
      %get3A_374 = vector.shape_cast %get3A_373 : vector<1x16xf32> to vector<16xf32>
      %add3A_375 = arith.addf %add3A_353, %get3A_374 : vector<16xf32>
      %get3A_376 = arith.index_cast %scan3A_370 : i32 to index
      %get3A_377 = arith.constant 16 : index
      %get3A_378 = tpu.vector_load %arg8[%get3A_376, %get3A_377] {strides = array<i32>} : memref<104x64xf32, #tpu.memory_space<vmem>>, vector<1x16xf32>,
      %get3A_379 = vector.shape_cast %get3A_378 : vector<1x16xf32> to vector<16xf32>
      %add3A_380 = arith.addf %add3A_358, %get3A_379 : vector<16xf32>
      %get3A_381 = arith.index_cast %scan3A_370 : i32 to index
      %get3A_382 = arith.constant 32 : index
      %get3A_383 = tpu.vector_load %arg8[%get3A_381, %get3A_382] {strides = array<i32>} : memref<104x64xf32, #tpu.memory_space<vmem>>, vector<1x16xf32>,
      %get3A_384 = vector.shape_cast %get3A_383 : vector<1x16xf32> to vector<16xf32>
      %add3A_385 = arith.addf %add3A_363, %get3A_384 : vector<16xf32>
      %get3A_386 = arith.index_cast %scan3A_370 : i32 to index
      %get3A_387 = arith.constant 48 : index
      %get3A_388 = tpu.vector_load %arg8[%get3A_386, %get3A_387] {strides = array<i32>} : memref<104x64xf32, #tpu.memory_space<vmem>>, vector<1x16xf32>,
      %get3A_389 = vector.shape_cast %get3A_388 : vector<1x16xf32> to vector<16xf32>
      %add3A_390 = arith.addf %add3A_368, %get3A_389 : vector<16xf32>
      %scan3A_391 = arith.constant 99 : i32
      %scan3A_392 = arith.addi %scan3A_320, %scan3A_391 : i32
      %get3A_393 = arith.index_cast %scan3A_392 : i32 to index
      %get3A_394 = arith.constant 0 : index
      %get3A_395 = tpu.vector_load %arg8[%get3A_393, %get3A_394] {strides = array<i32>} : memref<104x64xf32, #tpu.memory_space<vmem>>, vector<1x16xf32>,
      %get3A_396 = vector.shape_cast %get3A_395 : vector<1x16xf32> to vector<16xf32>
      %add3A_397 = arith.addf %add3A_375, %get3A_396 : vector<16xf32>
      %get3A_398 = arith.index_cast %scan3A_392 : i32 to index
      %get3A_399 = arith.constant 16 : index
      %get3A_400 = tpu.vector_load %arg8[%get3A_398, %get3A_399] {strides = array<i32>} : memref<104x64xf32, #tpu.memory_space<vmem>>, vector<1x16xf32>,
      %get3A_401 = vector.shape_cast %get3A_400 : vector<1x16xf32> to vector<16xf32>
      %add3A_402 = arith.addf %add3A_380, %get3A_401 : vector<16xf32>
      %get3A_403 = arith.index_cast %scan3A_392 : i32 to index
      %get3A_404 = arith.constant 32 : index
      %get3A_405 = tpu.vector_load %arg8[%get3A_403, %get3A_404] {strides = array<i32>} : memref<104x64xf32, #tpu.memory_space<vmem>>, vector<1x16xf32>,
      %get3A_406 = vector.shape_cast %get3A_405 : vector<1x16xf32> to vector<16xf32>
      %add3A_407 = arith.addf %add3A_385, %get3A_406 : vector<16xf32>
      %get3A_408 = arith.index_cast %scan3A_392 : i32 to index
      %get3A_409 = arith.constant 48 : index
      %get3A_410 = tpu.vector_load %arg8[%get3A_408, %get3A_409] {strides = array<i32>} : memref<104x64xf32, #tpu.memory_space<vmem>>, vector<1x16xf32>,
      %get3A_411 = vector.shape_cast %get3A_410 : vector<1x16xf32> to vector<16xf32>
      %add3A_412 = arith.addf %add3A_390, %get3A_411 : vector<16xf32>
      %scan3A_413 = arith.constant 100 : i32
      %scan3A_414 = arith.addi %scan3A_320, %scan3A_413 : i32
      %get3A_415 = arith.index_cast %scan3A_414 : i32 to index
      %get3A_416 = arith.constant 0 : index
      %get3A_417 = tpu.vector_load %arg8[%get3A_415, %get3A_416] {strides = array<i32>} : memref<104x64xf32, #tpu.memory_space<vmem>>, vector<1x16xf32>,
      %get3A_418 = vector.shape_cast %get3A_417 : vector<1x16xf32> to vector<16xf32>
      %add3A_419 = arith.addf %add3A_397, %get3A_418 : vector<16xf32>
      %get3A_420 = arith.index_cast %scan3A_414 : i32 to index
      %get3A_421 = arith.constant 16 : index
      %get3A_422 = tpu.vector_load %arg8[%get3A_420, %get3A_421] {strides = array<i32>} : memref<104x64xf32, #tpu.memory_space<vmem>>, vector<1x16xf32>,
      %get3A_423 = vector.shape_cast %get3A_422 : vector<1x16xf32> to vector<16xf32>
      %add3A_424 = arith.addf %add3A_402, %get3A_423 : vector<16xf32>
      %get3A_425 = arith.index_cast %scan3A_414 : i32 to index
      %get3A_426 = arith.constant 32 : index
      %get3A_427 = tpu.vector_load %arg8[%get3A_425, %get3A_426] {strides = array<i32>} : memref<104x64xf32, #tpu.memory_space<vmem>>, vector<1x16xf32>,
      %get3A_428 = vector.shape_cast %get3A_427 : vector<1x16xf32> to vector<16xf32>
      %add3A_429 = arith.addf %add3A_407, %get3A_428 : vector<16xf32>
      %get3A_430 = arith.index_cast %scan3A_414 : i32 to index
      %get3A_431 = arith.constant 48 : index
      %get3A_432 = tpu.vector_load %arg8[%get3A_430, %get3A_431] {strides = array<i32>} : memref<104x64xf32, #tpu.memory_space<vmem>>, vector<1x16xf32>,
      %get3A_433 = vector.shape_cast %get3A_432 : vector<1x16xf32> to vector<16xf32>
      %add3A_434 = arith.addf %add3A_412, %get3A_433 : vector<16xf32>
      %scan3A_435 = arith.constant 101 : i32
      %scan3A_436 = arith.addi %scan3A_320, %scan3A_435 : i32
      %get3A_437 = arith.index_cast %scan3A_436 : i32 to index
      %get3A_438 = arith.constant 0 : index
      %get3A_439 = tpu.vector_load %arg8[%get3A_437, %get3A_438] {strides = array<i32>} : memref<104x64xf32, #tpu.memory_space<vmem>>, vector<1x16xf32>,
      %get3A_440 = vector.shape_cast %get3A_439 : vector<1x16xf32> to vector<16xf32>
      %add3A_441 = arith.addf %add3A_419, %get3A_440 : vector<16xf32>
      %get3A_442 = arith.index_cast %scan3A_436 : i32 to index
      %get3A_443 = arith.constant 16 : index
      %get3A_444 = tpu.vector_load %arg8[%get3A_442, %get3A_443] {strides = array<i32>} : memref<104x64xf32, #tpu.memory_space<vmem>>, vector<1x16xf32>,
      %get3A_445 = vector.shape_cast %get3A_444 : vector<1x16xf32> to vector<16xf32>
      %add3A_446 = arith.addf %add3A_424, %get3A_445 : vector<16xf32>
      %get3A_447 = arith.index_cast %scan3A_436 : i32 to index
      %get3A_448 = arith.constant 32 : index
      %get3A_449 = tpu.vector_load %arg8[%get3A_447, %get3A_448] {strides = array<i32>} : memref<104x64xf32, #tpu.memory_space<vmem>>, vector<1x16xf32>,
      %get3A_450 = vector.shape_cast %get3A_449 : vector<1x16xf32> to vector<16xf32>
      %add3A_451 = arith.addf %add3A_429, %get3A_450 : vector<16xf32>
      %get3A_452 = arith.index_cast %scan3A_436 : i32 to index
      %get3A_453 = arith.constant 48 : index
      %get3A_454 = tpu.vector_load %arg8[%get3A_452, %get3A_453] {strides = array<i32>} : memref<104x64xf32, #tpu.memory_space<vmem>>, vector<1x16xf32>,
      %get3A_455 = vector.shape_cast %get3A_454 : vector<1x16xf32> to vector<16xf32>
      %add3A_456 = arith.addf %add3A_434, %get3A_455 : vector<16xf32>
      %scan3A_457 = arith.constant 102 : i32
      %scan3A_458 = arith.addi %scan3A_320, %scan3A_457 : i32
      %get3A_459 = arith.index_cast %scan3A_458 : i32 to index
      %get3A_460 = arith.constant 0 : index
      %get3A_461 = tpu.vector_load %arg8[%get3A_459, %get3A_460] {strides = array<i32>} : memref<104x64xf32, #tpu.memory_space<vmem>>, vector<1x16xf32>,
      %get3A_462 = vector.shape_cast %get3A_461 : vector<1x16xf32> to vector<16xf32>
      %add3A_463 = arith.addf %add3A_441, %get3A_462 : vector<16xf32>
      %get3A_464 = arith.index_cast %scan3A_458 : i32 to index
      %get3A_465 = arith.constant 16 : index
      %get3A_466 = tpu.vector_load %arg8[%get3A_464, %get3A_465] {strides = array<i32>} : memref<104x64xf32, #tpu.memory_space<vmem>>, vector<1x16xf32>,
      %get3A_467 = vector.shape_cast %get3A_466 : vector<1x16xf32> to vector<16xf32>
      %add3A_468 = arith.addf %add3A_446, %get3A_467 : vector<16xf32>
      %get3A_469 = arith.index_cast %scan3A_458 : i32 to index
      %get3A_470 = arith.constant 32 : index
      %get3A_471 = tpu.vector_load %arg8[%get3A_469, %get3A_470] {strides = array<i32>} : memref<104x64xf32, #tpu.memory_space<vmem>>, vector<1x16xf32>,
      %get3A_472 = vector.shape_cast %get3A_471 : vector<1x16xf32> to vector<16xf32>
      %add3A_473 = arith.addf %add3A_451, %get3A_472 : vector<16xf32>
      %get3A_474 = arith.index_cast %scan3A_458 : i32 to index
      %get3A_475 = arith.constant 48 : index
      %get3A_476 = tpu.vector_load %arg8[%get3A_474, %get3A_475] {strides = array<i32>} : memref<104x64xf32, #tpu.memory_space<vmem>>, vector<1x16xf32>,
      %get3A_477 = vector.shape_cast %get3A_476 : vector<1x16xf32> to vector<16xf32>
      %add3A_478 = arith.addf %add3A_456, %get3A_477 : vector<16xf32>
      %scan3A_479 = arith.constant 103 : i32
      %convert_element_type3A_480 = arith.extui %lt3A_59 : i1 to i32
      %cond3A_481 = arith.constant 0 : i32
      %cond3A_482 = arith.cmpi ne, %convert_element_type3A_480, %cond3A_481 : i32
      scf.if %cond3A_482 {
        %add3A_1006 = arith.constant 4 : i32
        %add3A_1007 = arith.addi %add3A_294, %add3A_1006 : i32
        %mul3A_1008 = arith.constant 200 : i32
        %mul3A_1009 = arith.muli %add3A_1007, %mul3A_1008 : i32
        %dma_start3A_1010 = tpu.memref_slice %arg5[%mul3A_1009] : memref<25600xi32, #tpu.memory_space<vmem>> -> memref<104xi32, #tpu.memory_space<vmem>>
        %dma_start3A_1011 = arith.constant 0 : i32
        %dma_start3A_1012 = arith.constant 0 : i32
        %dma_start3A_1013 = tpu.memref_slice %arg3[%dma_start3A_1011, %dma_start3A_1012] : memref<2000000x64xf32, #tpu.memory_space<hbm>> -> memref<2000000x64xf32, #tpu.memory_space<hbm>>
        tpu.enqueue_indirect_dma source(%dma_start3A_1013 : memref<2000000x64xf32, #tpu.memory_space<hbm>>) target(%arg8 : memref<104x64xf32, #tpu.memory_space<vmem>>) offsets(%dma_start3A_1010 : memref<104xi32, #tpu.memory_space<vmem>>) semaphore(%arg17 : memref<!tpu.dma_semaphore, #tpu.memory_space<semaphore_mem>>)
      } else {
      }
      %dma_wait3A_483 = arith.constant 0 : i32
      %dma_wait3A_484 = tpu.memref_slice %arg5[%dma_wait3A_483] : memref<25600xi32, #tpu.memory_space<vmem>> -> memref<96xi32, #tpu.memory_space<vmem>>
      %dma_wait3A_485 = arith.constant 0 : i32
      %dma_wait3A_486 = arith.constant 0 : i32
      %dma_wait3A_487 = tpu.memref_slice %arg3[%dma_wait3A_485, %dma_wait3A_486] : memref<2000000x64xf32, #tpu.memory_space<hbm>> -> memref<2000000x64xf32, #tpu.memory_space<hbm>>
      tpu.wait_indirect_dma semaphore(%arg18 : memref<!tpu.dma_semaphore, #tpu.memory_space<semaphore_mem>>) src(%dma_wait3A_487 : memref<2000000x64xf32, #tpu.memory_space<hbm>>) dst(%arg9 : memref<96x64xf32, #tpu.memory_space<vmem>>)
      %scan3A_488 = arith.constant 0 : i32
      %scan3A_489 = arith.constant 96 : i32
      %scan3A_490 = arith.addi %scan3A_488, %scan3A_489 : i32
      %scan3A_491 = arith.constant 8 : i32
      %scan3A_492:4 = scf.for %scan3A_1006 = %scan3A_488 to %scan3A_490 step %scan3A_491 iter_args(%scan3A_1007 = %add3A_463, %scan3A_1008 = %add3A_468, %scan3A_1009 = %add3A_473, %scan3A_1010 = %add3A_478) -> (vector<16xf32>, vector<16xf32>, vector<16xf32>, vector<16xf32>)  : i32 {
        %get3A_1011 = arith.index_cast %scan3A_1006 : i32 to index
        %get3A_1012 = arith.constant 0 : index
        %get3A_1013 = tpu.vector_load %arg9[%get3A_1011, %get3A_1012] {strides = array<i32>} : memref<96x64xf32, #tpu.memory_space<vmem>>, vector<1x16xf32>,
        %get3A_1014 = vector.shape_cast %get3A_1013 : vector<1x16xf32> to vector<16xf32>
        %add3A_1015 = arith.addf %scan3A_1007, %get3A_1014 : vector<16xf32>
        %get3A_1016 = arith.index_cast %scan3A_1006 : i32 to index
        %get3A_1017 = arith.constant 16 : index
        %get3A_1018 = tpu.vector_load %arg9[%get3A_1016, %get3A_1017] {strides = array<i32>} : memref<96x64xf32, #tpu.memory_space<vmem>>, vector<1x16xf32>,
        %get3A_1019 = vector.shape_cast %get3A_1018 : vector<1x16xf32> to vector<16xf32>
        %add3A_1020 = arith.addf %scan3A_1008, %get3A_1019 : vector<16xf32>
        %get3A_1021 = arith.index_cast %scan3A_1006 : i32 to index
        %get3A_1022 = arith.constant 32 : index
        %get3A_1023 = tpu.vector_load %arg9[%get3A_1021, %get3A_1022] {strides = array<i32>} : memref<96x64xf32, #tpu.memory_space<vmem>>, vector<1x16xf32>,
        %get3A_1024 = vector.shape_cast %get3A_1023 : vector<1x16xf32> to vector<16xf32>
        %add3A_1025 = arith.addf %scan3A_1009, %get3A_1024 : vector<16xf32>
        %get3A_1026 = arith.index_cast %scan3A_1006 : i32 to index
        %get3A_1027 = arith.constant 48 : index
        %get3A_1028 = tpu.vector_load %arg9[%get3A_1026, %get3A_1027] {strides = array<i32>} : memref<96x64xf32, #tpu.memory_space<vmem>>, vector<1x16xf32>,
        %get3A_1029 = vector.shape_cast %get3A_1028 : vector<1x16xf32> to vector<16xf32>
        %add3A_1030 = arith.addf %scan3A_1010, %get3A_1029 : vector<16xf32>
        %scan3A_1031 = arith.constant 1 : i32
        %scan3A_1032 = arith.addi %scan3A_1006, %scan3A_1031 : i32
        %get3A_1033 = arith.index_cast %scan3A_1032 : i32 to index
        %get3A_1034 = arith.constant 0 : index
        %get3A_1035 = tpu.vector_load %arg9[%get3A_1033, %get3A_1034] {strides = array<i32>} : memref<96x64xf32, #tpu.memory_space<vmem>>, vector<1x16xf32>,
        %get3A_1036 = vector.shape_cast %get3A_1035 : vector<1x16xf32> to vector<16xf32>
        %add3A_1037 = arith.addf %add3A_1015, %get3A_1036 : vector<16xf32>
        %get3A_1038 = arith.index_cast %scan3A_1032 : i32 to index
        %get3A_1039 = arith.constant 16 : index
        %get3A_1040 = tpu.vector_load %arg9[%get3A_1038, %get3A_1039] {strides = array<i32>} : memref<96x64xf32, #tpu.memory_space<vmem>>, vector<1x16xf32>,
        %get3A_1041 = vector.shape_cast %get3A_1040 : vector<1x16xf32> to vector<16xf32>
        %add3A_1042 = arith.addf %add3A_1020, %get3A_1041 : vector<16xf32>
        %get3A_1043 = arith.index_cast %scan3A_1032 : i32 to index
        %get3A_1044 = arith.constant 32 : index
        %get3A_1045 = tpu.vector_load %arg9[%get3A_1043, %get3A_1044] {strides = array<i32>} : memref<96x64xf32, #tpu.memory_space<vmem>>, vector<1x16xf32>,
        %get3A_1046 = vector.shape_cast %get3A_1045 : vector<1x16xf32> to vector<16xf32>
        %add3A_1047 = arith.addf %add3A_1025, %get3A_1046 : vector<16xf32>
        %get3A_1048 = arith.index_cast %scan3A_1032 : i32 to index
        %get3A_1049 = arith.constant 48 : index
        %get3A_1050 = tpu.vector_load %arg9[%get3A_1048, %get3A_1049] {strides = array<i32>} : memref<96x64xf32, #tpu.memory_space<vmem>>, vector<1x16xf32>,
        %get3A_1051 = vector.shape_cast %get3A_1050 : vector<1x16xf32> to vector<16xf32>
        %add3A_1052 = arith.addf %add3A_1030, %get3A_1051 : vector<16xf32>
        %scan3A_1053 = arith.constant 2 : i32
        %scan3A_1054 = arith.addi %scan3A_1006, %scan3A_1053 : i32
        %get3A_1055 = arith.index_cast %scan3A_1054 : i32 to index
        %get3A_1056 = arith.constant 0 : index
        %get3A_1057 = tpu.vector_load %arg9[%get3A_1055, %get3A_1056] {strides = array<i32>} : memref<96x64xf32, #tpu.memory_space<vmem>>, vector<1x16xf32>,
        %get3A_1058 = vector.shape_cast %get3A_1057 : vector<1x16xf32> to vector<16xf32>
        %add3A_1059 = arith.addf %add3A_1037, %get3A_1058 : vector<16xf32>
        %get3A_1060 = arith.index_cast %scan3A_1054 : i32 to index
        %get3A_1061 = arith.constant 16 : index
        %get3A_1062 = tpu.vector_load %arg9[%get3A_1060, %get3A_1061] {strides = array<i32>} : memref<96x64xf32, #tpu.memory_space<vmem>>, vector<1x16xf32>,
        %get3A_1063 = vector.shape_cast %get3A_1062 : vector<1x16xf32> to vector<16xf32>
        %add3A_1064 = arith.addf %add3A_1042, %get3A_1063 : vector<16xf32>
        %get3A_1065 = arith.index_cast %scan3A_1054 : i32 to index
        %get3A_1066 = arith.constant 32 : index
        %get3A_1067 = tpu.vector_load %arg9[%get3A_1065, %get3A_1066] {strides = array<i32>} : memref<96x64xf32, #tpu.memory_space<vmem>>, vector<1x16xf32>,
        %get3A_1068 = vector.shape_cast %get3A_1067 : vector<1x16xf32> to vector<16xf32>
        %add3A_1069 = arith.addf %add3A_1047, %get3A_1068 : vector<16xf32>
        %get3A_1070 = arith.index_cast %scan3A_1054 : i32 to index
        %get3A_1071 = arith.constant 48 : index
        %get3A_1072 = tpu.vector_load %arg9[%get3A_1070, %get3A_1071] {strides = array<i32>} : memref<96x64xf32, #tpu.memory_space<vmem>>, vector<1x16xf32>,
        %get3A_1073 = vector.shape_cast %get3A_1072 : vector<1x16xf32> to vector<16xf32>
        %add3A_1074 = arith.addf %add3A_1052, %get3A_1073 : vector<16xf32>
        %scan3A_1075 = arith.constant 3 : i32
        %scan3A_1076 = arith.addi %scan3A_1006, %scan3A_1075 : i32
        %get3A_1077 = arith.index_cast %scan3A_1076 : i32 to index
        %get3A_1078 = arith.constant 0 : index
        %get3A_1079 = tpu.vector_load %arg9[%get3A_1077, %get3A_1078] {strides = array<i32>} : memref<96x64xf32, #tpu.memory_space<vmem>>, vector<1x16xf32>,
        %get3A_1080 = vector.shape_cast %get3A_1079 : vector<1x16xf32> to vector<16xf32>
        %add3A_1081 = arith.addf %add3A_1059, %get3A_1080 : vector<16xf32>
        %get3A_1082 = arith.index_cast %scan3A_1076 : i32 to index
        %get3A_1083 = arith.constant 16 : index
        %get3A_1084 = tpu.vector_load %arg9[%get3A_1082, %get3A_1083] {strides = array<i32>} : memref<96x64xf32, #tpu.memory_space<vmem>>, vector<1x16xf32>,
        %get3A_1085 = vector.shape_cast %get3A_1084 : vector<1x16xf32> to vector<16xf32>
        %add3A_1086 = arith.addf %add3A_1064, %get3A_1085 : vector<16xf32>
        %get3A_1087 = arith.index_cast %scan3A_1076 : i32 to index
        %get3A_1088 = arith.constant 32 : index
        %get3A_1089 = tpu.vector_load %arg9[%get3A_1087, %get3A_1088] {strides = array<i32>} : memref<96x64xf32, #tpu.memory_space<vmem>>, vector<1x16xf32>,
        %get3A_1090 = vector.shape_cast %get3A_1089 : vector<1x16xf32> to vector<16xf32>
        %add3A_1091 = arith.addf %add3A_1069, %get3A_1090 : vector<16xf32>
        %get3A_1092 = arith.index_cast %scan3A_1076 : i32 to index
        %get3A_1093 = arith.constant 48 : index
        %get3A_1094 = tpu.vector_load %arg9[%get3A_1092, %get3A_1093] {strides = array<i32>} : memref<96x64xf32, #tpu.memory_space<vmem>>, vector<1x16xf32>,
        %get3A_1095 = vector.shape_cast %get3A_1094 : vector<1x16xf32> to vector<16xf32>
        %add3A_1096 = arith.addf %add3A_1074, %get3A_1095 : vector<16xf32>
        %scan3A_1097 = arith.constant 4 : i32
        %scan3A_1098 = arith.addi %scan3A_1006, %scan3A_1097 : i32
        %get3A_1099 = arith.index_cast %scan3A_1098 : i32 to index
        %get3A_1100 = arith.constant 0 : index
        %get3A_1101 = tpu.vector_load %arg9[%get3A_1099, %get3A_1100] {strides = array<i32>} : memref<96x64xf32, #tpu.memory_space<vmem>>, vector<1x16xf32>,
        %get3A_1102 = vector.shape_cast %get3A_1101 : vector<1x16xf32> to vector<16xf32>
        %add3A_1103 = arith.addf %add3A_1081, %get3A_1102 : vector<16xf32>
        %get3A_1104 = arith.index_cast %scan3A_1098 : i32 to index
        %get3A_1105 = arith.constant 16 : index
        %get3A_1106 = tpu.vector_load %arg9[%get3A_1104, %get3A_1105] {strides = array<i32>} : memref<96x64xf32, #tpu.memory_space<vmem>>, vector<1x16xf32>,
        %get3A_1107 = vector.shape_cast %get3A_1106 : vector<1x16xf32> to vector<16xf32>
        %add3A_1108 = arith.addf %add3A_1086, %get3A_1107 : vector<16xf32>
        %get3A_1109 = arith.index_cast %scan3A_1098 : i32 to index
        %get3A_1110 = arith.constant 32 : index
        %get3A_1111 = tpu.vector_load %arg9[%get3A_1109, %get3A_1110] {strides = array<i32>} : memref<96x64xf32, #tpu.memory_space<vmem>>, vector<1x16xf32>,
        %get3A_1112 = vector.shape_cast %get3A_1111 : vector<1x16xf32> to vector<16xf32>
        %add3A_1113 = arith.addf %add3A_1091, %get3A_1112 : vector<16xf32>
        %get3A_1114 = arith.index_cast %scan3A_1098 : i32 to index
        %get3A_1115 = arith.constant 48 : index
        %get3A_1116 = tpu.vector_load %arg9[%get3A_1114, %get3A_1115] {strides = array<i32>} : memref<96x64xf32, #tpu.memory_space<vmem>>, vector<1x16xf32>,
        %get3A_1117 = vector.shape_cast %get3A_1116 : vector<1x16xf32> to vector<16xf32>
        %add3A_1118 = arith.addf %add3A_1096, %get3A_1117 : vector<16xf32>
        %scan3A_1119 = arith.constant 5 : i32
        %scan3A_1120 = arith.addi %scan3A_1006, %scan3A_1119 : i32
        %get3A_1121 = arith.index_cast %scan3A_1120 : i32 to index
        %get3A_1122 = arith.constant 0 : index
        %get3A_1123 = tpu.vector_load %arg9[%get3A_1121, %get3A_1122] {strides = array<i32>} : memref<96x64xf32, #tpu.memory_space<vmem>>, vector<1x16xf32>,
        %get3A_1124 = vector.shape_cast %get3A_1123 : vector<1x16xf32> to vector<16xf32>
        %add3A_1125 = arith.addf %add3A_1103, %get3A_1124 : vector<16xf32>
        %get3A_1126 = arith.index_cast %scan3A_1120 : i32 to index
        %get3A_1127 = arith.constant 16 : index
        %get3A_1128 = tpu.vector_load %arg9[%get3A_1126, %get3A_1127] {strides = array<i32>} : memref<96x64xf32, #tpu.memory_space<vmem>>, vector<1x16xf32>,
        %get3A_1129 = vector.shape_cast %get3A_1128 : vector<1x16xf32> to vector<16xf32>
        %add3A_1130 = arith.addf %add3A_1108, %get3A_1129 : vector<16xf32>
        %get3A_1131 = arith.index_cast %scan3A_1120 : i32 to index
        %get3A_1132 = arith.constant 32 : index
        %get3A_1133 = tpu.vector_load %arg9[%get3A_1131, %get3A_1132] {strides = array<i32>} : memref<96x64xf32, #tpu.memory_space<vmem>>, vector<1x16xf32>,
        %get3A_1134 = vector.shape_cast %get3A_1133 : vector<1x16xf32> to vector<16xf32>
        %add3A_1135 = arith.addf %add3A_1113, %get3A_1134 : vector<16xf32>
        %get3A_1136 = arith.index_cast %scan3A_1120 : i32 to index
        %get3A_1137 = arith.constant 48 : index
        %get3A_1138 = tpu.vector_load %arg9[%get3A_1136, %get3A_1137] {strides = array<i32>} : memref<96x64xf32, #tpu.memory_space<vmem>>, vector<1x16xf32>,
        %get3A_1139 = vector.shape_cast %get3A_1138 : vector<1x16xf32> to vector<16xf32>
        %add3A_1140 = arith.addf %add3A_1118, %get3A_1139 : vector<16xf32>
        %scan3A_1141 = arith.constant 6 : i32
        %scan3A_1142 = arith.addi %scan3A_1006, %scan3A_1141 : i32
        %get3A_1143 = arith.index_cast %scan3A_1142 : i32 to index
        %get3A_1144 = arith.constant 0 : index
        %get3A_1145 = tpu.vector_load %arg9[%get3A_1143, %get3A_1144] {strides = array<i32>} : memref<96x64xf32, #tpu.memory_space<vmem>>, vector<1x16xf32>,
        %get3A_1146 = vector.shape_cast %get3A_1145 : vector<1x16xf32> to vector<16xf32>
        %add3A_1147 = arith.addf %add3A_1125, %get3A_1146 : vector<16xf32>
        %get3A_1148 = arith.index_cast %scan3A_1142 : i32 to index
        %get3A_1149 = arith.constant 16 : index
        %get3A_1150 = tpu.vector_load %arg9[%get3A_1148, %get3A_1149] {strides = array<i32>} : memref<96x64xf32, #tpu.memory_space<vmem>>, vector<1x16xf32>,
        %get3A_1151 = vector.shape_cast %get3A_1150 : vector<1x16xf32> to vector<16xf32>
        %add3A_1152 = arith.addf %add3A_1130, %get3A_1151 : vector<16xf32>
        %get3A_1153 = arith.index_cast %scan3A_1142 : i32 to index
        %get3A_1154 = arith.constant 32 : index
        %get3A_1155 = tpu.vector_load %arg9[%get3A_1153, %get3A_1154] {strides = array<i32>} : memref<96x64xf32, #tpu.memory_space<vmem>>, vector<1x16xf32>,
        %get3A_1156 = vector.shape_cast %get3A_1155 : vector<1x16xf32> to vector<16xf32>
        %add3A_1157 = arith.addf %add3A_1135, %get3A_1156 : vector<16xf32>
        %get3A_1158 = arith.index_cast %scan3A_1142 : i32 to index
        %get3A_1159 = arith.constant 48 : index
        %get3A_1160 = tpu.vector_load %arg9[%get3A_1158, %get3A_1159] {strides = array<i32>} : memref<96x64xf32, #tpu.memory_space<vmem>>, vector<1x16xf32>,
        %get3A_1161 = vector.shape_cast %get3A_1160 : vector<1x16xf32> to vector<16xf32>
        %add3A_1162 = arith.addf %add3A_1140, %get3A_1161 : vector<16xf32>
        %scan3A_1163 = arith.constant 7 : i32
        %scan3A_1164 = arith.addi %scan3A_1006, %scan3A_1163 : i32
        %get3A_1165 = arith.index_cast %scan3A_1164 : i32 to index
        %get3A_1166 = arith.constant 0 : index
        %get3A_1167 = tpu.vector_load %arg9[%get3A_1165, %get3A_1166] {strides = array<i32>} : memref<96x64xf32, #tpu.memory_space<vmem>>, vector<1x16xf32>,
        %get3A_1168 = vector.shape_cast %get3A_1167 : vector<1x16xf32> to vector<16xf32>
        %add3A_1169 = arith.addf %add3A_1147, %get3A_1168 : vector<16xf32>
        %get3A_1170 = arith.index_cast %scan3A_1164 : i32 to index
        %get3A_1171 = arith.constant 16 : index
        %get3A_1172 = tpu.vector_load %arg9[%get3A_1170, %get3A_1171] {strides = array<i32>} : memref<96x64xf32, #tpu.memory_space<vmem>>, vector<1x16xf32>,
        %get3A_1173 = vector.shape_cast %get3A_1172 : vector<1x16xf32> to vector<16xf32>
        %add3A_1174 = arith.addf %add3A_1152, %get3A_1173 : vector<16xf32>
        %get3A_1175 = arith.index_cast %scan3A_1164 : i32 to index
        %get3A_1176 = arith.constant 32 : index
        %get3A_1177 = tpu.vector_load %arg9[%get3A_1175, %get3A_1176] {strides = array<i32>} : memref<96x64xf32, #tpu.memory_space<vmem>>, vector<1x16xf32>,
        %get3A_1178 = vector.shape_cast %get3A_1177 : vector<1x16xf32> to vector<16xf32>
        %add3A_1179 = arith.addf %add3A_1157, %get3A_1178 : vector<16xf32>
        %get3A_1180 = arith.index_cast %scan3A_1164 : i32 to index
        %get3A_1181 = arith.constant 48 : index
        %get3A_1182 = tpu.vector_load %arg9[%get3A_1180, %get3A_1181] {strides = array<i32>} : memref<96x64xf32, #tpu.memory_space<vmem>>, vector<1x16xf32>,
        %get3A_1183 = vector.shape_cast %get3A_1182 : vector<1x16xf32> to vector<16xf32>
        %add3A_1184 = arith.addf %add3A_1162, %get3A_1183 : vector<16xf32>
        scf.yield %add3A_1169, %add3A_1174, %add3A_1179, %add3A_1184 : vector<16xf32>, vector<16xf32>, vector<16xf32>, vector<16xf32>
      }
      %scan3A_493 = arith.constant 96 : i32
      %convert_element_type3A_494 = arith.extui %lt3A_59 : i1 to i32
      %cond3A_495 = arith.constant 0 : i32
      %cond3A_496 = arith.cmpi ne, %convert_element_type3A_494, %cond3A_495 : i32
      scf.if %cond3A_496 {
        %add3A_1006 = arith.constant 4 : i32
        %add3A_1007 = arith.addi %add3A_294, %add3A_1006 : i32
        %mul3A_1008 = arith.constant 200 : i32
        %mul3A_1009 = arith.muli %add3A_1007, %mul3A_1008 : i32
        %add3A_1010 = arith.constant 104 : i32
        %add3A_1011 = arith.addi %mul3A_1009, %add3A_1010 : i32
        %dma_start3A_1012 = tpu.memref_slice %arg5[%add3A_1011] : memref<25600xi32, #tpu.memory_space<vmem>> -> memref<96xi32, #tpu.memory_space<vmem>>
        %dma_start3A_1013 = arith.constant 0 : i32
        %dma_start3A_1014 = arith.constant 0 : i32
        %dma_start3A_1015 = tpu.memref_slice %arg3[%dma_start3A_1013, %dma_start3A_1014] : memref<2000000x64xf32, #tpu.memory_space<hbm>> -> memref<2000000x64xf32, #tpu.memory_space<hbm>>
        tpu.enqueue_indirect_dma source(%dma_start3A_1015 : memref<2000000x64xf32, #tpu.memory_space<hbm>>) target(%arg9 : memref<96x64xf32, #tpu.memory_space<vmem>>) offsets(%dma_start3A_1012 : memref<96xi32, #tpu.memory_space<vmem>>) semaphore(%arg18 : memref<!tpu.dma_semaphore, #tpu.memory_space<semaphore_mem>>)
      } else {
      }
      %mul3A_497 = arith.constant 5.000000e-03 : f32
      %mul3A_498 = vector.broadcast %mul3A_497 : f32 to vector<16xf32>
      %mul3A_499 = arith.mulf %scan3A_492#0, %mul3A_498 : vector<16xf32>
      %swap3A_500 = arith.index_cast %add3A_294 : i32 to index
      %swap3A_501 = arith.constant 0 : index
      %swap3A_502 = tpu.vector_load %arg14[%swap3A_500, %swap3A_501] {strides = array<i32>} : memref<128x64xf32, #tpu.memory_space<vmem>>, vector<1x16xf32>,
      %swap3A_503 = vector.shape_cast %swap3A_502 : vector<1x16xf32> to vector<16xf32>
      %swap3A_504 = vector.shape_cast %mul3A_499 : vector<16xf32> to vector<1x16xf32>
      tpu.vector_store %arg14[%swap3A_500, %swap3A_501], %swap3A_504 {strides = array<i32>} : memref<128x64xf32, #tpu.memory_space<vmem>>, vector<1x16xf32>,
      %mul3A_505 = arith.constant 5.000000e-03 : f32
      %mul3A_506 = vector.broadcast %mul3A_505 : f32 to vector<16xf32>
      %mul3A_507 = arith.mulf %scan3A_492#1, %mul3A_506 : vector<16xf32>
      %swap3A_508 = arith.index_cast %add3A_294 : i32 to index
      %swap3A_509 = arith.constant 16 : index
      %swap3A_510 = tpu.vector_load %arg14[%swap3A_508, %swap3A_509] {strides = array<i32>} : memref<128x64xf32, #tpu.memory_space<vmem>>, vector<1x16xf32>,
      %swap3A_511 = vector.shape_cast %swap3A_510 : vector<1x16xf32> to vector<16xf32>
      %swap3A_512 = vector.shape_cast %mul3A_507 : vector<16xf32> to vector<1x16xf32>
      tpu.vector_store %arg14[%swap3A_508, %swap3A_509], %swap3A_512 {strides = array<i32>} : memref<128x64xf32, #tpu.memory_space<vmem>>, vector<1x16xf32>,
      %mul3A_513 = arith.constant 5.000000e-03 : f32
      %mul3A_514 = vector.broadcast %mul3A_513 : f32 to vector<16xf32>
      %mul3A_515 = arith.mulf %scan3A_492#2, %mul3A_514 : vector<16xf32>
      %swap3A_516 = arith.index_cast %add3A_294 : i32 to index
      %swap3A_517 = arith.constant 32 : index
      %swap3A_518 = tpu.vector_load %arg14[%swap3A_516, %swap3A_517] {strides = array<i32>} : memref<128x64xf32, #tpu.memory_space<vmem>>, vector<1x16xf32>,
      %swap3A_519 = vector.shape_cast %swap3A_518 : vector<1x16xf32> to vector<16xf32>
      %swap3A_520 = vector.shape_cast %mul3A_515 : vector<16xf32> to vector<1x16xf32>
      tpu.vector_store %arg14[%swap3A_516, %swap3A_517], %swap3A_520 {strides = array<i32>} : memref<128x64xf32, #tpu.memory_space<vmem>>, vector<1x16xf32>,
      %mul3A_521 = arith.constant 5.000000e-03 : f32
      %mul3A_522 = vector.broadcast %mul3A_521 : f32 to vector<16xf32>
      %mul3A_523 = arith.mulf %scan3A_492#3, %mul3A_522 : vector<16xf32>
      %swap3A_524 = arith.index_cast %add3A_294 : i32 to index
      %swap3A_525 = arith.constant 48 : index
      %swap3A_526 = tpu.vector_load %arg14[%swap3A_524, %swap3A_525] {strides = array<i32>} : memref<128x64xf32, #tpu.memory_space<vmem>>, vector<1x16xf32>,
      %swap3A_527 = vector.shape_cast %swap3A_526 : vector<1x16xf32> to vector<16xf32>
      %swap3A_528 = vector.shape_cast %mul3A_523 : vector<16xf32> to vector<1x16xf32>
      tpu.vector_store %arg14[%swap3A_524, %swap3A_525], %swap3A_528 {strides = array<i32>} : memref<128x64xf32, #tpu.memory_space<vmem>>, vector<1x16xf32>,
      %mul3A_529 = arith.constant 4 : i32
      %mul3A_530 = arith.muli %mul3A_529, %scan3A_57 : i32
      %add3A_531 = arith.constant 2 : i32
      %add3A_532 = arith.addi %mul3A_530, %add3A_531 : i32
      %dma_wait3A_533 = arith.constant 0 : i32
      %dma_wait3A_534 = tpu.memref_slice %arg5[%dma_wait3A_533] : memref<25600xi32, #tpu.memory_space<vmem>> -> memref<104xi32, #tpu.memory_space<vmem>>
      %dma_wait3A_535 = arith.constant 0 : i32
      %dma_wait3A_536 = arith.constant 0 : i32
      %dma_wait3A_537 = tpu.memref_slice %arg3[%dma_wait3A_535, %dma_wait3A_536] : memref<2000000x64xf32, #tpu.memory_space<hbm>> -> memref<2000000x64xf32, #tpu.memory_space<hbm>>
      tpu.wait_indirect_dma semaphore(%arg19 : memref<!tpu.dma_semaphore, #tpu.memory_space<semaphore_mem>>) src(%dma_wait3A_537 : memref<2000000x64xf32, #tpu.memory_space<hbm>>) dst(%arg10 : memref<104x64xf32, #tpu.memory_space<vmem>>)
      %get3A_538 = arith.constant 0 : i32
      %get3A_539 = arith.index_cast %get3A_538 : i32 to index
      %get3A_540 = arith.constant 0 : index
      %get3A_541 = tpu.vector_load %arg10[%get3A_539, %get3A_540] {strides = array<i32>} : memref<104x64xf32, #tpu.memory_space<vmem>>, vector<1x16xf32>,
      %get3A_542 = vector.shape_cast %get3A_541 : vector<1x16xf32> to vector<16xf32>
      %get3A_543 = arith.constant 0 : i32
      %get3A_544 = arith.index_cast %get3A_543 : i32 to index
      %get3A_545 = arith.constant 16 : index
      %get3A_546 = tpu.vector_load %arg10[%get3A_544, %get3A_545] {strides = array<i32>} : memref<104x64xf32, #tpu.memory_space<vmem>>, vector<1x16xf32>,
      %get3A_547 = vector.shape_cast %get3A_546 : vector<1x16xf32> to vector<16xf32>
      %get3A_548 = arith.constant 0 : i32
      %get3A_549 = arith.index_cast %get3A_548 : i32 to index
      %get3A_550 = arith.constant 32 : index
      %get3A_551 = tpu.vector_load %arg10[%get3A_549, %get3A_550] {strides = array<i32>} : memref<104x64xf32, #tpu.memory_space<vmem>>, vector<1x16xf32>,
      %get3A_552 = vector.shape_cast %get3A_551 : vector<1x16xf32> to vector<16xf32>
      %get3A_553 = arith.constant 0 : i32
      %get3A_554 = arith.index_cast %get3A_553 : i32 to index
      %get3A_555 = arith.constant 48 : index
      %get3A_556 = tpu.vector_load %arg10[%get3A_554, %get3A_555] {strides = array<i32>} : memref<104x64xf32, #tpu.memory_space<vmem>>, vector<1x16xf32>,
      %get3A_557 = vector.shape_cast %get3A_556 : vector<1x16xf32> to vector<16xf32>
      %scan3A_558 = arith.constant 1 : i32
      %scan3A_559 = arith.constant 96 : i32
      %scan3A_560 = arith.addi %scan3A_558, %scan3A_559 : i32
      %scan3A_561 = arith.constant 8 : i32
      %scan3A_562:4 = scf.for %scan3A_1006 = %scan3A_558 to %scan3A_560 step %scan3A_561 iter_args(%scan3A_1007 = %get3A_542, %scan3A_1008 = %get3A_547, %scan3A_1009 = %get3A_552, %scan3A_1010 = %get3A_557) -> (vector<16xf32>, vector<16xf32>, vector<16xf32>, vector<16xf32>)  : i32 {
        %get3A_1011 = arith.index_cast %scan3A_1006 : i32 to index
        %get3A_1012 = arith.constant 0 : index
        %get3A_1013 = tpu.vector_load %arg10[%get3A_1011, %get3A_1012] {strides = array<i32>} : memref<104x64xf32, #tpu.memory_space<vmem>>, vector<1x16xf32>,
        %get3A_1014 = vector.shape_cast %get3A_1013 : vector<1x16xf32> to vector<16xf32>
        %add3A_1015 = arith.addf %scan3A_1007, %get3A_1014 : vector<16xf32>
        %get3A_1016 = arith.index_cast %scan3A_1006 : i32 to index
        %get3A_1017 = arith.constant 16 : index
        %get3A_1018 = tpu.vector_load %arg10[%get3A_1016, %get3A_1017] {strides = array<i32>} : memref<104x64xf32, #tpu.memory_space<vmem>>, vector<1x16xf32>,
        %get3A_1019 = vector.shape_cast %get3A_1018 : vector<1x16xf32> to vector<16xf32>
        %add3A_1020 = arith.addf %scan3A_1008, %get3A_1019 : vector<16xf32>
        %get3A_1021 = arith.index_cast %scan3A_1006 : i32 to index
        %get3A_1022 = arith.constant 32 : index
        %get3A_1023 = tpu.vector_load %arg10[%get3A_1021, %get3A_1022] {strides = array<i32>} : memref<104x64xf32, #tpu.memory_space<vmem>>, vector<1x16xf32>,
        %get3A_1024 = vector.shape_cast %get3A_1023 : vector<1x16xf32> to vector<16xf32>
        %add3A_1025 = arith.addf %scan3A_1009, %get3A_1024 : vector<16xf32>
        %get3A_1026 = arith.index_cast %scan3A_1006 : i32 to index
        %get3A_1027 = arith.constant 48 : index
        %get3A_1028 = tpu.vector_load %arg10[%get3A_1026, %get3A_1027] {strides = array<i32>} : memref<104x64xf32, #tpu.memory_space<vmem>>, vector<1x16xf32>,
        %get3A_1029 = vector.shape_cast %get3A_1028 : vector<1x16xf32> to vector<16xf32>
        %add3A_1030 = arith.addf %scan3A_1010, %get3A_1029 : vector<16xf32>
        %scan3A_1031 = arith.constant 1 : i32
        %scan3A_1032 = arith.addi %scan3A_1006, %scan3A_1031 : i32
        %get3A_1033 = arith.index_cast %scan3A_1032 : i32 to index
        %get3A_1034 = arith.constant 0 : index
        %get3A_1035 = tpu.vector_load %arg10[%get3A_1033, %get3A_1034] {strides = array<i32>} : memref<104x64xf32, #tpu.memory_space<vmem>>, vector<1x16xf32>,
        %get3A_1036 = vector.shape_cast %get3A_1035 : vector<1x16xf32> to vector<16xf32>
        %add3A_1037 = arith.addf %add3A_1015, %get3A_1036 : vector<16xf32>
        %get3A_1038 = arith.index_cast %scan3A_1032 : i32 to index
        %get3A_1039 = arith.constant 16 : index
        %get3A_1040 = tpu.vector_load %arg10[%get3A_1038, %get3A_1039] {strides = array<i32>} : memref<104x64xf32, #tpu.memory_space<vmem>>, vector<1x16xf32>,
        %get3A_1041 = vector.shape_cast %get3A_1040 : vector<1x16xf32> to vector<16xf32>
        %add3A_1042 = arith.addf %add3A_1020, %get3A_1041 : vector<16xf32>
        %get3A_1043 = arith.index_cast %scan3A_1032 : i32 to index
        %get3A_1044 = arith.constant 32 : index
        %get3A_1045 = tpu.vector_load %arg10[%get3A_1043, %get3A_1044] {strides = array<i32>} : memref<104x64xf32, #tpu.memory_space<vmem>>, vector<1x16xf32>,
        %get3A_1046 = vector.shape_cast %get3A_1045 : vector<1x16xf32> to vector<16xf32>
        %add3A_1047 = arith.addf %add3A_1025, %get3A_1046 : vector<16xf32>
        %get3A_1048 = arith.index_cast %scan3A_1032 : i32 to index
        %get3A_1049 = arith.constant 48 : index
        %get3A_1050 = tpu.vector_load %arg10[%get3A_1048, %get3A_1049] {strides = array<i32>} : memref<104x64xf32, #tpu.memory_space<vmem>>, vector<1x16xf32>,
        %get3A_1051 = vector.shape_cast %get3A_1050 : vector<1x16xf32> to vector<16xf32>
        %add3A_1052 = arith.addf %add3A_1030, %get3A_1051 : vector<16xf32>
        %scan3A_1053 = arith.constant 2 : i32
        %scan3A_1054 = arith.addi %scan3A_1006, %scan3A_1053 : i32
        %get3A_1055 = arith.index_cast %scan3A_1054 : i32 to index
        %get3A_1056 = arith.constant 0 : index
        %get3A_1057 = tpu.vector_load %arg10[%get3A_1055, %get3A_1056] {strides = array<i32>} : memref<104x64xf32, #tpu.memory_space<vmem>>, vector<1x16xf32>,
        %get3A_1058 = vector.shape_cast %get3A_1057 : vector<1x16xf32> to vector<16xf32>
        %add3A_1059 = arith.addf %add3A_1037, %get3A_1058 : vector<16xf32>
        %get3A_1060 = arith.index_cast %scan3A_1054 : i32 to index
        %get3A_1061 = arith.constant 16 : index
        %get3A_1062 = tpu.vector_load %arg10[%get3A_1060, %get3A_1061] {strides = array<i32>} : memref<104x64xf32, #tpu.memory_space<vmem>>, vector<1x16xf32>,
        %get3A_1063 = vector.shape_cast %get3A_1062 : vector<1x16xf32> to vector<16xf32>
        %add3A_1064 = arith.addf %add3A_1042, %get3A_1063 : vector<16xf32>
        %get3A_1065 = arith.index_cast %scan3A_1054 : i32 to index
        %get3A_1066 = arith.constant 32 : index
        %get3A_1067 = tpu.vector_load %arg10[%get3A_1065, %get3A_1066] {strides = array<i32>} : memref<104x64xf32, #tpu.memory_space<vmem>>, vector<1x16xf32>,
        %get3A_1068 = vector.shape_cast %get3A_1067 : vector<1x16xf32> to vector<16xf32>
        %add3A_1069 = arith.addf %add3A_1047, %get3A_1068 : vector<16xf32>
        %get3A_1070 = arith.index_cast %scan3A_1054 : i32 to index
        %get3A_1071 = arith.constant 48 : index
        %get3A_1072 = tpu.vector_load %arg10[%get3A_1070, %get3A_1071] {strides = array<i32>} : memref<104x64xf32, #tpu.memory_space<vmem>>, vector<1x16xf32>,
        %get3A_1073 = vector.shape_cast %get3A_1072 : vector<1x16xf32> to vector<16xf32>
        %add3A_1074 = arith.addf %add3A_1052, %get3A_1073 : vector<16xf32>
        %scan3A_1075 = arith.constant 3 : i32
        %scan3A_1076 = arith.addi %scan3A_1006, %scan3A_1075 : i32
        %get3A_1077 = arith.index_cast %scan3A_1076 : i32 to index
        %get3A_1078 = arith.constant 0 : index
        %get3A_1079 = tpu.vector_load %arg10[%get3A_1077, %get3A_1078] {strides = array<i32>} : memref<104x64xf32, #tpu.memory_space<vmem>>, vector<1x16xf32>,
        %get3A_1080 = vector.shape_cast %get3A_1079 : vector<1x16xf32> to vector<16xf32>
        %add3A_1081 = arith.addf %add3A_1059, %get3A_1080 : vector<16xf32>
        %get3A_1082 = arith.index_cast %scan3A_1076 : i32 to index
        %get3A_1083 = arith.constant 16 : index
        %get3A_1084 = tpu.vector_load %arg10[%get3A_1082, %get3A_1083] {strides = array<i32>} : memref<104x64xf32, #tpu.memory_space<vmem>>, vector<1x16xf32>,
        %get3A_1085 = vector.shape_cast %get3A_1084 : vector<1x16xf32> to vector<16xf32>
        %add3A_1086 = arith.addf %add3A_1064, %get3A_1085 : vector<16xf32>
        %get3A_1087 = arith.index_cast %scan3A_1076 : i32 to index
        %get3A_1088 = arith.constant 32 : index
        %get3A_1089 = tpu.vector_load %arg10[%get3A_1087, %get3A_1088] {strides = array<i32>} : memref<104x64xf32, #tpu.memory_space<vmem>>, vector<1x16xf32>,
        %get3A_1090 = vector.shape_cast %get3A_1089 : vector<1x16xf32> to vector<16xf32>
        %add3A_1091 = arith.addf %add3A_1069, %get3A_1090 : vector<16xf32>
        %get3A_1092 = arith.index_cast %scan3A_1076 : i32 to index
        %get3A_1093 = arith.constant 48 : index
        %get3A_1094 = tpu.vector_load %arg10[%get3A_1092, %get3A_1093] {strides = array<i32>} : memref<104x64xf32, #tpu.memory_space<vmem>>, vector<1x16xf32>,
        %get3A_1095 = vector.shape_cast %get3A_1094 : vector<1x16xf32> to vector<16xf32>
        %add3A_1096 = arith.addf %add3A_1074, %get3A_1095 : vector<16xf32>
        %scan3A_1097 = arith.constant 4 : i32
        %scan3A_1098 = arith.addi %scan3A_1006, %scan3A_1097 : i32
        %get3A_1099 = arith.index_cast %scan3A_1098 : i32 to index
        %get3A_1100 = arith.constant 0 : index
        %get3A_1101 = tpu.vector_load %arg10[%get3A_1099, %get3A_1100] {strides = array<i32>} : memref<104x64xf32, #tpu.memory_space<vmem>>, vector<1x16xf32>,
        %get3A_1102 = vector.shape_cast %get3A_1101 : vector<1x16xf32> to vector<16xf32>
        %add3A_1103 = arith.addf %add3A_1081, %get3A_1102 : vector<16xf32>
        %get3A_1104 = arith.index_cast %scan3A_1098 : i32 to index
        %get3A_1105 = arith.constant 16 : index
        %get3A_1106 = tpu.vector_load %arg10[%get3A_1104, %get3A_1105] {strides = array<i32>} : memref<104x64xf32, #tpu.memory_space<vmem>>, vector<1x16xf32>,
        %get3A_1107 = vector.shape_cast %get3A_1106 : vector<1x16xf32> to vector<16xf32>
        %add3A_1108 = arith.addf %add3A_1086, %get3A_1107 : vector<16xf32>
        %get3A_1109 = arith.index_cast %scan3A_1098 : i32 to index
        %get3A_1110 = arith.constant 32 : index
        %get3A_1111 = tpu.vector_load %arg10[%get3A_1109, %get3A_1110] {strides = array<i32>} : memref<104x64xf32, #tpu.memory_space<vmem>>, vector<1x16xf32>,
        %get3A_1112 = vector.shape_cast %get3A_1111 : vector<1x16xf32> to vector<16xf32>
        %add3A_1113 = arith.addf %add3A_1091, %get3A_1112 : vector<16xf32>
        %get3A_1114 = arith.index_cast %scan3A_1098 : i32 to index
        %get3A_1115 = arith.constant 48 : index
        %get3A_1116 = tpu.vector_load %arg10[%get3A_1114, %get3A_1115] {strides = array<i32>} : memref<104x64xf32, #tpu.memory_space<vmem>>, vector<1x16xf32>,
        %get3A_1117 = vector.shape_cast %get3A_1116 : vector<1x16xf32> to vector<16xf32>
        %add3A_1118 = arith.addf %add3A_1096, %get3A_1117 : vector<16xf32>
        %scan3A_1119 = arith.constant 5 : i32
        %scan3A_1120 = arith.addi %scan3A_1006, %scan3A_1119 : i32
        %get3A_1121 = arith.index_cast %scan3A_1120 : i32 to index
        %get3A_1122 = arith.constant 0 : index
        %get3A_1123 = tpu.vector_load %arg10[%get3A_1121, %get3A_1122] {strides = array<i32>} : memref<104x64xf32, #tpu.memory_space<vmem>>, vector<1x16xf32>,
        %get3A_1124 = vector.shape_cast %get3A_1123 : vector<1x16xf32> to vector<16xf32>
        %add3A_1125 = arith.addf %add3A_1103, %get3A_1124 : vector<16xf32>
        %get3A_1126 = arith.index_cast %scan3A_1120 : i32 to index
        %get3A_1127 = arith.constant 16 : index
        %get3A_1128 = tpu.vector_load %arg10[%get3A_1126, %get3A_1127] {strides = array<i32>} : memref<104x64xf32, #tpu.memory_space<vmem>>, vector<1x16xf32>,
        %get3A_1129 = vector.shape_cast %get3A_1128 : vector<1x16xf32> to vector<16xf32>
        %add3A_1130 = arith.addf %add3A_1108, %get3A_1129 : vector<16xf32>
        %get3A_1131 = arith.index_cast %scan3A_1120 : i32 to index
        %get3A_1132 = arith.constant 32 : index
        %get3A_1133 = tpu.vector_load %arg10[%get3A_1131, %get3A_1132] {strides = array<i32>} : memref<104x64xf32, #tpu.memory_space<vmem>>, vector<1x16xf32>,
        %get3A_1134 = vector.shape_cast %get3A_1133 : vector<1x16xf32> to vector<16xf32>
        %add3A_1135 = arith.addf %add3A_1113, %get3A_1134 : vector<16xf32>
        %get3A_1136 = arith.index_cast %scan3A_1120 : i32 to index
        %get3A_1137 = arith.constant 48 : index
        %get3A_1138 = tpu.vector_load %arg10[%get3A_1136, %get3A_1137] {strides = array<i32>} : memref<104x64xf32, #tpu.memory_space<vmem>>, vector<1x16xf32>,
        %get3A_1139 = vector.shape_cast %get3A_1138 : vector<1x16xf32> to vector<16xf32>
        %add3A_1140 = arith.addf %add3A_1118, %get3A_1139 : vector<16xf32>
        %scan3A_1141 = arith.constant 6 : i32
        %scan3A_1142 = arith.addi %scan3A_1006, %scan3A_1141 : i32
        %get3A_1143 = arith.index_cast %scan3A_1142 : i32 to index
        %get3A_1144 = arith.constant 0 : index
        %get3A_1145 = tpu.vector_load %arg10[%get3A_1143, %get3A_1144] {strides = array<i32>} : memref<104x64xf32, #tpu.memory_space<vmem>>, vector<1x16xf32>,
        %get3A_1146 = vector.shape_cast %get3A_1145 : vector<1x16xf32> to vector<16xf32>
        %add3A_1147 = arith.addf %add3A_1125, %get3A_1146 : vector<16xf32>
        %get3A_1148 = arith.index_cast %scan3A_1142 : i32 to index
        %get3A_1149 = arith.constant 16 : index
        %get3A_1150 = tpu.vector_load %arg10[%get3A_1148, %get3A_1149] {strides = array<i32>} : memref<104x64xf32, #tpu.memory_space<vmem>>, vector<1x16xf32>,
        %get3A_1151 = vector.shape_cast %get3A_1150 : vector<1x16xf32> to vector<16xf32>
        %add3A_1152 = arith.addf %add3A_1130, %get3A_1151 : vector<16xf32>
        %get3A_1153 = arith.index_cast %scan3A_1142 : i32 to index
        %get3A_1154 = arith.constant 32 : index
        %get3A_1155 = tpu.vector_load %arg10[%get3A_1153, %get3A_1154] {strides = array<i32>} : memref<104x64xf32, #tpu.memory_space<vmem>>, vector<1x16xf32>,
        %get3A_1156 = vector.shape_cast %get3A_1155 : vector<1x16xf32> to vector<16xf32>
        %add3A_1157 = arith.addf %add3A_1135, %get3A_1156 : vector<16xf32>
        %get3A_1158 = arith.index_cast %scan3A_1142 : i32 to index
        %get3A_1159 = arith.constant 48 : index
        %get3A_1160 = tpu.vector_load %arg10[%get3A_1158, %get3A_1159] {strides = array<i32>} : memref<104x64xf32, #tpu.memory_space<vmem>>, vector<1x16xf32>,
        %get3A_1161 = vector.shape_cast %get3A_1160 : vector<1x16xf32> to vector<16xf32>
        %add3A_1162 = arith.addf %add3A_1140, %get3A_1161 : vector<16xf32>
        %scan3A_1163 = arith.constant 7 : i32
        %scan3A_1164 = arith.addi %scan3A_1006, %scan3A_1163 : i32
        %get3A_1165 = arith.index_cast %scan3A_1164 : i32 to index
        %get3A_1166 = arith.constant 0 : index
        %get3A_1167 = tpu.vector_load %arg10[%get3A_1165, %get3A_1166] {strides = array<i32>} : memref<104x64xf32, #tpu.memory_space<vmem>>, vector<1x16xf32>,
        %get3A_1168 = vector.shape_cast %get3A_1167 : vector<1x16xf32> to vector<16xf32>
        %add3A_1169 = arith.addf %add3A_1147, %get3A_1168 : vector<16xf32>
        %get3A_1170 = arith.index_cast %scan3A_1164 : i32 to index
        %get3A_1171 = arith.constant 16 : index
        %get3A_1172 = tpu.vector_load %arg10[%get3A_1170, %get3A_1171] {strides = array<i32>} : memref<104x64xf32, #tpu.memory_space<vmem>>, vector<1x16xf32>,
        %get3A_1173 = vector.shape_cast %get3A_1172 : vector<1x16xf32> to vector<16xf32>
        %add3A_1174 = arith.addf %add3A_1152, %get3A_1173 : vector<16xf32>
        %get3A_1175 = arith.index_cast %scan3A_1164 : i32 to index
        %get3A_1176 = arith.constant 32 : index
        %get3A_1177 = tpu.vector_load %arg10[%get3A_1175, %get3A_1176] {strides = array<i32>} : memref<104x64xf32, #tpu.memory_space<vmem>>, vector<1x16xf32>,
        %get3A_1178 = vector.shape_cast %get3A_1177 : vector<1x16xf32> to vector<16xf32>
        %add3A_1179 = arith.addf %add3A_1157, %get3A_1178 : vector<16xf32>
        %get3A_1180 = arith.index_cast %scan3A_1164 : i32 to index
        %get3A_1181 = arith.constant 48 : index
        %get3A_1182 = tpu.vector_load %arg10[%get3A_1180, %get3A_1181] {strides = array<i32>} : memref<104x64xf32, #tpu.memory_space<vmem>>, vector<1x16xf32>,
        %get3A_1183 = vector.shape_cast %get3A_1182 : vector<1x16xf32> to vector<16xf32>
        %add3A_1184 = arith.addf %add3A_1162, %get3A_1183 : vector<16xf32>
        scf.yield %add3A_1169, %add3A_1174, %add3A_1179, %add3A_1184 : vector<16xf32>, vector<16xf32>, vector<16xf32>, vector<16xf32>
      }
      %scan3A_563 = arith.constant 96 : i32
      %scan3A_564 = arith.addi %scan3A_558, %scan3A_563 : i32
      %get3A_565 = arith.index_cast %scan3A_564 : i32 to index
      %get3A_566 = arith.constant 0 : index
      %get3A_567 = tpu.vector_load %arg10[%get3A_565, %get3A_566] {strides = array<i32>} : memref<104x64xf32, #tpu.memory_space<vmem>>, vector<1x16xf32>,
      %get3A_568 = vector.shape_cast %get3A_567 : vector<1x16xf32> to vector<16xf32>
      %add3A_569 = arith.addf %scan3A_562#0, %get3A_568 : vector<16xf32>
      %get3A_570 = arith.index_cast %scan3A_564 : i32 to index
      %get3A_571 = arith.constant 16 : index
      %get3A_572 = tpu.vector_load %arg10[%get3A_570, %get3A_571] {strides = array<i32>} : memref<104x64xf32, #tpu.memory_space<vmem>>, vector<1x16xf32>,
      %get3A_573 = vector.shape_cast %get3A_572 : vector<1x16xf32> to vector<16xf32>
      %add3A_574 = arith.addf %scan3A_562#1, %get3A_573 : vector<16xf32>
      %get3A_575 = arith.index_cast %scan3A_564 : i32 to index
      %get3A_576 = arith.constant 32 : index
      %get3A_577 = tpu.vector_load %arg10[%get3A_575, %get3A_576] {strides = array<i32>} : memref<104x64xf32, #tpu.memory_space<vmem>>, vector<1x16xf32>,
      %get3A_578 = vector.shape_cast %get3A_577 : vector<1x16xf32> to vector<16xf32>
      %add3A_579 = arith.addf %scan3A_562#2, %get3A_578 : vector<16xf32>
      %get3A_580 = arith.index_cast %scan3A_564 : i32 to index
      %get3A_581 = arith.constant 48 : index
      %get3A_582 = tpu.vector_load %arg10[%get3A_580, %get3A_581] {strides = array<i32>} : memref<104x64xf32, #tpu.memory_space<vmem>>, vector<1x16xf32>,
      %get3A_583 = vector.shape_cast %get3A_582 : vector<1x16xf32> to vector<16xf32>
      %add3A_584 = arith.addf %scan3A_562#3, %get3A_583 : vector<16xf32>
      %scan3A_585 = arith.constant 97 : i32
      %scan3A_586 = arith.addi %scan3A_558, %scan3A_585 : i32
      %get3A_587 = arith.index_cast %scan3A_586 : i32 to index
      %get3A_588 = arith.constant 0 : index
      %get3A_589 = tpu.vector_load %arg10[%get3A_587, %get3A_588] {strides = array<i32>} : memref<104x64xf32, #tpu.memory_space<vmem>>, vector<1x16xf32>,
      %get3A_590 = vector.shape_cast %get3A_589 : vector<1x16xf32> to vector<16xf32>
      %add3A_591 = arith.addf %add3A_569, %get3A_590 : vector<16xf32>
      %get3A_592 = arith.index_cast %scan3A_586 : i32 to index
      %get3A_593 = arith.constant 16 : index
      %get3A_594 = tpu.vector_load %arg10[%get3A_592, %get3A_593] {strides = array<i32>} : memref<104x64xf32, #tpu.memory_space<vmem>>, vector<1x16xf32>,
      %get3A_595 = vector.shape_cast %get3A_594 : vector<1x16xf32> to vector<16xf32>
      %add3A_596 = arith.addf %add3A_574, %get3A_595 : vector<16xf32>
      %get3A_597 = arith.index_cast %scan3A_586 : i32 to index
      %get3A_598 = arith.constant 32 : index
      %get3A_599 = tpu.vector_load %arg10[%get3A_597, %get3A_598] {strides = array<i32>} : memref<104x64xf32, #tpu.memory_space<vmem>>, vector<1x16xf32>,
      %get3A_600 = vector.shape_cast %get3A_599 : vector<1x16xf32> to vector<16xf32>
      %add3A_601 = arith.addf %add3A_579, %get3A_600 : vector<16xf32>
      %get3A_602 = arith.index_cast %scan3A_586 : i32 to index
      %get3A_603 = arith.constant 48 : index
      %get3A_604 = tpu.vector_load %arg10[%get3A_602, %get3A_603] {strides = array<i32>} : memref<104x64xf32, #tpu.memory_space<vmem>>, vector<1x16xf32>,
      %get3A_605 = vector.shape_cast %get3A_604 : vector<1x16xf32> to vector<16xf32>
      %add3A_606 = arith.addf %add3A_584, %get3A_605 : vector<16xf32>
      %scan3A_607 = arith.constant 98 : i32
      %scan3A_608 = arith.addi %scan3A_558, %scan3A_607 : i32
      %get3A_609 = arith.index_cast %scan3A_608 : i32 to index
      %get3A_610 = arith.constant 0 : index
      %get3A_611 = tpu.vector_load %arg10[%get3A_609, %get3A_610] {strides = array<i32>} : memref<104x64xf32, #tpu.memory_space<vmem>>, vector<1x16xf32>,
      %get3A_612 = vector.shape_cast %get3A_611 : vector<1x16xf32> to vector<16xf32>
      %add3A_613 = arith.addf %add3A_591, %get3A_612 : vector<16xf32>
      %get3A_614 = arith.index_cast %scan3A_608 : i32 to index
      %get3A_615 = arith.constant 16 : index
      %get3A_616 = tpu.vector_load %arg10[%get3A_614, %get3A_615] {strides = array<i32>} : memref<104x64xf32, #tpu.memory_space<vmem>>, vector<1x16xf32>,
      %get3A_617 = vector.shape_cast %get3A_616 : vector<1x16xf32> to vector<16xf32>
      %add3A_618 = arith.addf %add3A_596, %get3A_617 : vector<16xf32>
      %get3A_619 = arith.index_cast %scan3A_608 : i32 to index
      %get3A_620 = arith.constant 32 : index
      %get3A_621 = tpu.vector_load %arg10[%get3A_619, %get3A_620] {strides = array<i32>} : memref<104x64xf32, #tpu.memory_space<vmem>>, vector<1x16xf32>,
      %get3A_622 = vector.shape_cast %get3A_621 : vector<1x16xf32> to vector<16xf32>
      %add3A_623 = arith.addf %add3A_601, %get3A_622 : vector<16xf32>
      %get3A_624 = arith.index_cast %scan3A_608 : i32 to index
      %get3A_625 = arith.constant 48 : index
      %get3A_626 = tpu.vector_load %arg10[%get3A_624, %get3A_625] {strides = array<i32>} : memref<104x64xf32, #tpu.memory_space<vmem>>, vector<1x16xf32>,
      %get3A_627 = vector.shape_cast %get3A_626 : vector<1x16xf32> to vector<16xf32>
      %add3A_628 = arith.addf %add3A_606, %get3A_627 : vector<16xf32>
      %scan3A_629 = arith.constant 99 : i32
      %scan3A_630 = arith.addi %scan3A_558, %scan3A_629 : i32
      %get3A_631 = arith.index_cast %scan3A_630 : i32 to index
      %get3A_632 = arith.constant 0 : index
      %get3A_633 = tpu.vector_load %arg10[%get3A_631, %get3A_632] {strides = array<i32>} : memref<104x64xf32, #tpu.memory_space<vmem>>, vector<1x16xf32>,
      %get3A_634 = vector.shape_cast %get3A_633 : vector<1x16xf32> to vector<16xf32>
      %add3A_635 = arith.addf %add3A_613, %get3A_634 : vector<16xf32>
      %get3A_636 = arith.index_cast %scan3A_630 : i32 to index
      %get3A_637 = arith.constant 16 : index
      %get3A_638 = tpu.vector_load %arg10[%get3A_636, %get3A_637] {strides = array<i32>} : memref<104x64xf32, #tpu.memory_space<vmem>>, vector<1x16xf32>,
      %get3A_639 = vector.shape_cast %get3A_638 : vector<1x16xf32> to vector<16xf32>
      %add3A_640 = arith.addf %add3A_618, %get3A_639 : vector<16xf32>
      %get3A_641 = arith.index_cast %scan3A_630 : i32 to index
      %get3A_642 = arith.constant 32 : index
      %get3A_643 = tpu.vector_load %arg10[%get3A_641, %get3A_642] {strides = array<i32>} : memref<104x64xf32, #tpu.memory_space<vmem>>, vector<1x16xf32>,
      %get3A_644 = vector.shape_cast %get3A_643 : vector<1x16xf32> to vector<16xf32>
      %add3A_645 = arith.addf %add3A_623, %get3A_644 : vector<16xf32>
      %get3A_646 = arith.index_cast %scan3A_630 : i32 to index
      %get3A_647 = arith.constant 48 : index
      %get3A_648 = tpu.vector_load %arg10[%get3A_646, %get3A_647] {strides = array<i32>} : memref<104x64xf32, #tpu.memory_space<vmem>>, vector<1x16xf32>,
      %get3A_649 = vector.shape_cast %get3A_648 : vector<1x16xf32> to vector<16xf32>
      %add3A_650 = arith.addf %add3A_628, %get3A_649 : vector<16xf32>
      %scan3A_651 = arith.constant 100 : i32
      %scan3A_652 = arith.addi %scan3A_558, %scan3A_651 : i32
      %get3A_653 = arith.index_cast %scan3A_652 : i32 to index
      %get3A_654 = arith.constant 0 : index
      %get3A_655 = tpu.vector_load %arg10[%get3A_653, %get3A_654] {strides = array<i32>} : memref<104x64xf32, #tpu.memory_space<vmem>>, vector<1x16xf32>,
      %get3A_656 = vector.shape_cast %get3A_655 : vector<1x16xf32> to vector<16xf32>
      %add3A_657 = arith.addf %add3A_635, %get3A_656 : vector<16xf32>
      %get3A_658 = arith.index_cast %scan3A_652 : i32 to index
      %get3A_659 = arith.constant 16 : index
      %get3A_660 = tpu.vector_load %arg10[%get3A_658, %get3A_659] {strides = array<i32>} : memref<104x64xf32, #tpu.memory_space<vmem>>, vector<1x16xf32>,
      %get3A_661 = vector.shape_cast %get3A_660 : vector<1x16xf32> to vector<16xf32>
      %add3A_662 = arith.addf %add3A_640, %get3A_661 : vector<16xf32>
      %get3A_663 = arith.index_cast %scan3A_652 : i32 to index
      %get3A_664 = arith.constant 32 : index
      %get3A_665 = tpu.vector_load %arg10[%get3A_663, %get3A_664] {strides = array<i32>} : memref<104x64xf32, #tpu.memory_space<vmem>>, vector<1x16xf32>,
      %get3A_666 = vector.shape_cast %get3A_665 : vector<1x16xf32> to vector<16xf32>
      %add3A_667 = arith.addf %add3A_645, %get3A_666 : vector<16xf32>
      %get3A_668 = arith.index_cast %scan3A_652 : i32 to index
      %get3A_669 = arith.constant 48 : index
      %get3A_670 = tpu.vector_load %arg10[%get3A_668, %get3A_669] {strides = array<i32>} : memref<104x64xf32, #tpu.memory_space<vmem>>, vector<1x16xf32>,
      %get3A_671 = vector.shape_cast %get3A_670 : vector<1x16xf32> to vector<16xf32>
      %add3A_672 = arith.addf %add3A_650, %get3A_671 : vector<16xf32>
      %scan3A_673 = arith.constant 101 : i32
      %scan3A_674 = arith.addi %scan3A_558, %scan3A_673 : i32
      %get3A_675 = arith.index_cast %scan3A_674 : i32 to index
      %get3A_676 = arith.constant 0 : index
      %get3A_677 = tpu.vector_load %arg10[%get3A_675, %get3A_676] {strides = array<i32>} : memref<104x64xf32, #tpu.memory_space<vmem>>, vector<1x16xf32>,
      %get3A_678 = vector.shape_cast %get3A_677 : vector<1x16xf32> to vector<16xf32>
      %add3A_679 = arith.addf %add3A_657, %get3A_678 : vector<16xf32>
      %get3A_680 = arith.index_cast %scan3A_674 : i32 to index
      %get3A_681 = arith.constant 16 : index
      %get3A_682 = tpu.vector_load %arg10[%get3A_680, %get3A_681] {strides = array<i32>} : memref<104x64xf32, #tpu.memory_space<vmem>>, vector<1x16xf32>,
      %get3A_683 = vector.shape_cast %get3A_682 : vector<1x16xf32> to vector<16xf32>
      %add3A_684 = arith.addf %add3A_662, %get3A_683 : vector<16xf32>
      %get3A_685 = arith.index_cast %scan3A_674 : i32 to index
      %get3A_686 = arith.constant 32 : index
      %get3A_687 = tpu.vector_load %arg10[%get3A_685, %get3A_686] {strides = array<i32>} : memref<104x64xf32, #tpu.memory_space<vmem>>, vector<1x16xf32>,
      %get3A_688 = vector.shape_cast %get3A_687 : vector<1x16xf32> to vector<16xf32>
      %add3A_689 = arith.addf %add3A_667, %get3A_688 : vector<16xf32>
      %get3A_690 = arith.index_cast %scan3A_674 : i32 to index
      %get3A_691 = arith.constant 48 : index
      %get3A_692 = tpu.vector_load %arg10[%get3A_690, %get3A_691] {strides = array<i32>} : memref<104x64xf32, #tpu.memory_space<vmem>>, vector<1x16xf32>,
      %get3A_693 = vector.shape_cast %get3A_692 : vector<1x16xf32> to vector<16xf32>
      %add3A_694 = arith.addf %add3A_672, %get3A_693 : vector<16xf32>
      %scan3A_695 = arith.constant 102 : i32
      %scan3A_696 = arith.addi %scan3A_558, %scan3A_695 : i32
      %get3A_697 = arith.index_cast %scan3A_696 : i32 to index
      %get3A_698 = arith.constant 0 : index
      %get3A_699 = tpu.vector_load %arg10[%get3A_697, %get3A_698] {strides = array<i32>} : memref<104x64xf32, #tpu.memory_space<vmem>>, vector<1x16xf32>,
      %get3A_700 = vector.shape_cast %get3A_699 : vector<1x16xf32> to vector<16xf32>
      %add3A_701 = arith.addf %add3A_679, %get3A_700 : vector<16xf32>
      %get3A_702 = arith.index_cast %scan3A_696 : i32 to index
      %get3A_703 = arith.constant 16 : index
      %get3A_704 = tpu.vector_load %arg10[%get3A_702, %get3A_703] {strides = array<i32>} : memref<104x64xf32, #tpu.memory_space<vmem>>, vector<1x16xf32>,
      %get3A_705 = vector.shape_cast %get3A_704 : vector<1x16xf32> to vector<16xf32>
      %add3A_706 = arith.addf %add3A_684, %get3A_705 : vector<16xf32>
      %get3A_707 = arith.index_cast %scan3A_696 : i32 to index
      %get3A_708 = arith.constant 32 : index
      %get3A_709 = tpu.vector_load %arg10[%get3A_707, %get3A_708] {strides = array<i32>} : memref<104x64xf32, #tpu.memory_space<vmem>>, vector<1x16xf32>,
      %get3A_710 = vector.shape_cast %get3A_709 : vector<1x16xf32> to vector<16xf32>
      %add3A_711 = arith.addf %add3A_689, %get3A_710 : vector<16xf32>
      %get3A_712 = arith.index_cast %scan3A_696 : i32 to index
      %get3A_713 = arith.constant 48 : index
      %get3A_714 = tpu.vector_load %arg10[%get3A_712, %get3A_713] {strides = array<i32>} : memref<104x64xf32, #tpu.memory_space<vmem>>, vector<1x16xf32>,
      %get3A_715 = vector.shape_cast %get3A_714 : vector<1x16xf32> to vector<16xf32>
      %add3A_716 = arith.addf %add3A_694, %get3A_715 : vector<16xf32>
      %scan3A_717 = arith.constant 103 : i32
      %convert_element_type3A_718 = arith.extui %lt3A_59 : i1 to i32
      %cond3A_719 = arith.constant 0 : i32
      %cond3A_720 = arith.cmpi ne, %convert_element_type3A_718, %cond3A_719 : i32
      scf.if %cond3A_720 {
        %add3A_1006 = arith.constant 4 : i32
        %add3A_1007 = arith.addi %add3A_532, %add3A_1006 : i32
        %mul3A_1008 = arith.constant 200 : i32
        %mul3A_1009 = arith.muli %add3A_1007, %mul3A_1008 : i32
        %dma_start3A_1010 = tpu.memref_slice %arg5[%mul3A_1009] : memref<25600xi32, #tpu.memory_space<vmem>> -> memref<104xi32, #tpu.memory_space<vmem>>
        %dma_start3A_1011 = arith.constant 0 : i32
        %dma_start3A_1012 = arith.constant 0 : i32
        %dma_start3A_1013 = tpu.memref_slice %arg3[%dma_start3A_1011, %dma_start3A_1012] : memref<2000000x64xf32, #tpu.memory_space<hbm>> -> memref<2000000x64xf32, #tpu.memory_space<hbm>>
        tpu.enqueue_indirect_dma source(%dma_start3A_1013 : memref<2000000x64xf32, #tpu.memory_space<hbm>>) target(%arg10 : memref<104x64xf32, #tpu.memory_space<vmem>>) offsets(%dma_start3A_1010 : memref<104xi32, #tpu.memory_space<vmem>>) semaphore(%arg19 : memref<!tpu.dma_semaphore, #tpu.memory_space<semaphore_mem>>)
      } else {
      }
      %dma_wait3A_721 = arith.constant 0 : i32
      %dma_wait3A_722 = tpu.memref_slice %arg5[%dma_wait3A_721] : memref<25600xi32, #tpu.memory_space<vmem>> -> memref<96xi32, #tpu.memory_space<vmem>>
      %dma_wait3A_723 = arith.constant 0 : i32
      %dma_wait3A_724 = arith.constant 0 : i32
      %dma_wait3A_725 = tpu.memref_slice %arg3[%dma_wait3A_723, %dma_wait3A_724] : memref<2000000x64xf32, #tpu.memory_space<hbm>> -> memref<2000000x64xf32, #tpu.memory_space<hbm>>
      tpu.wait_indirect_dma semaphore(%arg20 : memref<!tpu.dma_semaphore, #tpu.memory_space<semaphore_mem>>) src(%dma_wait3A_725 : memref<2000000x64xf32, #tpu.memory_space<hbm>>) dst(%arg11 : memref<96x64xf32, #tpu.memory_space<vmem>>)
      %scan3A_726 = arith.constant 0 : i32
      %scan3A_727 = arith.constant 96 : i32
      %scan3A_728 = arith.addi %scan3A_726, %scan3A_727 : i32
      %scan3A_729 = arith.constant 8 : i32
      %scan3A_730:4 = scf.for %scan3A_1006 = %scan3A_726 to %scan3A_728 step %scan3A_729 iter_args(%scan3A_1007 = %add3A_701, %scan3A_1008 = %add3A_706, %scan3A_1009 = %add3A_711, %scan3A_1010 = %add3A_716) -> (vector<16xf32>, vector<16xf32>, vector<16xf32>, vector<16xf32>)  : i32 {
        %get3A_1011 = arith.index_cast %scan3A_1006 : i32 to index
        %get3A_1012 = arith.constant 0 : index
        %get3A_1013 = tpu.vector_load %arg11[%get3A_1011, %get3A_1012] {strides = array<i32>} : memref<96x64xf32, #tpu.memory_space<vmem>>, vector<1x16xf32>,
        %get3A_1014 = vector.shape_cast %get3A_1013 : vector<1x16xf32> to vector<16xf32>
        %add3A_1015 = arith.addf %scan3A_1007, %get3A_1014 : vector<16xf32>
        %get3A_1016 = arith.index_cast %scan3A_1006 : i32 to index
        %get3A_1017 = arith.constant 16 : index
        %get3A_1018 = tpu.vector_load %arg11[%get3A_1016, %get3A_1017] {strides = array<i32>} : memref<96x64xf32, #tpu.memory_space<vmem>>, vector<1x16xf32>,
        %get3A_1019 = vector.shape_cast %get3A_1018 : vector<1x16xf32> to vector<16xf32>
        %add3A_1020 = arith.addf %scan3A_1008, %get3A_1019 : vector<16xf32>
        %get3A_1021 = arith.index_cast %scan3A_1006 : i32 to index
        %get3A_1022 = arith.constant 32 : index
        %get3A_1023 = tpu.vector_load %arg11[%get3A_1021, %get3A_1022] {strides = array<i32>} : memref<96x64xf32, #tpu.memory_space<vmem>>, vector<1x16xf32>,
        %get3A_1024 = vector.shape_cast %get3A_1023 : vector<1x16xf32> to vector<16xf32>
        %add3A_1025 = arith.addf %scan3A_1009, %get3A_1024 : vector<16xf32>
        %get3A_1026 = arith.index_cast %scan3A_1006 : i32 to index
        %get3A_1027 = arith.constant 48 : index
        %get3A_1028 = tpu.vector_load %arg11[%get3A_1026, %get3A_1027] {strides = array<i32>} : memref<96x64xf32, #tpu.memory_space<vmem>>, vector<1x16xf32>,
        %get3A_1029 = vector.shape_cast %get3A_1028 : vector<1x16xf32> to vector<16xf32>
        %add3A_1030 = arith.addf %scan3A_1010, %get3A_1029 : vector<16xf32>
        %scan3A_1031 = arith.constant 1 : i32
        %scan3A_1032 = arith.addi %scan3A_1006, %scan3A_1031 : i32
        %get3A_1033 = arith.index_cast %scan3A_1032 : i32 to index
        %get3A_1034 = arith.constant 0 : index
        %get3A_1035 = tpu.vector_load %arg11[%get3A_1033, %get3A_1034] {strides = array<i32>} : memref<96x64xf32, #tpu.memory_space<vmem>>, vector<1x16xf32>,
        %get3A_1036 = vector.shape_cast %get3A_1035 : vector<1x16xf32> to vector<16xf32>
        %add3A_1037 = arith.addf %add3A_1015, %get3A_1036 : vector<16xf32>
        %get3A_1038 = arith.index_cast %scan3A_1032 : i32 to index
        %get3A_1039 = arith.constant 16 : index
        %get3A_1040 = tpu.vector_load %arg11[%get3A_1038, %get3A_1039] {strides = array<i32>} : memref<96x64xf32, #tpu.memory_space<vmem>>, vector<1x16xf32>,
        %get3A_1041 = vector.shape_cast %get3A_1040 : vector<1x16xf32> to vector<16xf32>
        %add3A_1042 = arith.addf %add3A_1020, %get3A_1041 : vector<16xf32>
        %get3A_1043 = arith.index_cast %scan3A_1032 : i32 to index
        %get3A_1044 = arith.constant 32 : index
        %get3A_1045 = tpu.vector_load %arg11[%get3A_1043, %get3A_1044] {strides = array<i32>} : memref<96x64xf32, #tpu.memory_space<vmem>>, vector<1x16xf32>,
        %get3A_1046 = vector.shape_cast %get3A_1045 : vector<1x16xf32> to vector<16xf32>
        %add3A_1047 = arith.addf %add3A_1025, %get3A_1046 : vector<16xf32>
        %get3A_1048 = arith.index_cast %scan3A_1032 : i32 to index
        %get3A_1049 = arith.constant 48 : index
        %get3A_1050 = tpu.vector_load %arg11[%get3A_1048, %get3A_1049] {strides = array<i32>} : memref<96x64xf32, #tpu.memory_space<vmem>>, vector<1x16xf32>,
        %get3A_1051 = vector.shape_cast %get3A_1050 : vector<1x16xf32> to vector<16xf32>
        %add3A_1052 = arith.addf %add3A_1030, %get3A_1051 : vector<16xf32>
        %scan3A_1053 = arith.constant 2 : i32
        %scan3A_1054 = arith.addi %scan3A_1006, %scan3A_1053 : i32
        %get3A_1055 = arith.index_cast %scan3A_1054 : i32 to index
        %get3A_1056 = arith.constant 0 : index
        %get3A_1057 = tpu.vector_load %arg11[%get3A_1055, %get3A_1056] {strides = array<i32>} : memref<96x64xf32, #tpu.memory_space<vmem>>, vector<1x16xf32>,
        %get3A_1058 = vector.shape_cast %get3A_1057 : vector<1x16xf32> to vector<16xf32>
        %add3A_1059 = arith.addf %add3A_1037, %get3A_1058 : vector<16xf32>
        %get3A_1060 = arith.index_cast %scan3A_1054 : i32 to index
        %get3A_1061 = arith.constant 16 : index
        %get3A_1062 = tpu.vector_load %arg11[%get3A_1060, %get3A_1061] {strides = array<i32>} : memref<96x64xf32, #tpu.memory_space<vmem>>, vector<1x16xf32>,
        %get3A_1063 = vector.shape_cast %get3A_1062 : vector<1x16xf32> to vector<16xf32>
        %add3A_1064 = arith.addf %add3A_1042, %get3A_1063 : vector<16xf32>
        %get3A_1065 = arith.index_cast %scan3A_1054 : i32 to index
        %get3A_1066 = arith.constant 32 : index
        %get3A_1067 = tpu.vector_load %arg11[%get3A_1065, %get3A_1066] {strides = array<i32>} : memref<96x64xf32, #tpu.memory_space<vmem>>, vector<1x16xf32>,
        %get3A_1068 = vector.shape_cast %get3A_1067 : vector<1x16xf32> to vector<16xf32>
        %add3A_1069 = arith.addf %add3A_1047, %get3A_1068 : vector<16xf32>
        %get3A_1070 = arith.index_cast %scan3A_1054 : i32 to index
        %get3A_1071 = arith.constant 48 : index
        %get3A_1072 = tpu.vector_load %arg11[%get3A_1070, %get3A_1071] {strides = array<i32>} : memref<96x64xf32, #tpu.memory_space<vmem>>, vector<1x16xf32>,
        %get3A_1073 = vector.shape_cast %get3A_1072 : vector<1x16xf32> to vector<16xf32>
        %add3A_1074 = arith.addf %add3A_1052, %get3A_1073 : vector<16xf32>
        %scan3A_1075 = arith.constant 3 : i32
        %scan3A_1076 = arith.addi %scan3A_1006, %scan3A_1075 : i32
        %get3A_1077 = arith.index_cast %scan3A_1076 : i32 to index
        %get3A_1078 = arith.constant 0 : index
        %get3A_1079 = tpu.vector_load %arg11[%get3A_1077, %get3A_1078] {strides = array<i32>} : memref<96x64xf32, #tpu.memory_space<vmem>>, vector<1x16xf32>,
        %get3A_1080 = vector.shape_cast %get3A_1079 : vector<1x16xf32> to vector<16xf32>
        %add3A_1081 = arith.addf %add3A_1059, %get3A_1080 : vector<16xf32>
        %get3A_1082 = arith.index_cast %scan3A_1076 : i32 to index
        %get3A_1083 = arith.constant 16 : index
        %get3A_1084 = tpu.vector_load %arg11[%get3A_1082, %get3A_1083] {strides = array<i32>} : memref<96x64xf32, #tpu.memory_space<vmem>>, vector<1x16xf32>,
        %get3A_1085 = vector.shape_cast %get3A_1084 : vector<1x16xf32> to vector<16xf32>
        %add3A_1086 = arith.addf %add3A_1064, %get3A_1085 : vector<16xf32>
        %get3A_1087 = arith.index_cast %scan3A_1076 : i32 to index
        %get3A_1088 = arith.constant 32 : index
        %get3A_1089 = tpu.vector_load %arg11[%get3A_1087, %get3A_1088] {strides = array<i32>} : memref<96x64xf32, #tpu.memory_space<vmem>>, vector<1x16xf32>,
        %get3A_1090 = vector.shape_cast %get3A_1089 : vector<1x16xf32> to vector<16xf32>
        %add3A_1091 = arith.addf %add3A_1069, %get3A_1090 : vector<16xf32>
        %get3A_1092 = arith.index_cast %scan3A_1076 : i32 to index
        %get3A_1093 = arith.constant 48 : index
        %get3A_1094 = tpu.vector_load %arg11[%get3A_1092, %get3A_1093] {strides = array<i32>} : memref<96x64xf32, #tpu.memory_space<vmem>>, vector<1x16xf32>,
        %get3A_1095 = vector.shape_cast %get3A_1094 : vector<1x16xf32> to vector<16xf32>
        %add3A_1096 = arith.addf %add3A_1074, %get3A_1095 : vector<16xf32>
        %scan3A_1097 = arith.constant 4 : i32
        %scan3A_1098 = arith.addi %scan3A_1006, %scan3A_1097 : i32
        %get3A_1099 = arith.index_cast %scan3A_1098 : i32 to index
        %get3A_1100 = arith.constant 0 : index
        %get3A_1101 = tpu.vector_load %arg11[%get3A_1099, %get3A_1100] {strides = array<i32>} : memref<96x64xf32, #tpu.memory_space<vmem>>, vector<1x16xf32>,
        %get3A_1102 = vector.shape_cast %get3A_1101 : vector<1x16xf32> to vector<16xf32>
        %add3A_1103 = arith.addf %add3A_1081, %get3A_1102 : vector<16xf32>
        %get3A_1104 = arith.index_cast %scan3A_1098 : i32 to index
        %get3A_1105 = arith.constant 16 : index
        %get3A_1106 = tpu.vector_load %arg11[%get3A_1104, %get3A_1105] {strides = array<i32>} : memref<96x64xf32, #tpu.memory_space<vmem>>, vector<1x16xf32>,
        %get3A_1107 = vector.shape_cast %get3A_1106 : vector<1x16xf32> to vector<16xf32>
        %add3A_1108 = arith.addf %add3A_1086, %get3A_1107 : vector<16xf32>
        %get3A_1109 = arith.index_cast %scan3A_1098 : i32 to index
        %get3A_1110 = arith.constant 32 : index
        %get3A_1111 = tpu.vector_load %arg11[%get3A_1109, %get3A_1110] {strides = array<i32>} : memref<96x64xf32, #tpu.memory_space<vmem>>, vector<1x16xf32>,
        %get3A_1112 = vector.shape_cast %get3A_1111 : vector<1x16xf32> to vector<16xf32>
        %add3A_1113 = arith.addf %add3A_1091, %get3A_1112 : vector<16xf32>
        %get3A_1114 = arith.index_cast %scan3A_1098 : i32 to index
        %get3A_1115 = arith.constant 48 : index
        %get3A_1116 = tpu.vector_load %arg11[%get3A_1114, %get3A_1115] {strides = array<i32>} : memref<96x64xf32, #tpu.memory_space<vmem>>, vector<1x16xf32>,
        %get3A_1117 = vector.shape_cast %get3A_1116 : vector<1x16xf32> to vector<16xf32>
        %add3A_1118 = arith.addf %add3A_1096, %get3A_1117 : vector<16xf32>
        %scan3A_1119 = arith.constant 5 : i32
        %scan3A_1120 = arith.addi %scan3A_1006, %scan3A_1119 : i32
        %get3A_1121 = arith.index_cast %scan3A_1120 : i32 to index
        %get3A_1122 = arith.constant 0 : index
        %get3A_1123 = tpu.vector_load %arg11[%get3A_1121, %get3A_1122] {strides = array<i32>} : memref<96x64xf32, #tpu.memory_space<vmem>>, vector<1x16xf32>,
        %get3A_1124 = vector.shape_cast %get3A_1123 : vector<1x16xf32> to vector<16xf32>
        %add3A_1125 = arith.addf %add3A_1103, %get3A_1124 : vector<16xf32>
        %get3A_1126 = arith.index_cast %scan3A_1120 : i32 to index
        %get3A_1127 = arith.constant 16 : index
        %get3A_1128 = tpu.vector_load %arg11[%get3A_1126, %get3A_1127] {strides = array<i32>} : memref<96x64xf32, #tpu.memory_space<vmem>>, vector<1x16xf32>,
        %get3A_1129 = vector.shape_cast %get3A_1128 : vector<1x16xf32> to vector<16xf32>
        %add3A_1130 = arith.addf %add3A_1108, %get3A_1129 : vector<16xf32>
        %get3A_1131 = arith.index_cast %scan3A_1120 : i32 to index
        %get3A_1132 = arith.constant 32 : index
        %get3A_1133 = tpu.vector_load %arg11[%get3A_1131, %get3A_1132] {strides = array<i32>} : memref<96x64xf32, #tpu.memory_space<vmem>>, vector<1x16xf32>,
        %get3A_1134 = vector.shape_cast %get3A_1133 : vector<1x16xf32> to vector<16xf32>
        %add3A_1135 = arith.addf %add3A_1113, %get3A_1134 : vector<16xf32>
        %get3A_1136 = arith.index_cast %scan3A_1120 : i32 to index
        %get3A_1137 = arith.constant 48 : index
        %get3A_1138 = tpu.vector_load %arg11[%get3A_1136, %get3A_1137] {strides = array<i32>} : memref<96x64xf32, #tpu.memory_space<vmem>>, vector<1x16xf32>,
        %get3A_1139 = vector.shape_cast %get3A_1138 : vector<1x16xf32> to vector<16xf32>
        %add3A_1140 = arith.addf %add3A_1118, %get3A_1139 : vector<16xf32>
        %scan3A_1141 = arith.constant 6 : i32
        %scan3A_1142 = arith.addi %scan3A_1006, %scan3A_1141 : i32
        %get3A_1143 = arith.index_cast %scan3A_1142 : i32 to index
        %get3A_1144 = arith.constant 0 : index
        %get3A_1145 = tpu.vector_load %arg11[%get3A_1143, %get3A_1144] {strides = array<i32>} : memref<96x64xf32, #tpu.memory_space<vmem>>, vector<1x16xf32>,
        %get3A_1146 = vector.shape_cast %get3A_1145 : vector<1x16xf32> to vector<16xf32>
        %add3A_1147 = arith.addf %add3A_1125, %get3A_1146 : vector<16xf32>
        %get3A_1148 = arith.index_cast %scan3A_1142 : i32 to index
        %get3A_1149 = arith.constant 16 : index
        %get3A_1150 = tpu.vector_load %arg11[%get3A_1148, %get3A_1149] {strides = array<i32>} : memref<96x64xf32, #tpu.memory_space<vmem>>, vector<1x16xf32>,
        %get3A_1151 = vector.shape_cast %get3A_1150 : vector<1x16xf32> to vector<16xf32>
        %add3A_1152 = arith.addf %add3A_1130, %get3A_1151 : vector<16xf32>
        %get3A_1153 = arith.index_cast %scan3A_1142 : i32 to index
        %get3A_1154 = arith.constant 32 : index
        %get3A_1155 = tpu.vector_load %arg11[%get3A_1153, %get3A_1154] {strides = array<i32>} : memref<96x64xf32, #tpu.memory_space<vmem>>, vector<1x16xf32>,
        %get3A_1156 = vector.shape_cast %get3A_1155 : vector<1x16xf32> to vector<16xf32>
        %add3A_1157 = arith.addf %add3A_1135, %get3A_1156 : vector<16xf32>
        %get3A_1158 = arith.index_cast %scan3A_1142 : i32 to index
        %get3A_1159 = arith.constant 48 : index
        %get3A_1160 = tpu.vector_load %arg11[%get3A_1158, %get3A_1159] {strides = array<i32>} : memref<96x64xf32, #tpu.memory_space<vmem>>, vector<1x16xf32>,
        %get3A_1161 = vector.shape_cast %get3A_1160 : vector<1x16xf32> to vector<16xf32>
        %add3A_1162 = arith.addf %add3A_1140, %get3A_1161 : vector<16xf32>
        %scan3A_1163 = arith.constant 7 : i32
        %scan3A_1164 = arith.addi %scan3A_1006, %scan3A_1163 : i32
        %get3A_1165 = arith.index_cast %scan3A_1164 : i32 to index
        %get3A_1166 = arith.constant 0 : index
        %get3A_1167 = tpu.vector_load %arg11[%get3A_1165, %get3A_1166] {strides = array<i32>} : memref<96x64xf32, #tpu.memory_space<vmem>>, vector<1x16xf32>,
        %get3A_1168 = vector.shape_cast %get3A_1167 : vector<1x16xf32> to vector<16xf32>
        %add3A_1169 = arith.addf %add3A_1147, %get3A_1168 : vector<16xf32>
        %get3A_1170 = arith.index_cast %scan3A_1164 : i32 to index
        %get3A_1171 = arith.constant 16 : index
        %get3A_1172 = tpu.vector_load %arg11[%get3A_1170, %get3A_1171] {strides = array<i32>} : memref<96x64xf32, #tpu.memory_space<vmem>>, vector<1x16xf32>,
        %get3A_1173 = vector.shape_cast %get3A_1172 : vector<1x16xf32> to vector<16xf32>
        %add3A_1174 = arith.addf %add3A_1152, %get3A_1173 : vector<16xf32>
        %get3A_1175 = arith.index_cast %scan3A_1164 : i32 to index
        %get3A_1176 = arith.constant 32 : index
        %get3A_1177 = tpu.vector_load %arg11[%get3A_1175, %get3A_1176] {strides = array<i32>} : memref<96x64xf32, #tpu.memory_space<vmem>>, vector<1x16xf32>,
        %get3A_1178 = vector.shape_cast %get3A_1177 : vector<1x16xf32> to vector<16xf32>
        %add3A_1179 = arith.addf %add3A_1157, %get3A_1178 : vector<16xf32>
        %get3A_1180 = arith.index_cast %scan3A_1164 : i32 to index
        %get3A_1181 = arith.constant 48 : index
        %get3A_1182 = tpu.vector_load %arg11[%get3A_1180, %get3A_1181] {strides = array<i32>} : memref<96x64xf32, #tpu.memory_space<vmem>>, vector<1x16xf32>,
        %get3A_1183 = vector.shape_cast %get3A_1182 : vector<1x16xf32> to vector<16xf32>
        %add3A_1184 = arith.addf %add3A_1162, %get3A_1183 : vector<16xf32>
        scf.yield %add3A_1169, %add3A_1174, %add3A_1179, %add3A_1184 : vector<16xf32>, vector<16xf32>, vector<16xf32>, vector<16xf32>
      }
      %scan3A_731 = arith.constant 96 : i32
      %convert_element_type3A_732 = arith.extui %lt3A_59 : i1 to i32
      %cond3A_733 = arith.constant 0 : i32
      %cond3A_734 = arith.cmpi ne, %convert_element_type3A_732, %cond3A_733 : i32
      scf.if %cond3A_734 {
        %add3A_1006 = arith.constant 4 : i32
        %add3A_1007 = arith.addi %add3A_532, %add3A_1006 : i32
        %mul3A_1008 = arith.constant 200 : i32
        %mul3A_1009 = arith.muli %add3A_1007, %mul3A_1008 : i32
        %add3A_1010 = arith.constant 104 : i32
        %add3A_1011 = arith.addi %mul3A_1009, %add3A_1010 : i32
        %dma_start3A_1012 = tpu.memref_slice %arg5[%add3A_1011] : memref<25600xi32, #tpu.memory_space<vmem>> -> memref<96xi32, #tpu.memory_space<vmem>>
        %dma_start3A_1013 = arith.constant 0 : i32
        %dma_start3A_1014 = arith.constant 0 : i32
        %dma_start3A_1015 = tpu.memref_slice %arg3[%dma_start3A_1013, %dma_start3A_1014] : memref<2000000x64xf32, #tpu.memory_space<hbm>> -> memref<2000000x64xf32, #tpu.memory_space<hbm>>
        tpu.enqueue_indirect_dma source(%dma_start3A_1015 : memref<2000000x64xf32, #tpu.memory_space<hbm>>) target(%arg11 : memref<96x64xf32, #tpu.memory_space<vmem>>) offsets(%dma_start3A_1012 : memref<96xi32, #tpu.memory_space<vmem>>) semaphore(%arg20 : memref<!tpu.dma_semaphore, #tpu.memory_space<semaphore_mem>>)
      } else {
      }
      %mul3A_735 = arith.constant 5.000000e-03 : f32
      %mul3A_736 = vector.broadcast %mul3A_735 : f32 to vector<16xf32>
      %mul3A_737 = arith.mulf %scan3A_730#0, %mul3A_736 : vector<16xf32>
      %swap3A_738 = arith.index_cast %add3A_532 : i32 to index
      %swap3A_739 = arith.constant 0 : index
      %swap3A_740 = tpu.vector_load %arg14[%swap3A_738, %swap3A_739] {strides = array<i32>} : memref<128x64xf32, #tpu.memory_space<vmem>>, vector<1x16xf32>,
      %swap3A_741 = vector.shape_cast %swap3A_740 : vector<1x16xf32> to vector<16xf32>
      %swap3A_742 = vector.shape_cast %mul3A_737 : vector<16xf32> to vector<1x16xf32>
      tpu.vector_store %arg14[%swap3A_738, %swap3A_739], %swap3A_742 {strides = array<i32>} : memref<128x64xf32, #tpu.memory_space<vmem>>, vector<1x16xf32>,
      %mul3A_743 = arith.constant 5.000000e-03 : f32
      %mul3A_744 = vector.broadcast %mul3A_743 : f32 to vector<16xf32>
      %mul3A_745 = arith.mulf %scan3A_730#1, %mul3A_744 : vector<16xf32>
      %swap3A_746 = arith.index_cast %add3A_532 : i32 to index
      %swap3A_747 = arith.constant 16 : index
      %swap3A_748 = tpu.vector_load %arg14[%swap3A_746, %swap3A_747] {strides = array<i32>} : memref<128x64xf32, #tpu.memory_space<vmem>>, vector<1x16xf32>,
      %swap3A_749 = vector.shape_cast %swap3A_748 : vector<1x16xf32> to vector<16xf32>
      %swap3A_750 = vector.shape_cast %mul3A_745 : vector<16xf32> to vector<1x16xf32>
      tpu.vector_store %arg14[%swap3A_746, %swap3A_747], %swap3A_750 {strides = array<i32>} : memref<128x64xf32, #tpu.memory_space<vmem>>, vector<1x16xf32>,
      %mul3A_751 = arith.constant 5.000000e-03 : f32
      %mul3A_752 = vector.broadcast %mul3A_751 : f32 to vector<16xf32>
      %mul3A_753 = arith.mulf %scan3A_730#2, %mul3A_752 : vector<16xf32>
      %swap3A_754 = arith.index_cast %add3A_532 : i32 to index
      %swap3A_755 = arith.constant 32 : index
      %swap3A_756 = tpu.vector_load %arg14[%swap3A_754, %swap3A_755] {strides = array<i32>} : memref<128x64xf32, #tpu.memory_space<vmem>>, vector<1x16xf32>,
      %swap3A_757 = vector.shape_cast %swap3A_756 : vector<1x16xf32> to vector<16xf32>
      %swap3A_758 = vector.shape_cast %mul3A_753 : vector<16xf32> to vector<1x16xf32>
      tpu.vector_store %arg14[%swap3A_754, %swap3A_755], %swap3A_758 {strides = array<i32>} : memref<128x64xf32, #tpu.memory_space<vmem>>, vector<1x16xf32>,
      %mul3A_759 = arith.constant 5.000000e-03 : f32
      %mul3A_760 = vector.broadcast %mul3A_759 : f32 to vector<16xf32>
      %mul3A_761 = arith.mulf %scan3A_730#3, %mul3A_760 : vector<16xf32>
      %swap3A_762 = arith.index_cast %add3A_532 : i32 to index
      %swap3A_763 = arith.constant 48 : index
      %swap3A_764 = tpu.vector_load %arg14[%swap3A_762, %swap3A_763] {strides = array<i32>} : memref<128x64xf32, #tpu.memory_space<vmem>>, vector<1x16xf32>,
      %swap3A_765 = vector.shape_cast %swap3A_764 : vector<1x16xf32> to vector<16xf32>
      %swap3A_766 = vector.shape_cast %mul3A_761 : vector<16xf32> to vector<1x16xf32>
      tpu.vector_store %arg14[%swap3A_762, %swap3A_763], %swap3A_766 {strides = array<i32>} : memref<128x64xf32, #tpu.memory_space<vmem>>, vector<1x16xf32>,
      %mul3A_767 = arith.constant 4 : i32
      %mul3A_768 = arith.muli %mul3A_767, %scan3A_57 : i32
      %add3A_769 = arith.constant 3 : i32
      %add3A_770 = arith.addi %mul3A_768, %add3A_769 : i32
      %dma_wait3A_771 = arith.constant 0 : i32
      %dma_wait3A_772 = tpu.memref_slice %arg5[%dma_wait3A_771] : memref<25600xi32, #tpu.memory_space<vmem>> -> memref<104xi32, #tpu.memory_space<vmem>>
      %dma_wait3A_773 = arith.constant 0 : i32
      %dma_wait3A_774 = arith.constant 0 : i32
      %dma_wait3A_775 = tpu.memref_slice %arg3[%dma_wait3A_773, %dma_wait3A_774] : memref<2000000x64xf32, #tpu.memory_space<hbm>> -> memref<2000000x64xf32, #tpu.memory_space<hbm>>
      tpu.wait_indirect_dma semaphore(%arg21 : memref<!tpu.dma_semaphore, #tpu.memory_space<semaphore_mem>>) src(%dma_wait3A_775 : memref<2000000x64xf32, #tpu.memory_space<hbm>>) dst(%arg12 : memref<104x64xf32, #tpu.memory_space<vmem>>)
      %get3A_776 = arith.constant 0 : i32
      %get3A_777 = arith.index_cast %get3A_776 : i32 to index
      %get3A_778 = arith.constant 0 : index
      %get3A_779 = tpu.vector_load %arg12[%get3A_777, %get3A_778] {strides = array<i32>} : memref<104x64xf32, #tpu.memory_space<vmem>>, vector<1x16xf32>,
      %get3A_780 = vector.shape_cast %get3A_779 : vector<1x16xf32> to vector<16xf32>
      %get3A_781 = arith.constant 0 : i32
      %get3A_782 = arith.index_cast %get3A_781 : i32 to index
      %get3A_783 = arith.constant 16 : index
      %get3A_784 = tpu.vector_load %arg12[%get3A_782, %get3A_783] {strides = array<i32>} : memref<104x64xf32, #tpu.memory_space<vmem>>, vector<1x16xf32>,
      %get3A_785 = vector.shape_cast %get3A_784 : vector<1x16xf32> to vector<16xf32>
      %get3A_786 = arith.constant 0 : i32
      %get3A_787 = arith.index_cast %get3A_786 : i32 to index
      %get3A_788 = arith.constant 32 : index
      %get3A_789 = tpu.vector_load %arg12[%get3A_787, %get3A_788] {strides = array<i32>} : memref<104x64xf32, #tpu.memory_space<vmem>>, vector<1x16xf32>,
      %get3A_790 = vector.shape_cast %get3A_789 : vector<1x16xf32> to vector<16xf32>
      %get3A_791 = arith.constant 0 : i32
      %get3A_792 = arith.index_cast %get3A_791 : i32 to index
      %get3A_793 = arith.constant 48 : index
      %get3A_794 = tpu.vector_load %arg12[%get3A_792, %get3A_793] {strides = array<i32>} : memref<104x64xf32, #tpu.memory_space<vmem>>, vector<1x16xf32>,
      %get3A_795 = vector.shape_cast %get3A_794 : vector<1x16xf32> to vector<16xf32>
      %scan3A_796 = arith.constant 1 : i32
      %scan3A_797 = arith.constant 96 : i32
      %scan3A_798 = arith.addi %scan3A_796, %scan3A_797 : i32
      %scan3A_799 = arith.constant 8 : i32
      %scan3A_800:4 = scf.for %scan3A_1006 = %scan3A_796 to %scan3A_798 step %scan3A_799 iter_args(%scan3A_1007 = %get3A_780, %scan3A_1008 = %get3A_785, %scan3A_1009 = %get3A_790, %scan3A_1010 = %get3A_795) -> (vector<16xf32>, vector<16xf32>, vector<16xf32>, vector<16xf32>)  : i32 {
        %get3A_1011 = arith.index_cast %scan3A_1006 : i32 to index
        %get3A_1012 = arith.constant 0 : index
        %get3A_1013 = tpu.vector_load %arg12[%get3A_1011, %get3A_1012] {strides = array<i32>} : memref<104x64xf32, #tpu.memory_space<vmem>>, vector<1x16xf32>,
        %get3A_1014 = vector.shape_cast %get3A_1013 : vector<1x16xf32> to vector<16xf32>
        %add3A_1015 = arith.addf %scan3A_1007, %get3A_1014 : vector<16xf32>
        %get3A_1016 = arith.index_cast %scan3A_1006 : i32 to index
        %get3A_1017 = arith.constant 16 : index
        %get3A_1018 = tpu.vector_load %arg12[%get3A_1016, %get3A_1017] {strides = array<i32>} : memref<104x64xf32, #tpu.memory_space<vmem>>, vector<1x16xf32>,
        %get3A_1019 = vector.shape_cast %get3A_1018 : vector<1x16xf32> to vector<16xf32>
        %add3A_1020 = arith.addf %scan3A_1008, %get3A_1019 : vector<16xf32>
        %get3A_1021 = arith.index_cast %scan3A_1006 : i32 to index
        %get3A_1022 = arith.constant 32 : index
        %get3A_1023 = tpu.vector_load %arg12[%get3A_1021, %get3A_1022] {strides = array<i32>} : memref<104x64xf32, #tpu.memory_space<vmem>>, vector<1x16xf32>,
        %get3A_1024 = vector.shape_cast %get3A_1023 : vector<1x16xf32> to vector<16xf32>
        %add3A_1025 = arith.addf %scan3A_1009, %get3A_1024 : vector<16xf32>
        %get3A_1026 = arith.index_cast %scan3A_1006 : i32 to index
        %get3A_1027 = arith.constant 48 : index
        %get3A_1028 = tpu.vector_load %arg12[%get3A_1026, %get3A_1027] {strides = array<i32>} : memref<104x64xf32, #tpu.memory_space<vmem>>, vector<1x16xf32>,
        %get3A_1029 = vector.shape_cast %get3A_1028 : vector<1x16xf32> to vector<16xf32>
        %add3A_1030 = arith.addf %scan3A_1010, %get3A_1029 : vector<16xf32>
        %scan3A_1031 = arith.constant 1 : i32
        %scan3A_1032 = arith.addi %scan3A_1006, %scan3A_1031 : i32
        %get3A_1033 = arith.index_cast %scan3A_1032 : i32 to index
        %get3A_1034 = arith.constant 0 : index
        %get3A_1035 = tpu.vector_load %arg12[%get3A_1033, %get3A_1034] {strides = array<i32>} : memref<104x64xf32, #tpu.memory_space<vmem>>, vector<1x16xf32>,
        %get3A_1036 = vector.shape_cast %get3A_1035 : vector<1x16xf32> to vector<16xf32>
        %add3A_1037 = arith.addf %add3A_1015, %get3A_1036 : vector<16xf32>
        %get3A_1038 = arith.index_cast %scan3A_1032 : i32 to index
        %get3A_1039 = arith.constant 16 : index
        %get3A_1040 = tpu.vector_load %arg12[%get3A_1038, %get3A_1039] {strides = array<i32>} : memref<104x64xf32, #tpu.memory_space<vmem>>, vector<1x16xf32>,
        %get3A_1041 = vector.shape_cast %get3A_1040 : vector<1x16xf32> to vector<16xf32>
        %add3A_1042 = arith.addf %add3A_1020, %get3A_1041 : vector<16xf32>
        %get3A_1043 = arith.index_cast %scan3A_1032 : i32 to index
        %get3A_1044 = arith.constant 32 : index
        %get3A_1045 = tpu.vector_load %arg12[%get3A_1043, %get3A_1044] {strides = array<i32>} : memref<104x64xf32, #tpu.memory_space<vmem>>, vector<1x16xf32>,
        %get3A_1046 = vector.shape_cast %get3A_1045 : vector<1x16xf32> to vector<16xf32>
        %add3A_1047 = arith.addf %add3A_1025, %get3A_1046 : vector<16xf32>
        %get3A_1048 = arith.index_cast %scan3A_1032 : i32 to index
        %get3A_1049 = arith.constant 48 : index
        %get3A_1050 = tpu.vector_load %arg12[%get3A_1048, %get3A_1049] {strides = array<i32>} : memref<104x64xf32, #tpu.memory_space<vmem>>, vector<1x16xf32>,
        %get3A_1051 = vector.shape_cast %get3A_1050 : vector<1x16xf32> to vector<16xf32>
        %add3A_1052 = arith.addf %add3A_1030, %get3A_1051 : vector<16xf32>
        %scan3A_1053 = arith.constant 2 : i32
        %scan3A_1054 = arith.addi %scan3A_1006, %scan3A_1053 : i32
        %get3A_1055 = arith.index_cast %scan3A_1054 : i32 to index
        %get3A_1056 = arith.constant 0 : index
        %get3A_1057 = tpu.vector_load %arg12[%get3A_1055, %get3A_1056] {strides = array<i32>} : memref<104x64xf32, #tpu.memory_space<vmem>>, vector<1x16xf32>,
        %get3A_1058 = vector.shape_cast %get3A_1057 : vector<1x16xf32> to vector<16xf32>
        %add3A_1059 = arith.addf %add3A_1037, %get3A_1058 : vector<16xf32>
        %get3A_1060 = arith.index_cast %scan3A_1054 : i32 to index
        %get3A_1061 = arith.constant 16 : index
        %get3A_1062 = tpu.vector_load %arg12[%get3A_1060, %get3A_1061] {strides = array<i32>} : memref<104x64xf32, #tpu.memory_space<vmem>>, vector<1x16xf32>,
        %get3A_1063 = vector.shape_cast %get3A_1062 : vector<1x16xf32> to vector<16xf32>
        %add3A_1064 = arith.addf %add3A_1042, %get3A_1063 : vector<16xf32>
        %get3A_1065 = arith.index_cast %scan3A_1054 : i32 to index
        %get3A_1066 = arith.constant 32 : index
        %get3A_1067 = tpu.vector_load %arg12[%get3A_1065, %get3A_1066] {strides = array<i32>} : memref<104x64xf32, #tpu.memory_space<vmem>>, vector<1x16xf32>,
        %get3A_1068 = vector.shape_cast %get3A_1067 : vector<1x16xf32> to vector<16xf32>
        %add3A_1069 = arith.addf %add3A_1047, %get3A_1068 : vector<16xf32>
        %get3A_1070 = arith.index_cast %scan3A_1054 : i32 to index
        %get3A_1071 = arith.constant 48 : index
        %get3A_1072 = tpu.vector_load %arg12[%get3A_1070, %get3A_1071] {strides = array<i32>} : memref<104x64xf32, #tpu.memory_space<vmem>>, vector<1x16xf32>,
        %get3A_1073 = vector.shape_cast %get3A_1072 : vector<1x16xf32> to vector<16xf32>
        %add3A_1074 = arith.addf %add3A_1052, %get3A_1073 : vector<16xf32>
        %scan3A_1075 = arith.constant 3 : i32
        %scan3A_1076 = arith.addi %scan3A_1006, %scan3A_1075 : i32
        %get3A_1077 = arith.index_cast %scan3A_1076 : i32 to index
        %get3A_1078 = arith.constant 0 : index
        %get3A_1079 = tpu.vector_load %arg12[%get3A_1077, %get3A_1078] {strides = array<i32>} : memref<104x64xf32, #tpu.memory_space<vmem>>, vector<1x16xf32>,
        %get3A_1080 = vector.shape_cast %get3A_1079 : vector<1x16xf32> to vector<16xf32>
        %add3A_1081 = arith.addf %add3A_1059, %get3A_1080 : vector<16xf32>
        %get3A_1082 = arith.index_cast %scan3A_1076 : i32 to index
        %get3A_1083 = arith.constant 16 : index
        %get3A_1084 = tpu.vector_load %arg12[%get3A_1082, %get3A_1083] {strides = array<i32>} : memref<104x64xf32, #tpu.memory_space<vmem>>, vector<1x16xf32>,
        %get3A_1085 = vector.shape_cast %get3A_1084 : vector<1x16xf32> to vector<16xf32>
        %add3A_1086 = arith.addf %add3A_1064, %get3A_1085 : vector<16xf32>
        %get3A_1087 = arith.index_cast %scan3A_1076 : i32 to index
        %get3A_1088 = arith.constant 32 : index
        %get3A_1089 = tpu.vector_load %arg12[%get3A_1087, %get3A_1088] {strides = array<i32>} : memref<104x64xf32, #tpu.memory_space<vmem>>, vector<1x16xf32>,
        %get3A_1090 = vector.shape_cast %get3A_1089 : vector<1x16xf32> to vector<16xf32>
        %add3A_1091 = arith.addf %add3A_1069, %get3A_1090 : vector<16xf32>
        %get3A_1092 = arith.index_cast %scan3A_1076 : i32 to index
        %get3A_1093 = arith.constant 48 : index
        %get3A_1094 = tpu.vector_load %arg12[%get3A_1092, %get3A_1093] {strides = array<i32>} : memref<104x64xf32, #tpu.memory_space<vmem>>, vector<1x16xf32>,
        %get3A_1095 = vector.shape_cast %get3A_1094 : vector<1x16xf32> to vector<16xf32>
        %add3A_1096 = arith.addf %add3A_1074, %get3A_1095 : vector<16xf32>
        %scan3A_1097 = arith.constant 4 : i32
        %scan3A_1098 = arith.addi %scan3A_1006, %scan3A_1097 : i32
        %get3A_1099 = arith.index_cast %scan3A_1098 : i32 to index
        %get3A_1100 = arith.constant 0 : index
        %get3A_1101 = tpu.vector_load %arg12[%get3A_1099, %get3A_1100] {strides = array<i32>} : memref<104x64xf32, #tpu.memory_space<vmem>>, vector<1x16xf32>,
        %get3A_1102 = vector.shape_cast %get3A_1101 : vector<1x16xf32> to vector<16xf32>
        %add3A_1103 = arith.addf %add3A_1081, %get3A_1102 : vector<16xf32>
        %get3A_1104 = arith.index_cast %scan3A_1098 : i32 to index
        %get3A_1105 = arith.constant 16 : index
        %get3A_1106 = tpu.vector_load %arg12[%get3A_1104, %get3A_1105] {strides = array<i32>} : memref<104x64xf32, #tpu.memory_space<vmem>>, vector<1x16xf32>,
        %get3A_1107 = vector.shape_cast %get3A_1106 : vector<1x16xf32> to vector<16xf32>
        %add3A_1108 = arith.addf %add3A_1086, %get3A_1107 : vector<16xf32>
        %get3A_1109 = arith.index_cast %scan3A_1098 : i32 to index
        %get3A_1110 = arith.constant 32 : index
        %get3A_1111 = tpu.vector_load %arg12[%get3A_1109, %get3A_1110] {strides = array<i32>} : memref<104x64xf32, #tpu.memory_space<vmem>>, vector<1x16xf32>,
        %get3A_1112 = vector.shape_cast %get3A_1111 : vector<1x16xf32> to vector<16xf32>
        %add3A_1113 = arith.addf %add3A_1091, %get3A_1112 : vector<16xf32>
        %get3A_1114 = arith.index_cast %scan3A_1098 : i32 to index
        %get3A_1115 = arith.constant 48 : index
        %get3A_1116 = tpu.vector_load %arg12[%get3A_1114, %get3A_1115] {strides = array<i32>} : memref<104x64xf32, #tpu.memory_space<vmem>>, vector<1x16xf32>,
        %get3A_1117 = vector.shape_cast %get3A_1116 : vector<1x16xf32> to vector<16xf32>
        %add3A_1118 = arith.addf %add3A_1096, %get3A_1117 : vector<16xf32>
        %scan3A_1119 = arith.constant 5 : i32
        %scan3A_1120 = arith.addi %scan3A_1006, %scan3A_1119 : i32
        %get3A_1121 = arith.index_cast %scan3A_1120 : i32 to index
        %get3A_1122 = arith.constant 0 : index
        %get3A_1123 = tpu.vector_load %arg12[%get3A_1121, %get3A_1122] {strides = array<i32>} : memref<104x64xf32, #tpu.memory_space<vmem>>, vector<1x16xf32>,
        %get3A_1124 = vector.shape_cast %get3A_1123 : vector<1x16xf32> to vector<16xf32>
        %add3A_1125 = arith.addf %add3A_1103, %get3A_1124 : vector<16xf32>
        %get3A_1126 = arith.index_cast %scan3A_1120 : i32 to index
        %get3A_1127 = arith.constant 16 : index
        %get3A_1128 = tpu.vector_load %arg12[%get3A_1126, %get3A_1127] {strides = array<i32>} : memref<104x64xf32, #tpu.memory_space<vmem>>, vector<1x16xf32>,
        %get3A_1129 = vector.shape_cast %get3A_1128 : vector<1x16xf32> to vector<16xf32>
        %add3A_1130 = arith.addf %add3A_1108, %get3A_1129 : vector<16xf32>
        %get3A_1131 = arith.index_cast %scan3A_1120 : i32 to index
        %get3A_1132 = arith.constant 32 : index
        %get3A_1133 = tpu.vector_load %arg12[%get3A_1131, %get3A_1132] {strides = array<i32>} : memref<104x64xf32, #tpu.memory_space<vmem>>, vector<1x16xf32>,
        %get3A_1134 = vector.shape_cast %get3A_1133 : vector<1x16xf32> to vector<16xf32>
        %add3A_1135 = arith.addf %add3A_1113, %get3A_1134 : vector<16xf32>
        %get3A_1136 = arith.index_cast %scan3A_1120 : i32 to index
        %get3A_1137 = arith.constant 48 : index
        %get3A_1138 = tpu.vector_load %arg12[%get3A_1136, %get3A_1137] {strides = array<i32>} : memref<104x64xf32, #tpu.memory_space<vmem>>, vector<1x16xf32>,
        %get3A_1139 = vector.shape_cast %get3A_1138 : vector<1x16xf32> to vector<16xf32>
        %add3A_1140 = arith.addf %add3A_1118, %get3A_1139 : vector<16xf32>
        %scan3A_1141 = arith.constant 6 : i32
        %scan3A_1142 = arith.addi %scan3A_1006, %scan3A_1141 : i32
        %get3A_1143 = arith.index_cast %scan3A_1142 : i32 to index
        %get3A_1144 = arith.constant 0 : index
        %get3A_1145 = tpu.vector_load %arg12[%get3A_1143, %get3A_1144] {strides = array<i32>} : memref<104x64xf32, #tpu.memory_space<vmem>>, vector<1x16xf32>,
        %get3A_1146 = vector.shape_cast %get3A_1145 : vector<1x16xf32> to vector<16xf32>
        %add3A_1147 = arith.addf %add3A_1125, %get3A_1146 : vector<16xf32>
        %get3A_1148 = arith.index_cast %scan3A_1142 : i32 to index
        %get3A_1149 = arith.constant 16 : index
        %get3A_1150 = tpu.vector_load %arg12[%get3A_1148, %get3A_1149] {strides = array<i32>} : memref<104x64xf32, #tpu.memory_space<vmem>>, vector<1x16xf32>,
        %get3A_1151 = vector.shape_cast %get3A_1150 : vector<1x16xf32> to vector<16xf32>
        %add3A_1152 = arith.addf %add3A_1130, %get3A_1151 : vector<16xf32>
        %get3A_1153 = arith.index_cast %scan3A_1142 : i32 to index
        %get3A_1154 = arith.constant 32 : index
        %get3A_1155 = tpu.vector_load %arg12[%get3A_1153, %get3A_1154] {strides = array<i32>} : memref<104x64xf32, #tpu.memory_space<vmem>>, vector<1x16xf32>,
        %get3A_1156 = vector.shape_cast %get3A_1155 : vector<1x16xf32> to vector<16xf32>
        %add3A_1157 = arith.addf %add3A_1135, %get3A_1156 : vector<16xf32>
        %get3A_1158 = arith.index_cast %scan3A_1142 : i32 to index
        %get3A_1159 = arith.constant 48 : index
        %get3A_1160 = tpu.vector_load %arg12[%get3A_1158, %get3A_1159] {strides = array<i32>} : memref<104x64xf32, #tpu.memory_space<vmem>>, vector<1x16xf32>,
        %get3A_1161 = vector.shape_cast %get3A_1160 : vector<1x16xf32> to vector<16xf32>
        %add3A_1162 = arith.addf %add3A_1140, %get3A_1161 : vector<16xf32>
        %scan3A_1163 = arith.constant 7 : i32
        %scan3A_1164 = arith.addi %scan3A_1006, %scan3A_1163 : i32
        %get3A_1165 = arith.index_cast %scan3A_1164 : i32 to index
        %get3A_1166 = arith.constant 0 : index
        %get3A_1167 = tpu.vector_load %arg12[%get3A_1165, %get3A_1166] {strides = array<i32>} : memref<104x64xf32, #tpu.memory_space<vmem>>, vector<1x16xf32>,
        %get3A_1168 = vector.shape_cast %get3A_1167 : vector<1x16xf32> to vector<16xf32>
        %add3A_1169 = arith.addf %add3A_1147, %get3A_1168 : vector<16xf32>
        %get3A_1170 = arith.index_cast %scan3A_1164 : i32 to index
        %get3A_1171 = arith.constant 16 : index
        %get3A_1172 = tpu.vector_load %arg12[%get3A_1170, %get3A_1171] {strides = array<i32>} : memref<104x64xf32, #tpu.memory_space<vmem>>, vector<1x16xf32>,
        %get3A_1173 = vector.shape_cast %get3A_1172 : vector<1x16xf32> to vector<16xf32>
        %add3A_1174 = arith.addf %add3A_1152, %get3A_1173 : vector<16xf32>
        %get3A_1175 = arith.index_cast %scan3A_1164 : i32 to index
        %get3A_1176 = arith.constant 32 : index
        %get3A_1177 = tpu.vector_load %arg12[%get3A_1175, %get3A_1176] {strides = array<i32>} : memref<104x64xf32, #tpu.memory_space<vmem>>, vector<1x16xf32>,
        %get3A_1178 = vector.shape_cast %get3A_1177 : vector<1x16xf32> to vector<16xf32>
        %add3A_1179 = arith.addf %add3A_1157, %get3A_1178 : vector<16xf32>
        %get3A_1180 = arith.index_cast %scan3A_1164 : i32 to index
        %get3A_1181 = arith.constant 48 : index
        %get3A_1182 = tpu.vector_load %arg12[%get3A_1180, %get3A_1181] {strides = array<i32>} : memref<104x64xf32, #tpu.memory_space<vmem>>, vector<1x16xf32>,
        %get3A_1183 = vector.shape_cast %get3A_1182 : vector<1x16xf32> to vector<16xf32>
        %add3A_1184 = arith.addf %add3A_1162, %get3A_1183 : vector<16xf32>
        scf.yield %add3A_1169, %add3A_1174, %add3A_1179, %add3A_1184 : vector<16xf32>, vector<16xf32>, vector<16xf32>, vector<16xf32>
      }
      %scan3A_801 = arith.constant 96 : i32
      %scan3A_802 = arith.addi %scan3A_796, %scan3A_801 : i32
      %get3A_803 = arith.index_cast %scan3A_802 : i32 to index
      %get3A_804 = arith.constant 0 : index
      %get3A_805 = tpu.vector_load %arg12[%get3A_803, %get3A_804] {strides = array<i32>} : memref<104x64xf32, #tpu.memory_space<vmem>>, vector<1x16xf32>,
      %get3A_806 = vector.shape_cast %get3A_805 : vector<1x16xf32> to vector<16xf32>
      %add3A_807 = arith.addf %scan3A_800#0, %get3A_806 : vector<16xf32>
      %get3A_808 = arith.index_cast %scan3A_802 : i32 to index
      %get3A_809 = arith.constant 16 : index
      %get3A_810 = tpu.vector_load %arg12[%get3A_808, %get3A_809] {strides = array<i32>} : memref<104x64xf32, #tpu.memory_space<vmem>>, vector<1x16xf32>,
      %get3A_811 = vector.shape_cast %get3A_810 : vector<1x16xf32> to vector<16xf32>
      %add3A_812 = arith.addf %scan3A_800#1, %get3A_811 : vector<16xf32>
      %get3A_813 = arith.index_cast %scan3A_802 : i32 to index
      %get3A_814 = arith.constant 32 : index
      %get3A_815 = tpu.vector_load %arg12[%get3A_813, %get3A_814] {strides = array<i32>} : memref<104x64xf32, #tpu.memory_space<vmem>>, vector<1x16xf32>,
      %get3A_816 = vector.shape_cast %get3A_815 : vector<1x16xf32> to vector<16xf32>
      %add3A_817 = arith.addf %scan3A_800#2, %get3A_816 : vector<16xf32>
      %get3A_818 = arith.index_cast %scan3A_802 : i32 to index
      %get3A_819 = arith.constant 48 : index
      %get3A_820 = tpu.vector_load %arg12[%get3A_818, %get3A_819] {strides = array<i32>} : memref<104x64xf32, #tpu.memory_space<vmem>>, vector<1x16xf32>,
      %get3A_821 = vector.shape_cast %get3A_820 : vector<1x16xf32> to vector<16xf32>
      %add3A_822 = arith.addf %scan3A_800#3, %get3A_821 : vector<16xf32>
      %scan3A_823 = arith.constant 97 : i32
      %scan3A_824 = arith.addi %scan3A_796, %scan3A_823 : i32
      %get3A_825 = arith.index_cast %scan3A_824 : i32 to index
      %get3A_826 = arith.constant 0 : index
      %get3A_827 = tpu.vector_load %arg12[%get3A_825, %get3A_826] {strides = array<i32>} : memref<104x64xf32, #tpu.memory_space<vmem>>, vector<1x16xf32>,
      %get3A_828 = vector.shape_cast %get3A_827 : vector<1x16xf32> to vector<16xf32>
      %add3A_829 = arith.addf %add3A_807, %get3A_828 : vector<16xf32>
      %get3A_830 = arith.index_cast %scan3A_824 : i32 to index
      %get3A_831 = arith.constant 16 : index
      %get3A_832 = tpu.vector_load %arg12[%get3A_830, %get3A_831] {strides = array<i32>} : memref<104x64xf32, #tpu.memory_space<vmem>>, vector<1x16xf32>,
      %get3A_833 = vector.shape_cast %get3A_832 : vector<1x16xf32> to vector<16xf32>
      %add3A_834 = arith.addf %add3A_812, %get3A_833 : vector<16xf32>
      %get3A_835 = arith.index_cast %scan3A_824 : i32 to index
      %get3A_836 = arith.constant 32 : index
      %get3A_837 = tpu.vector_load %arg12[%get3A_835, %get3A_836] {strides = array<i32>} : memref<104x64xf32, #tpu.memory_space<vmem>>, vector<1x16xf32>,
      %get3A_838 = vector.shape_cast %get3A_837 : vector<1x16xf32> to vector<16xf32>
      %add3A_839 = arith.addf %add3A_817, %get3A_838 : vector<16xf32>
      %get3A_840 = arith.index_cast %scan3A_824 : i32 to index
      %get3A_841 = arith.constant 48 : index
      %get3A_842 = tpu.vector_load %arg12[%get3A_840, %get3A_841] {strides = array<i32>} : memref<104x64xf32, #tpu.memory_space<vmem>>, vector<1x16xf32>,
      %get3A_843 = vector.shape_cast %get3A_842 : vector<1x16xf32> to vector<16xf32>
      %add3A_844 = arith.addf %add3A_822, %get3A_843 : vector<16xf32>
      %scan3A_845 = arith.constant 98 : i32
      %scan3A_846 = arith.addi %scan3A_796, %scan3A_845 : i32
      %get3A_847 = arith.index_cast %scan3A_846 : i32 to index
      %get3A_848 = arith.constant 0 : index
      %get3A_849 = tpu.vector_load %arg12[%get3A_847, %get3A_848] {strides = array<i32>} : memref<104x64xf32, #tpu.memory_space<vmem>>, vector<1x16xf32>,
      %get3A_850 = vector.shape_cast %get3A_849 : vector<1x16xf32> to vector<16xf32>
      %add3A_851 = arith.addf %add3A_829, %get3A_850 : vector<16xf32>
      %get3A_852 = arith.index_cast %scan3A_846 : i32 to index
      %get3A_853 = arith.constant 16 : index
      %get3A_854 = tpu.vector_load %arg12[%get3A_852, %get3A_853] {strides = array<i32>} : memref<104x64xf32, #tpu.memory_space<vmem>>, vector<1x16xf32>,
      %get3A_855 = vector.shape_cast %get3A_854 : vector<1x16xf32> to vector<16xf32>
      %add3A_856 = arith.addf %add3A_834, %get3A_855 : vector<16xf32>
      %get3A_857 = arith.index_cast %scan3A_846 : i32 to index
      %get3A_858 = arith.constant 32 : index
      %get3A_859 = tpu.vector_load %arg12[%get3A_857, %get3A_858] {strides = array<i32>} : memref<104x64xf32, #tpu.memory_space<vmem>>, vector<1x16xf32>,
      %get3A_860 = vector.shape_cast %get3A_859 : vector<1x16xf32> to vector<16xf32>
      %add3A_861 = arith.addf %add3A_839, %get3A_860 : vector<16xf32>
      %get3A_862 = arith.index_cast %scan3A_846 : i32 to index
      %get3A_863 = arith.constant 48 : index
      %get3A_864 = tpu.vector_load %arg12[%get3A_862, %get3A_863] {strides = array<i32>} : memref<104x64xf32, #tpu.memory_space<vmem>>, vector<1x16xf32>,
      %get3A_865 = vector.shape_cast %get3A_864 : vector<1x16xf32> to vector<16xf32>
      %add3A_866 = arith.addf %add3A_844, %get3A_865 : vector<16xf32>
      %scan3A_867 = arith.constant 99 : i32
      %scan3A_868 = arith.addi %scan3A_796, %scan3A_867 : i32
      %get3A_869 = arith.index_cast %scan3A_868 : i32 to index
      %get3A_870 = arith.constant 0 : index
      %get3A_871 = tpu.vector_load %arg12[%get3A_869, %get3A_870] {strides = array<i32>} : memref<104x64xf32, #tpu.memory_space<vmem>>, vector<1x16xf32>,
      %get3A_872 = vector.shape_cast %get3A_871 : vector<1x16xf32> to vector<16xf32>
      %add3A_873 = arith.addf %add3A_851, %get3A_872 : vector<16xf32>
      %get3A_874 = arith.index_cast %scan3A_868 : i32 to index
      %get3A_875 = arith.constant 16 : index
      %get3A_876 = tpu.vector_load %arg12[%get3A_874, %get3A_875] {strides = array<i32>} : memref<104x64xf32, #tpu.memory_space<vmem>>, vector<1x16xf32>,
      %get3A_877 = vector.shape_cast %get3A_876 : vector<1x16xf32> to vector<16xf32>
      %add3A_878 = arith.addf %add3A_856, %get3A_877 : vector<16xf32>
      %get3A_879 = arith.index_cast %scan3A_868 : i32 to index
      %get3A_880 = arith.constant 32 : index
      %get3A_881 = tpu.vector_load %arg12[%get3A_879, %get3A_880] {strides = array<i32>} : memref<104x64xf32, #tpu.memory_space<vmem>>, vector<1x16xf32>,
      %get3A_882 = vector.shape_cast %get3A_881 : vector<1x16xf32> to vector<16xf32>
      %add3A_883 = arith.addf %add3A_861, %get3A_882 : vector<16xf32>
      %get3A_884 = arith.index_cast %scan3A_868 : i32 to index
      %get3A_885 = arith.constant 48 : index
      %get3A_886 = tpu.vector_load %arg12[%get3A_884, %get3A_885] {strides = array<i32>} : memref<104x64xf32, #tpu.memory_space<vmem>>, vector<1x16xf32>,
      %get3A_887 = vector.shape_cast %get3A_886 : vector<1x16xf32> to vector<16xf32>
      %add3A_888 = arith.addf %add3A_866, %get3A_887 : vector<16xf32>
      %scan3A_889 = arith.constant 100 : i32
      %scan3A_890 = arith.addi %scan3A_796, %scan3A_889 : i32
      %get3A_891 = arith.index_cast %scan3A_890 : i32 to index
      %get3A_892 = arith.constant 0 : index
      %get3A_893 = tpu.vector_load %arg12[%get3A_891, %get3A_892] {strides = array<i32>} : memref<104x64xf32, #tpu.memory_space<vmem>>, vector<1x16xf32>,
      %get3A_894 = vector.shape_cast %get3A_893 : vector<1x16xf32> to vector<16xf32>
      %add3A_895 = arith.addf %add3A_873, %get3A_894 : vector<16xf32>
      %get3A_896 = arith.index_cast %scan3A_890 : i32 to index
      %get3A_897 = arith.constant 16 : index
      %get3A_898 = tpu.vector_load %arg12[%get3A_896, %get3A_897] {strides = array<i32>} : memref<104x64xf32, #tpu.memory_space<vmem>>, vector<1x16xf32>,
      %get3A_899 = vector.shape_cast %get3A_898 : vector<1x16xf32> to vector<16xf32>
      %add3A_900 = arith.addf %add3A_878, %get3A_899 : vector<16xf32>
      %get3A_901 = arith.index_cast %scan3A_890 : i32 to index
      %get3A_902 = arith.constant 32 : index
      %get3A_903 = tpu.vector_load %arg12[%get3A_901, %get3A_902] {strides = array<i32>} : memref<104x64xf32, #tpu.memory_space<vmem>>, vector<1x16xf32>,
      %get3A_904 = vector.shape_cast %get3A_903 : vector<1x16xf32> to vector<16xf32>
      %add3A_905 = arith.addf %add3A_883, %get3A_904 : vector<16xf32>
      %get3A_906 = arith.index_cast %scan3A_890 : i32 to index
      %get3A_907 = arith.constant 48 : index
      %get3A_908 = tpu.vector_load %arg12[%get3A_906, %get3A_907] {strides = array<i32>} : memref<104x64xf32, #tpu.memory_space<vmem>>, vector<1x16xf32>,
      %get3A_909 = vector.shape_cast %get3A_908 : vector<1x16xf32> to vector<16xf32>
      %add3A_910 = arith.addf %add3A_888, %get3A_909 : vector<16xf32>
      %scan3A_911 = arith.constant 101 : i32
      %scan3A_912 = arith.addi %scan3A_796, %scan3A_911 : i32
      %get3A_913 = arith.index_cast %scan3A_912 : i32 to index
      %get3A_914 = arith.constant 0 : index
      %get3A_915 = tpu.vector_load %arg12[%get3A_913, %get3A_914] {strides = array<i32>} : memref<104x64xf32, #tpu.memory_space<vmem>>, vector<1x16xf32>,
      %get3A_916 = vector.shape_cast %get3A_915 : vector<1x16xf32> to vector<16xf32>
      %add3A_917 = arith.addf %add3A_895, %get3A_916 : vector<16xf32>
      %get3A_918 = arith.index_cast %scan3A_912 : i32 to index
      %get3A_919 = arith.constant 16 : index
      %get3A_920 = tpu.vector_load %arg12[%get3A_918, %get3A_919] {strides = array<i32>} : memref<104x64xf32, #tpu.memory_space<vmem>>, vector<1x16xf32>,
      %get3A_921 = vector.shape_cast %get3A_920 : vector<1x16xf32> to vector<16xf32>
      %add3A_922 = arith.addf %add3A_900, %get3A_921 : vector<16xf32>
      %get3A_923 = arith.index_cast %scan3A_912 : i32 to index
      %get3A_924 = arith.constant 32 : index
      %get3A_925 = tpu.vector_load %arg12[%get3A_923, %get3A_924] {strides = array<i32>} : memref<104x64xf32, #tpu.memory_space<vmem>>, vector<1x16xf32>,
      %get3A_926 = vector.shape_cast %get3A_925 : vector<1x16xf32> to vector<16xf32>
      %add3A_927 = arith.addf %add3A_905, %get3A_926 : vector<16xf32>
      %get3A_928 = arith.index_cast %scan3A_912 : i32 to index
      %get3A_929 = arith.constant 48 : index
      %get3A_930 = tpu.vector_load %arg12[%get3A_928, %get3A_929] {strides = array<i32>} : memref<104x64xf32, #tpu.memory_space<vmem>>, vector<1x16xf32>,
      %get3A_931 = vector.shape_cast %get3A_930 : vector<1x16xf32> to vector<16xf32>
      %add3A_932 = arith.addf %add3A_910, %get3A_931 : vector<16xf32>
      %scan3A_933 = arith.constant 102 : i32
      %scan3A_934 = arith.addi %scan3A_796, %scan3A_933 : i32
      %get3A_935 = arith.index_cast %scan3A_934 : i32 to index
      %get3A_936 = arith.constant 0 : index
      %get3A_937 = tpu.vector_load %arg12[%get3A_935, %get3A_936] {strides = array<i32>} : memref<104x64xf32, #tpu.memory_space<vmem>>, vector<1x16xf32>,
      %get3A_938 = vector.shape_cast %get3A_937 : vector<1x16xf32> to vector<16xf32>
      %add3A_939 = arith.addf %add3A_917, %get3A_938 : vector<16xf32>
      %get3A_940 = arith.index_cast %scan3A_934 : i32 to index
      %get3A_941 = arith.constant 16 : index
      %get3A_942 = tpu.vector_load %arg12[%get3A_940, %get3A_941] {strides = array<i32>} : memref<104x64xf32, #tpu.memory_space<vmem>>, vector<1x16xf32>,
      %get3A_943 = vector.shape_cast %get3A_942 : vector<1x16xf32> to vector<16xf32>
      %add3A_944 = arith.addf %add3A_922, %get3A_943 : vector<16xf32>
      %get3A_945 = arith.index_cast %scan3A_934 : i32 to index
      %get3A_946 = arith.constant 32 : index
      %get3A_947 = tpu.vector_load %arg12[%get3A_945, %get3A_946] {strides = array<i32>} : memref<104x64xf32, #tpu.memory_space<vmem>>, vector<1x16xf32>,
      %get3A_948 = vector.shape_cast %get3A_947 : vector<1x16xf32> to vector<16xf32>
      %add3A_949 = arith.addf %add3A_927, %get3A_948 : vector<16xf32>
      %get3A_950 = arith.index_cast %scan3A_934 : i32 to index
      %get3A_951 = arith.constant 48 : index
      %get3A_952 = tpu.vector_load %arg12[%get3A_950, %get3A_951] {strides = array<i32>} : memref<104x64xf32, #tpu.memory_space<vmem>>, vector<1x16xf32>,
      %get3A_953 = vector.shape_cast %get3A_952 : vector<1x16xf32> to vector<16xf32>
      %add3A_954 = arith.addf %add3A_932, %get3A_953 : vector<16xf32>
      %scan3A_955 = arith.constant 103 : i32
      %convert_element_type3A_956 = arith.extui %lt3A_59 : i1 to i32
      %cond3A_957 = arith.constant 0 : i32
      %cond3A_958 = arith.cmpi ne, %convert_element_type3A_956, %cond3A_957 : i32
      scf.if %cond3A_958 {
        %add3A_1006 = arith.constant 4 : i32
        %add3A_1007 = arith.addi %add3A_770, %add3A_1006 : i32
        %mul3A_1008 = arith.constant 200 : i32
        %mul3A_1009 = arith.muli %add3A_1007, %mul3A_1008 : i32
        %dma_start3A_1010 = tpu.memref_slice %arg5[%mul3A_1009] : memref<25600xi32, #tpu.memory_space<vmem>> -> memref<104xi32, #tpu.memory_space<vmem>>
        %dma_start3A_1011 = arith.constant 0 : i32
        %dma_start3A_1012 = arith.constant 0 : i32
        %dma_start3A_1013 = tpu.memref_slice %arg3[%dma_start3A_1011, %dma_start3A_1012] : memref<2000000x64xf32, #tpu.memory_space<hbm>> -> memref<2000000x64xf32, #tpu.memory_space<hbm>>
        tpu.enqueue_indirect_dma source(%dma_start3A_1013 : memref<2000000x64xf32, #tpu.memory_space<hbm>>) target(%arg12 : memref<104x64xf32, #tpu.memory_space<vmem>>) offsets(%dma_start3A_1010 : memref<104xi32, #tpu.memory_space<vmem>>) semaphore(%arg21 : memref<!tpu.dma_semaphore, #tpu.memory_space<semaphore_mem>>)
      } else {
      }
      %dma_wait3A_959 = arith.constant 0 : i32
      %dma_wait3A_960 = tpu.memref_slice %arg5[%dma_wait3A_959] : memref<25600xi32, #tpu.memory_space<vmem>> -> memref<96xi32, #tpu.memory_space<vmem>>
      %dma_wait3A_961 = arith.constant 0 : i32
      %dma_wait3A_962 = arith.constant 0 : i32
      %dma_wait3A_963 = tpu.memref_slice %arg3[%dma_wait3A_961, %dma_wait3A_962] : memref<2000000x64xf32, #tpu.memory_space<hbm>> -> memref<2000000x64xf32, #tpu.memory_space<hbm>>
      tpu.wait_indirect_dma semaphore(%arg22 : memref<!tpu.dma_semaphore, #tpu.memory_space<semaphore_mem>>) src(%dma_wait3A_963 : memref<2000000x64xf32, #tpu.memory_space<hbm>>) dst(%arg13 : memref<96x64xf32, #tpu.memory_space<vmem>>)
      %scan3A_964 = arith.constant 0 : i32
      %scan3A_965 = arith.constant 96 : i32
      %scan3A_966 = arith.addi %scan3A_964, %scan3A_965 : i32
      %scan3A_967 = arith.constant 8 : i32
      %scan3A_968:4 = scf.for %scan3A_1006 = %scan3A_964 to %scan3A_966 step %scan3A_967 iter_args(%scan3A_1007 = %add3A_939, %scan3A_1008 = %add3A_944, %scan3A_1009 = %add3A_949, %scan3A_1010 = %add3A_954) -> (vector<16xf32>, vector<16xf32>, vector<16xf32>, vector<16xf32>)  : i32 {
        %get3A_1011 = arith.index_cast %scan3A_1006 : i32 to index
        %get3A_1012 = arith.constant 0 : index
        %get3A_1013 = tpu.vector_load %arg13[%get3A_1011, %get3A_1012] {strides = array<i32>} : memref<96x64xf32, #tpu.memory_space<vmem>>, vector<1x16xf32>,
        %get3A_1014 = vector.shape_cast %get3A_1013 : vector<1x16xf32> to vector<16xf32>
        %add3A_1015 = arith.addf %scan3A_1007, %get3A_1014 : vector<16xf32>
        %get3A_1016 = arith.index_cast %scan3A_1006 : i32 to index
        %get3A_1017 = arith.constant 16 : index
        %get3A_1018 = tpu.vector_load %arg13[%get3A_1016, %get3A_1017] {strides = array<i32>} : memref<96x64xf32, #tpu.memory_space<vmem>>, vector<1x16xf32>,
        %get3A_1019 = vector.shape_cast %get3A_1018 : vector<1x16xf32> to vector<16xf32>
        %add3A_1020 = arith.addf %scan3A_1008, %get3A_1019 : vector<16xf32>
        %get3A_1021 = arith.index_cast %scan3A_1006 : i32 to index
        %get3A_1022 = arith.constant 32 : index
        %get3A_1023 = tpu.vector_load %arg13[%get3A_1021, %get3A_1022] {strides = array<i32>} : memref<96x64xf32, #tpu.memory_space<vmem>>, vector<1x16xf32>,
        %get3A_1024 = vector.shape_cast %get3A_1023 : vector<1x16xf32> to vector<16xf32>
        %add3A_1025 = arith.addf %scan3A_1009, %get3A_1024 : vector<16xf32>
        %get3A_1026 = arith.index_cast %scan3A_1006 : i32 to index
        %get3A_1027 = arith.constant 48 : index
        %get3A_1028 = tpu.vector_load %arg13[%get3A_1026, %get3A_1027] {strides = array<i32>} : memref<96x64xf32, #tpu.memory_space<vmem>>, vector<1x16xf32>,
        %get3A_1029 = vector.shape_cast %get3A_1028 : vector<1x16xf32> to vector<16xf32>
        %add3A_1030 = arith.addf %scan3A_1010, %get3A_1029 : vector<16xf32>
        %scan3A_1031 = arith.constant 1 : i32
        %scan3A_1032 = arith.addi %scan3A_1006, %scan3A_1031 : i32
        %get3A_1033 = arith.index_cast %scan3A_1032 : i32 to index
        %get3A_1034 = arith.constant 0 : index
        %get3A_1035 = tpu.vector_load %arg13[%get3A_1033, %get3A_1034] {strides = array<i32>} : memref<96x64xf32, #tpu.memory_space<vmem>>, vector<1x16xf32>,
        %get3A_1036 = vector.shape_cast %get3A_1035 : vector<1x16xf32> to vector<16xf32>
        %add3A_1037 = arith.addf %add3A_1015, %get3A_1036 : vector<16xf32>
        %get3A_1038 = arith.index_cast %scan3A_1032 : i32 to index
        %get3A_1039 = arith.constant 16 : index
        %get3A_1040 = tpu.vector_load %arg13[%get3A_1038, %get3A_1039] {strides = array<i32>} : memref<96x64xf32, #tpu.memory_space<vmem>>, vector<1x16xf32>,
        %get3A_1041 = vector.shape_cast %get3A_1040 : vector<1x16xf32> to vector<16xf32>
        %add3A_1042 = arith.addf %add3A_1020, %get3A_1041 : vector<16xf32>
        %get3A_1043 = arith.index_cast %scan3A_1032 : i32 to index
        %get3A_1044 = arith.constant 32 : index
        %get3A_1045 = tpu.vector_load %arg13[%get3A_1043, %get3A_1044] {strides = array<i32>} : memref<96x64xf32, #tpu.memory_space<vmem>>, vector<1x16xf32>,
        %get3A_1046 = vector.shape_cast %get3A_1045 : vector<1x16xf32> to vector<16xf32>
        %add3A_1047 = arith.addf %add3A_1025, %get3A_1046 : vector<16xf32>
        %get3A_1048 = arith.index_cast %scan3A_1032 : i32 to index
        %get3A_1049 = arith.constant 48 : index
        %get3A_1050 = tpu.vector_load %arg13[%get3A_1048, %get3A_1049] {strides = array<i32>} : memref<96x64xf32, #tpu.memory_space<vmem>>, vector<1x16xf32>,
        %get3A_1051 = vector.shape_cast %get3A_1050 : vector<1x16xf32> to vector<16xf32>
        %add3A_1052 = arith.addf %add3A_1030, %get3A_1051 : vector<16xf32>
        %scan3A_1053 = arith.constant 2 : i32
        %scan3A_1054 = arith.addi %scan3A_1006, %scan3A_1053 : i32
        %get3A_1055 = arith.index_cast %scan3A_1054 : i32 to index
        %get3A_1056 = arith.constant 0 : index
        %get3A_1057 = tpu.vector_load %arg13[%get3A_1055, %get3A_1056] {strides = array<i32>} : memref<96x64xf32, #tpu.memory_space<vmem>>, vector<1x16xf32>,
        %get3A_1058 = vector.shape_cast %get3A_1057 : vector<1x16xf32> to vector<16xf32>
        %add3A_1059 = arith.addf %add3A_1037, %get3A_1058 : vector<16xf32>
        %get3A_1060 = arith.index_cast %scan3A_1054 : i32 to index
        %get3A_1061 = arith.constant 16 : index
        %get3A_1062 = tpu.vector_load %arg13[%get3A_1060, %get3A_1061] {strides = array<i32>} : memref<96x64xf32, #tpu.memory_space<vmem>>, vector<1x16xf32>,
        %get3A_1063 = vector.shape_cast %get3A_1062 : vector<1x16xf32> to vector<16xf32>
        %add3A_1064 = arith.addf %add3A_1042, %get3A_1063 : vector<16xf32>
        %get3A_1065 = arith.index_cast %scan3A_1054 : i32 to index
        %get3A_1066 = arith.constant 32 : index
        %get3A_1067 = tpu.vector_load %arg13[%get3A_1065, %get3A_1066] {strides = array<i32>} : memref<96x64xf32, #tpu.memory_space<vmem>>, vector<1x16xf32>,
        %get3A_1068 = vector.shape_cast %get3A_1067 : vector<1x16xf32> to vector<16xf32>
        %add3A_1069 = arith.addf %add3A_1047, %get3A_1068 : vector<16xf32>
        %get3A_1070 = arith.index_cast %scan3A_1054 : i32 to index
        %get3A_1071 = arith.constant 48 : index
        %get3A_1072 = tpu.vector_load %arg13[%get3A_1070, %get3A_1071] {strides = array<i32>} : memref<96x64xf32, #tpu.memory_space<vmem>>, vector<1x16xf32>,
        %get3A_1073 = vector.shape_cast %get3A_1072 : vector<1x16xf32> to vector<16xf32>
        %add3A_1074 = arith.addf %add3A_1052, %get3A_1073 : vector<16xf32>
        %scan3A_1075 = arith.constant 3 : i32
        %scan3A_1076 = arith.addi %scan3A_1006, %scan3A_1075 : i32
        %get3A_1077 = arith.index_cast %scan3A_1076 : i32 to index
        %get3A_1078 = arith.constant 0 : index
        %get3A_1079 = tpu.vector_load %arg13[%get3A_1077, %get3A_1078] {strides = array<i32>} : memref<96x64xf32, #tpu.memory_space<vmem>>, vector<1x16xf32>,
        %get3A_1080 = vector.shape_cast %get3A_1079 : vector<1x16xf32> to vector<16xf32>
        %add3A_1081 = arith.addf %add3A_1059, %get3A_1080 : vector<16xf32>
        %get3A_1082 = arith.index_cast %scan3A_1076 : i32 to index
        %get3A_1083 = arith.constant 16 : index
        %get3A_1084 = tpu.vector_load %arg13[%get3A_1082, %get3A_1083] {strides = array<i32>} : memref<96x64xf32, #tpu.memory_space<vmem>>, vector<1x16xf32>,
        %get3A_1085 = vector.shape_cast %get3A_1084 : vector<1x16xf32> to vector<16xf32>
        %add3A_1086 = arith.addf %add3A_1064, %get3A_1085 : vector<16xf32>
        %get3A_1087 = arith.index_cast %scan3A_1076 : i32 to index
        %get3A_1088 = arith.constant 32 : index
        %get3A_1089 = tpu.vector_load %arg13[%get3A_1087, %get3A_1088] {strides = array<i32>} : memref<96x64xf32, #tpu.memory_space<vmem>>, vector<1x16xf32>,
        %get3A_1090 = vector.shape_cast %get3A_1089 : vector<1x16xf32> to vector<16xf32>
        %add3A_1091 = arith.addf %add3A_1069, %get3A_1090 : vector<16xf32>
        %get3A_1092 = arith.index_cast %scan3A_1076 : i32 to index
        %get3A_1093 = arith.constant 48 : index
        %get3A_1094 = tpu.vector_load %arg13[%get3A_1092, %get3A_1093] {strides = array<i32>} : memref<96x64xf32, #tpu.memory_space<vmem>>, vector<1x16xf32>,
        %get3A_1095 = vector.shape_cast %get3A_1094 : vector<1x16xf32> to vector<16xf32>
        %add3A_1096 = arith.addf %add3A_1074, %get3A_1095 : vector<16xf32>
        %scan3A_1097 = arith.constant 4 : i32
        %scan3A_1098 = arith.addi %scan3A_1006, %scan3A_1097 : i32
        %get3A_1099 = arith.index_cast %scan3A_1098 : i32 to index
        %get3A_1100 = arith.constant 0 : index
        %get3A_1101 = tpu.vector_load %arg13[%get3A_1099, %get3A_1100] {strides = array<i32>} : memref<96x64xf32, #tpu.memory_space<vmem>>, vector<1x16xf32>,
        %get3A_1102 = vector.shape_cast %get3A_1101 : vector<1x16xf32> to vector<16xf32>
        %add3A_1103 = arith.addf %add3A_1081, %get3A_1102 : vector<16xf32>
        %get3A_1104 = arith.index_cast %scan3A_1098 : i32 to index
        %get3A_1105 = arith.constant 16 : index
        %get3A_1106 = tpu.vector_load %arg13[%get3A_1104, %get3A_1105] {strides = array<i32>} : memref<96x64xf32, #tpu.memory_space<vmem>>, vector<1x16xf32>,
        %get3A_1107 = vector.shape_cast %get3A_1106 : vector<1x16xf32> to vector<16xf32>
        %add3A_1108 = arith.addf %add3A_1086, %get3A_1107 : vector<16xf32>
        %get3A_1109 = arith.index_cast %scan3A_1098 : i32 to index
        %get3A_1110 = arith.constant 32 : index
        %get3A_1111 = tpu.vector_load %arg13[%get3A_1109, %get3A_1110] {strides = array<i32>} : memref<96x64xf32, #tpu.memory_space<vmem>>, vector<1x16xf32>,
        %get3A_1112 = vector.shape_cast %get3A_1111 : vector<1x16xf32> to vector<16xf32>
        %add3A_1113 = arith.addf %add3A_1091, %get3A_1112 : vector<16xf32>
        %get3A_1114 = arith.index_cast %scan3A_1098 : i32 to index
        %get3A_1115 = arith.constant 48 : index
        %get3A_1116 = tpu.vector_load %arg13[%get3A_1114, %get3A_1115] {strides = array<i32>} : memref<96x64xf32, #tpu.memory_space<vmem>>, vector<1x16xf32>,
        %get3A_1117 = vector.shape_cast %get3A_1116 : vector<1x16xf32> to vector<16xf32>
        %add3A_1118 = arith.addf %add3A_1096, %get3A_1117 : vector<16xf32>
        %scan3A_1119 = arith.constant 5 : i32
        %scan3A_1120 = arith.addi %scan3A_1006, %scan3A_1119 : i32
        %get3A_1121 = arith.index_cast %scan3A_1120 : i32 to index
        %get3A_1122 = arith.constant 0 : index
        %get3A_1123 = tpu.vector_load %arg13[%get3A_1121, %get3A_1122] {strides = array<i32>} : memref<96x64xf32, #tpu.memory_space<vmem>>, vector<1x16xf32>,
        %get3A_1124 = vector.shape_cast %get3A_1123 : vector<1x16xf32> to vector<16xf32>
        %add3A_1125 = arith.addf %add3A_1103, %get3A_1124 : vector<16xf32>
        %get3A_1126 = arith.index_cast %scan3A_1120 : i32 to index
        %get3A_1127 = arith.constant 16 : index
        %get3A_1128 = tpu.vector_load %arg13[%get3A_1126, %get3A_1127] {strides = array<i32>} : memref<96x64xf32, #tpu.memory_space<vmem>>, vector<1x16xf32>,
        %get3A_1129 = vector.shape_cast %get3A_1128 : vector<1x16xf32> to vector<16xf32>
        %add3A_1130 = arith.addf %add3A_1108, %get3A_1129 : vector<16xf32>
        %get3A_1131 = arith.index_cast %scan3A_1120 : i32 to index
        %get3A_1132 = arith.constant 32 : index
        %get3A_1133 = tpu.vector_load %arg13[%get3A_1131, %get3A_1132] {strides = array<i32>} : memref<96x64xf32, #tpu.memory_space<vmem>>, vector<1x16xf32>,
        %get3A_1134 = vector.shape_cast %get3A_1133 : vector<1x16xf32> to vector<16xf32>
        %add3A_1135 = arith.addf %add3A_1113, %get3A_1134 : vector<16xf32>
        %get3A_1136 = arith.index_cast %scan3A_1120 : i32 to index
        %get3A_1137 = arith.constant 48 : index
        %get3A_1138 = tpu.vector_load %arg13[%get3A_1136, %get3A_1137] {strides = array<i32>} : memref<96x64xf32, #tpu.memory_space<vmem>>, vector<1x16xf32>,
        %get3A_1139 = vector.shape_cast %get3A_1138 : vector<1x16xf32> to vector<16xf32>
        %add3A_1140 = arith.addf %add3A_1118, %get3A_1139 : vector<16xf32>
        %scan3A_1141 = arith.constant 6 : i32
        %scan3A_1142 = arith.addi %scan3A_1006, %scan3A_1141 : i32
        %get3A_1143 = arith.index_cast %scan3A_1142 : i32 to index
        %get3A_1144 = arith.constant 0 : index
        %get3A_1145 = tpu.vector_load %arg13[%get3A_1143, %get3A_1144] {strides = array<i32>} : memref<96x64xf32, #tpu.memory_space<vmem>>, vector<1x16xf32>,
        %get3A_1146 = vector.shape_cast %get3A_1145 : vector<1x16xf32> to vector<16xf32>
        %add3A_1147 = arith.addf %add3A_1125, %get3A_1146 : vector<16xf32>
        %get3A_1148 = arith.index_cast %scan3A_1142 : i32 to index
        %get3A_1149 = arith.constant 16 : index
        %get3A_1150 = tpu.vector_load %arg13[%get3A_1148, %get3A_1149] {strides = array<i32>} : memref<96x64xf32, #tpu.memory_space<vmem>>, vector<1x16xf32>,
        %get3A_1151 = vector.shape_cast %get3A_1150 : vector<1x16xf32> to vector<16xf32>
        %add3A_1152 = arith.addf %add3A_1130, %get3A_1151 : vector<16xf32>
        %get3A_1153 = arith.index_cast %scan3A_1142 : i32 to index
        %get3A_1154 = arith.constant 32 : index
        %get3A_1155 = tpu.vector_load %arg13[%get3A_1153, %get3A_1154] {strides = array<i32>} : memref<96x64xf32, #tpu.memory_space<vmem>>, vector<1x16xf32>,
        %get3A_1156 = vector.shape_cast %get3A_1155 : vector<1x16xf32> to vector<16xf32>
        %add3A_1157 = arith.addf %add3A_1135, %get3A_1156 : vector<16xf32>
        %get3A_1158 = arith.index_cast %scan3A_1142 : i32 to index
        %get3A_1159 = arith.constant 48 : index
        %get3A_1160 = tpu.vector_load %arg13[%get3A_1158, %get3A_1159] {strides = array<i32>} : memref<96x64xf32, #tpu.memory_space<vmem>>, vector<1x16xf32>,
        %get3A_1161 = vector.shape_cast %get3A_1160 : vector<1x16xf32> to vector<16xf32>
        %add3A_1162 = arith.addf %add3A_1140, %get3A_1161 : vector<16xf32>
        %scan3A_1163 = arith.constant 7 : i32
        %scan3A_1164 = arith.addi %scan3A_1006, %scan3A_1163 : i32
        %get3A_1165 = arith.index_cast %scan3A_1164 : i32 to index
        %get3A_1166 = arith.constant 0 : index
        %get3A_1167 = tpu.vector_load %arg13[%get3A_1165, %get3A_1166] {strides = array<i32>} : memref<96x64xf32, #tpu.memory_space<vmem>>, vector<1x16xf32>,
        %get3A_1168 = vector.shape_cast %get3A_1167 : vector<1x16xf32> to vector<16xf32>
        %add3A_1169 = arith.addf %add3A_1147, %get3A_1168 : vector<16xf32>
        %get3A_1170 = arith.index_cast %scan3A_1164 : i32 to index
        %get3A_1171 = arith.constant 16 : index
        %get3A_1172 = tpu.vector_load %arg13[%get3A_1170, %get3A_1171] {strides = array<i32>} : memref<96x64xf32, #tpu.memory_space<vmem>>, vector<1x16xf32>,
        %get3A_1173 = vector.shape_cast %get3A_1172 : vector<1x16xf32> to vector<16xf32>
        %add3A_1174 = arith.addf %add3A_1152, %get3A_1173 : vector<16xf32>
        %get3A_1175 = arith.index_cast %scan3A_1164 : i32 to index
        %get3A_1176 = arith.constant 32 : index
        %get3A_1177 = tpu.vector_load %arg13[%get3A_1175, %get3A_1176] {strides = array<i32>} : memref<96x64xf32, #tpu.memory_space<vmem>>, vector<1x16xf32>,
        %get3A_1178 = vector.shape_cast %get3A_1177 : vector<1x16xf32> to vector<16xf32>
        %add3A_1179 = arith.addf %add3A_1157, %get3A_1178 : vector<16xf32>
        %get3A_1180 = arith.index_cast %scan3A_1164 : i32 to index
        %get3A_1181 = arith.constant 48 : index
        %get3A_1182 = tpu.vector_load %arg13[%get3A_1180, %get3A_1181] {strides = array<i32>} : memref<96x64xf32, #tpu.memory_space<vmem>>, vector<1x16xf32>,
        %get3A_1183 = vector.shape_cast %get3A_1182 : vector<1x16xf32> to vector<16xf32>
        %add3A_1184 = arith.addf %add3A_1162, %get3A_1183 : vector<16xf32>
        scf.yield %add3A_1169, %add3A_1174, %add3A_1179, %add3A_1184 : vector<16xf32>, vector<16xf32>, vector<16xf32>, vector<16xf32>
      }
      %scan3A_969 = arith.constant 96 : i32
      %convert_element_type3A_970 = arith.extui %lt3A_59 : i1 to i32
      %cond3A_971 = arith.constant 0 : i32
      %cond3A_972 = arith.cmpi ne, %convert_element_type3A_970, %cond3A_971 : i32
      scf.if %cond3A_972 {
        %add3A_1006 = arith.constant 4 : i32
        %add3A_1007 = arith.addi %add3A_770, %add3A_1006 : i32
        %mul3A_1008 = arith.constant 200 : i32
        %mul3A_1009 = arith.muli %add3A_1007, %mul3A_1008 : i32
        %add3A_1010 = arith.constant 104 : i32
        %add3A_1011 = arith.addi %mul3A_1009, %add3A_1010 : i32
        %dma_start3A_1012 = tpu.memref_slice %arg5[%add3A_1011] : memref<25600xi32, #tpu.memory_space<vmem>> -> memref<96xi32, #tpu.memory_space<vmem>>
        %dma_start3A_1013 = arith.constant 0 : i32
        %dma_start3A_1014 = arith.constant 0 : i32
        %dma_start3A_1015 = tpu.memref_slice %arg3[%dma_start3A_1013, %dma_start3A_1014] : memref<2000000x64xf32, #tpu.memory_space<hbm>> -> memref<2000000x64xf32, #tpu.memory_space<hbm>>
        tpu.enqueue_indirect_dma source(%dma_start3A_1015 : memref<2000000x64xf32, #tpu.memory_space<hbm>>) target(%arg13 : memref<96x64xf32, #tpu.memory_space<vmem>>) offsets(%dma_start3A_1012 : memref<96xi32, #tpu.memory_space<vmem>>) semaphore(%arg22 : memref<!tpu.dma_semaphore, #tpu.memory_space<semaphore_mem>>)
      } else {
      }
      %mul3A_973 = arith.constant 5.000000e-03 : f32
      %mul3A_974 = vector.broadcast %mul3A_973 : f32 to vector<16xf32>
      %mul3A_975 = arith.mulf %scan3A_968#0, %mul3A_974 : vector<16xf32>
      %swap3A_976 = arith.index_cast %add3A_770 : i32 to index
      %swap3A_977 = arith.constant 0 : index
      %swap3A_978 = tpu.vector_load %arg14[%swap3A_976, %swap3A_977] {strides = array<i32>} : memref<128x64xf32, #tpu.memory_space<vmem>>, vector<1x16xf32>,
      %swap3A_979 = vector.shape_cast %swap3A_978 : vector<1x16xf32> to vector<16xf32>
      %swap3A_980 = vector.shape_cast %mul3A_975 : vector<16xf32> to vector<1x16xf32>
      tpu.vector_store %arg14[%swap3A_976, %swap3A_977], %swap3A_980 {strides = array<i32>} : memref<128x64xf32, #tpu.memory_space<vmem>>, vector<1x16xf32>,
      %mul3A_981 = arith.constant 5.000000e-03 : f32
      %mul3A_982 = vector.broadcast %mul3A_981 : f32 to vector<16xf32>
      %mul3A_983 = arith.mulf %scan3A_968#1, %mul3A_982 : vector<16xf32>
      %swap3A_984 = arith.index_cast %add3A_770 : i32 to index
      %swap3A_985 = arith.constant 16 : index
      %swap3A_986 = tpu.vector_load %arg14[%swap3A_984, %swap3A_985] {strides = array<i32>} : memref<128x64xf32, #tpu.memory_space<vmem>>, vector<1x16xf32>,
      %swap3A_987 = vector.shape_cast %swap3A_986 : vector<1x16xf32> to vector<16xf32>
      %swap3A_988 = vector.shape_cast %mul3A_983 : vector<16xf32> to vector<1x16xf32>
      tpu.vector_store %arg14[%swap3A_984, %swap3A_985], %swap3A_988 {strides = array<i32>} : memref<128x64xf32, #tpu.memory_space<vmem>>, vector<1x16xf32>,
      %mul3A_989 = arith.constant 5.000000e-03 : f32
      %mul3A_990 = vector.broadcast %mul3A_989 : f32 to vector<16xf32>
      %mul3A_991 = arith.mulf %scan3A_968#2, %mul3A_990 : vector<16xf32>
      %swap3A_992 = arith.index_cast %add3A_770 : i32 to index
      %swap3A_993 = arith.constant 32 : index
      %swap3A_994 = tpu.vector_load %arg14[%swap3A_992, %swap3A_993] {strides = array<i32>} : memref<128x64xf32, #tpu.memory_space<vmem>>, vector<1x16xf32>,
      %swap3A_995 = vector.shape_cast %swap3A_994 : vector<1x16xf32> to vector<16xf32>
      %swap3A_996 = vector.shape_cast %mul3A_991 : vector<16xf32> to vector<1x16xf32>
      tpu.vector_store %arg14[%swap3A_992, %swap3A_993], %swap3A_996 {strides = array<i32>} : memref<128x64xf32, #tpu.memory_space<vmem>>, vector<1x16xf32>,
      %mul3A_997 = arith.constant 5.000000e-03 : f32
      %mul3A_998 = vector.broadcast %mul3A_997 : f32 to vector<16xf32>
      %mul3A_999 = arith.mulf %scan3A_968#3, %mul3A_998 : vector<16xf32>
      %swap3A_1000 = arith.index_cast %add3A_770 : i32 to index
      %swap3A_1001 = arith.constant 48 : index
      %swap3A_1002 = tpu.vector_load %arg14[%swap3A_1000, %swap3A_1001] {strides = array<i32>} : memref<128x64xf32, #tpu.memory_space<vmem>>, vector<1x16xf32>,
      %swap3A_1003 = vector.shape_cast %swap3A_1002 : vector<1x16xf32> to vector<16xf32>
      %swap3A_1004 = vector.shape_cast %mul3A_999 : vector<16xf32> to vector<1x16xf32>
      tpu.vector_store %arg14[%swap3A_1000, %swap3A_1001], %swap3A_1004 {strides = array<i32>} : memref<128x64xf32, #tpu.memory_space<vmem>>, vector<1x16xf32>,
      %scan3A_1005 = arith.constant 0 : i32
      scf.yield %scan3A_1005 : i32
    }
    %scan3A_56 = arith.constant 32 : i32
    "tpu.region"() ({
      %run_scoped3A = tpu.sem_alloc : memref<!tpu.dma_semaphore, #tpu.memory_space<semaphore_mem>>
      %dma_start3A_57 = arith.constant 0 : i32
      %dma_start3A_58 = tpu.memref_slice %arg4[%mul3A_2, %dma_start3A_57] : memref<4096x64xf32, #tpu.memory_space<hbm>> -> memref<128x64xf32, #tpu.memory_space<hbm>>
      %dma_start3A_59 = arith.constant 0 : i32
      %dma_start3A_60 = tpu.memref_slice %arg4[%mul3A_2, %dma_start3A_59] : memref<4096x64xf32, #tpu.memory_space<hbm>> -> memref<128x64xf32, #tpu.memory_space<hbm>>
      tpu.enqueue_dma source(%arg14 : memref<128x64xf32, #tpu.memory_space<vmem>>) target(%dma_start3A_60 : memref<128x64xf32, #tpu.memory_space<hbm>>) target_semaphore(%run_scoped3A : memref<!tpu.dma_semaphore, #tpu.memory_space<semaphore_mem>>)
      %dma_wait3A = arith.constant 0 : i32
      %dma_wait3A_61 = tpu.memref_slice %arg4[%mul3A_2, %dma_wait3A] : memref<4096x64xf32, #tpu.memory_space<hbm>> -> memref<128x64xf32, #tpu.memory_space<hbm>>
      %dma_wait3A_62 = arith.constant 0 : i32
      %dma_wait3A_63 = tpu.memref_slice %arg4[%mul3A_2, %dma_wait3A_62] : memref<4096x64xf32, #tpu.memory_space<hbm>> -> memref<128x64xf32, #tpu.memory_space<hbm>>
      tpu.wait_dma2 semaphore(%run_scoped3A : memref<!tpu.dma_semaphore, #tpu.memory_space<semaphore_mem>>) src(%arg14 : memref<128x64xf32, #tpu.memory_space<vmem>>) dst(%dma_wait3A_63 : memref<128x64xf32, #tpu.memory_space<hbm>>)
      tpu.yield
    }) : () -> ()
    return
  }
}

module attributes {stable_mosaic.version = 14 : i64} {
  func.func @_mlp_body(%arg0: memref<4096x64xf32, #tpu.memory_space<vmem>>, %arg1: memref<64x256xf32, #tpu.memory_space<vmem>>, %arg2: memref<1x256xf32, #tpu.memory_space<vmem>>, %arg3: memref<256x128xf32, #tpu.memory_space<vmem>>, %arg4: memref<1x128xf32, #tpu.memory_space<vmem>>, %arg5: memref<4096x128xf32, #tpu.memory_space<vmem>>) attributes {dimension_semantics = [], scalar_prefetch = 0 : i64, scratch_operands = 0 : i64, tpu.core_type = #tpu.core_type<tc>} {
    %get3A = arith.constant 0 : index
    %get3A_0 = arith.constant 0 : index
    %get3A_1 = vector.load %arg0[%get3A, %get3A_0] : memref<4096x64xf32, #tpu.memory_space<vmem>>, vector<4096x64xf32>
    %get3A_2 = arith.constant 0 : index
    %get3A_3 = arith.constant 0 : index
    %get3A_4 = vector.load %arg1[%get3A_2, %get3A_3] : memref<64x256xf32, #tpu.memory_space<vmem>>, vector<64x256xf32>
    %dot_general3A = arith.constant dense<0.000000e+00> : vector<4096x256xf32>
    %dot_general3A_5 = tpu.matmul %get3A_1, %get3A_4, %dot_general3A {dimension_numbers = #tpu.dot_dimension_numbers<[1], [0], [0], [1], [0, 0, 1, 1], [], []>, transpose_lhs_hint = false} : vector<4096x64xf32>, vector<64x256xf32>, vector<4096x256xf32> -> vector<4096x256xf32>
    %get3A_6 = arith.constant 0 : index
    %get3A_7 = arith.constant 0 : index
    %get3A_8 = vector.load %arg2[%get3A_6, %get3A_7] : memref<1x256xf32, #tpu.memory_space<vmem>>, vector<1x256xf32>
    %add3A = vector.broadcast %get3A_8 : vector<1x256xf32> to vector<4096x256xf32>
    %add3A_9 = arith.addf %dot_general3A_5, %add3A : vector<4096x256xf32>
    %max3A = arith.constant 0.000000e+00 : f32
    %max3A_10 = vector.broadcast %max3A : f32 to vector<4096x256xf32>
    %max3A_11 = arith.maximumf %add3A_9, %max3A_10 : vector<4096x256xf32>
    %get3A_12 = arith.constant 0 : index
    %get3A_13 = arith.constant 0 : index
    %get3A_14 = vector.load %arg3[%get3A_12, %get3A_13] : memref<256x128xf32, #tpu.memory_space<vmem>>, vector<256x128xf32>
    %dot_general3A_15 = arith.constant dense<0.000000e+00> : vector<4096x128xf32>
    %dot_general3A_16 = tpu.matmul %max3A_11, %get3A_14, %dot_general3A_15 {dimension_numbers = #tpu.dot_dimension_numbers<[1], [0], [0], [1], [0, 0, 1, 1], [], []>, transpose_lhs_hint = false} : vector<4096x256xf32>, vector<256x128xf32>, vector<4096x128xf32> -> vector<4096x128xf32>
    %get3A_17 = arith.constant 0 : index
    %get3A_18 = arith.constant 0 : index
    %get3A_19 = vector.load %arg4[%get3A_17, %get3A_18] : memref<1x128xf32, #tpu.memory_space<vmem>>, vector<1x128xf32>
    %add3A_20 = vector.broadcast %get3A_19 : vector<1x128xf32> to vector<4096x128xf32>
    %add3A_21 = arith.addf %dot_general3A_16, %add3A_20 : vector<4096x128xf32>
    %swap3A = arith.constant 0 : index
    %swap3A_22 = arith.constant 0 : index
    %swap3A_23 = vector.load %arg5[%swap3A, %swap3A_22] : memref<4096x128xf32, #tpu.memory_space<vmem>>, vector<4096x128xf32>
    tpu.vector_store %arg5[%swap3A, %swap3A_22], %add3A_21 {strides = array<i32>} : memref<4096x128xf32, #tpu.memory_space<vmem>>, vector<4096x128xf32>,
    return
  }
}

</mosaic_0001>

<sc_bundles>
// kernel: kernel.4.cloned.1.call-start
scs
__scs_entry_jumppad:
0x0: {  	(pc) =	sbr.rel $0x88, $3  }
0x1: {  	(tag) =	ssettag $0x0;
	lr =	simm.s32 $0x1  }
0x2: {  	[smem:$0x3F9B] =	sst lr;
	_ =	strace $0xD0000000  }
0x3: {  	_ = 	snop  }
0x4: {  	_ = 	snop  }
0x5: {  	_ = 	snop  }
0x6: {  	_ = 	snop  }
0x7: {  	_ = 	snop  }
__scs_overlays_trampoline_lowered:
0x8: {  	[smem:$0x3FAA] =	sst s0  }
0x9: {  	[smem:$0x3FAB] =	sst s1  }
0xa: {  	[smem:$0x3FAC] =	sst s2  }
0xb: {  	[smem:$0x3FAD] =	sst s3  }
0xc: {  	[smem:$0x3FAE] =	sst s4  }
0xd: {  	[smem:$0x3FAF] =	sst s5  }
0xe: {  	[smem:$0x3FB0] =	sst s6  }
0xf: {  	[smem:$0x3FB1] =	sst s7  }
0x10: {  	[smem:$0x3FB2] =	sst s8  }
0x11: {  	[smem:$0x3FB3] =	sst s9;
	s0 =	simm.s32 @!p0 $0x0  }
0x12: {  	s1 =	sld [smem:$0x3F99];
	s0 =	simm.s32 @p0 $0x1  }
0x13: {  	[smem:$0x3FB4] =	sst s0;
	s0 =	simm.s32 @!p1 $0x0  }
0x14: {  	s2 =	sld [smem:$0x3F98];
	s0 =	simm.s32 @p1 $0x1  }
0x15: {  	[smem:$0x3FB5] =	sst s0;
	s0 =	simm.s32 @!p2 $0x0  }
0x16: {  	s3 =	sld [smem:$0x3FDB];
	s0 =	simm.s32 @p2 $0x1  }
0x17: {  	s4 =	simm.s32 $0x1BF5;
	[smem:$0x3FB7] =	sst s0  }
0x18: {  	s0 =	sld [smem:$0x3F9A];
	_ =	swait.ge [sflag:s4], $0x0  }
0x19: {  	s7 =	sld [smem:$0x3F9B]  }
0x1a: {  	s8 =	sadd.s32 $0xFFFFE003, lr  }
0x1b: {  	s9 =	sadd.s32 $0xFFFFFEF7, lr;
	s5 =	simm.s32 $0xFFFFFFFF;
	p2 =	slt.u32 s8, $0xFFFFF086  }
0x1c: {  	p1 =	slt.u32 s9, $0xF7A;
	s5 =	simm.s32 @!p2 $0x0  }
0x1d: {  	s5 =	simm.s32 @p1 $0x1;
	p0 =	seq.s32 s7, s2  }
0x1e: {  	s7 =	smul.u32 @!p0 $0xF7A, s2;
	p2 =	seq.s32 @!p0 s5, $0x0  }
0x1f: {  	s9 =	smul.u32 $0xF7A, s1;
	s8 =	simm.s32 @!p0 $0x1BF5;
	p2 =	por !p2, p0  }
0x20: {  	[sflag:s8] =	ssyncset.s32 @!p0 $0xFFFFF086;
	s6 =	sadd.s32 @!p0 s3, s7;
	s7 =	simm.s32 @!p0 $0x108  }
0x21: {  	s3 =	sadd.s32 s3, s9;
	s6 =	sadd.s32 @!p0 $0x88, s6;
	s7 =	simm.s32 @p2 $0x1082  }
0x22: {  	[simem:s7], [sflag:s8] =	dma.local @!p0 [hbm:s6], $0xF7A  }
0x23: {  	s9 =	sor.u32 $0xD0000000, s2;
	s6 =	simm.s32 $0x108;
	_ =	swait.ge @!p0 [sflag:s8], $0x0  }
0x24: {  	s3 =	sadd.s32 $0x88, s3;
	s6 =	simm.s32 @!p1 $0x1082;
	[sflag:s4] =	ssyncset.s32 $0xFFFFF086  }
0x25: {  	[simem:s6], [sflag:s4] =	dma.local [hbm:s3], $0xF7A  }
0x26: {  	[smem:$0x3F9B] =	sst s1;
	(tag) =	ssettag s2;
	_ =	strace s9  }
0x27: {  	s1 =	sld [smem:$0x3FAB]  }
0x28: {  	s2 =	sld [smem:$0x3FAC]  }
0x29: {  	s4 =	sld [smem:$0x3FAE]  }
0x2a: {  	p0 =	seq.s32 s5, $0x0;
	s5 =	sld [smem:$0x3FAF]  }
0x2b: {  	s6 =	sld [smem:$0x3FB0]  }
0x2c: {  	s7 =	sld [smem:$0x3FB1]  }
0x2d: {  	s3 =	simm.s32 $0x108;
	s8 =	sld [smem:$0x3FB2]  }
0x2e: {  	s3 =	simm.s32 @!p0 $0x1082;
	s9 =	sld [smem:$0x3FB3]  }
0x2f: {  	lr =	sadd.s32 s0, s3;
	s0 =	sld [smem:$0x3FAA]  }
0x30: {  	s3 =	sld [smem:$0x3FAD]  }
0x31: {  	[smem:$0x3FB6] =	sst s10  }
0x32: {  	s10 =	sld [smem:$0x3FB4];
	_ =	sdelay $0x3  }
0x33: {  	p0 =	seq.s32 s10, $0x1;
	s10 =	sld [smem:$0x3FB6];
	_ =	sdelay $0x3  }
0x34: {  	[smem:$0x3FB6] =	sst s10  }
0x35: {  	s10 =	sld [smem:$0x3FB5];
	_ =	sdelay $0x3  }
0x36: {  	p1 =	seq.s32 s10, $0x1;
	s10 =	sld [smem:$0x3FB6];
	_ =	sdelay $0x3  }
0x37: {  	[smem:$0x3FB6] =	sst s10  }
0x38: {  	s10 =	sld [smem:$0x3FB7]  }
0x39: {  	_ = 	snop;
	(pc) =	sbr.ind lr, $3  }
0x3a: {  	_ = 	snop  }
0x3b: {  	_ = 	snop  }
0x3c: {  	p2 =	seq.s32 s10, $0x1;
	s10 =	sld [smem:$0x3FB6]  }
0x3d: {  	_ =	shalt  }
0x3e: {  	_ =	shalt  }
0x3f: {  	_ =	shalt  }
0x40: {  	_ =	shalt  }
0x41: {  	_ =	shalt  }
0x42: {  	_ =	shalt  }
0x43: {  	_ =	shalt  }
0x44: {  	_ =	shalt  }
0x45: {  	_ =	shalt  }
0x46: {  	_ =	shalt  }
0x47: {  	_ =	shalt  }
0x48: {  	_ =	shalt  }
0x49: {  	_ =	shalt  }
0x4a: {  	_ =	shalt  }
0x4b: {  	_ =	shalt  }
0x4c: {  	_ =	shalt  }
0x4d: {  	_ =	shalt  }
0x4e: {  	_ =	shalt  }
0x4f: {  	_ =	shalt  }
0x50: {  	_ =	shalt  }
0x51: {  	_ =	shalt  }
0x52: {  	_ =	shalt  }
0x53: {  	_ =	shalt  }
0x54: {  	_ =	shalt  }
0x55: {  	_ =	shalt  }
0x56: {  	_ =	shalt  }
0x57: {  	_ =	shalt  }
0x58: {  	_ =	shalt  }
0x59: {  	_ =	shalt  }
0x5a: {  	_ =	shalt  }
0x5b: {  	_ =	shalt  }
0x5c: {  	_ =	shalt  }
0x5d: {  	_ =	shalt  }
0x5e: {  	_ =	shalt  }
0x5f: {  	_ =	shalt  }
0x60: {  	_ =	shalt  }
0x61: {  	_ =	shalt  }
0x62: {  	_ =	shalt  }
0x63: {  	_ =	shalt  }
0x64: {  	_ =	shalt  }
0x65: {  	_ =	shalt  }
0x66: {  	_ =	shalt  }
0x67: {  	_ =	shalt  }
0x68: {  	_ =	shalt  }
0x69: {  	_ =	shalt  }
0x6a: {  	_ =	shalt  }
0x6b: {  	_ =	shalt  }
0x6c: {  	_ =	shalt  }
0x6d: {  	_ =	shalt  }
0x6e: {  	_ =	shalt  }
0x6f: {  	_ =	shalt  }
0x70: {  	_ =	shalt  }
0x71: {  	_ =	shalt  }
0x72: {  	_ =	shalt  }
0x73: {  	_ =	shalt  }
0x74: {  	_ =	shalt  }
0x75: {  	_ =	shalt  }
0x76: {  	_ =	shalt  }
0x77: {  	_ =	shalt  }
0x78: {  	_ =	shalt  }
0x79: {  	_ =	shalt  }
0x7a: {  	_ =	shalt  }
0x7b: {  	_ =	shalt  }
0x7c: {  	_ =	shalt  }
0x7d: {  	_ =	shalt  }
0x7e: {  	_ =	shalt  }
0x7f: {  	_ =	shalt  }
0x80: {  	_ =	shalt  }
0x81: {  	_ =	shalt  }
0x82: {  	_ =	shalt  }
0x83: {  	_ =	shalt  }
0x84: {  	_ =	shalt  }
0x85: {  	_ =	shalt  }
0x86: {  	_ =	shalt  }
0x87: {  	_ =	shalt  }
.Lfunc_end0:
.L_simem_size_0:
called_computation.1_lowered:
.L_overlay_start_0:
0x88: {  	s2 =	sld [smem:$0x3FD9]  }
0x89: {  	s3 =	sld [smem:$0x3FFE];
	_ =	sdelay $0x1  }
0x8a: {  	s1 =	srdreg.scid  }
0x8b: {  	s0 =	sand.u32 $0x1, s1  }
0x8c: {  	s16 =	sshll.u32 s0, $0xA;
	s2 =	sadd.s32 s3, s2  }
0x8d: {  	s2 =	sadd.s32 s2, s16  }
0x8e: {  	[smem:$0x3FC2] =	sst s2  }
0x8f: {  	_ = 	snop  }
0x90: {  	(tm) =	ssettm $0x1  }
0x91: {  	s17 =	sld [smem:$0x3FFB];
	_ =	sdelay $0x3  }
0x92: {  	_ =	strace s17  }
0x93: {  	s2 =	sld [smem:$0x3FFC];
	_ =	sdelay $0x3  }
0x94: {  	_ =	strace s2  }
0x95: {  	s2 =	sld [smem:$0x3FFD];
	_ =	sdelay $0x3  }
0x96: {  	_ =	strace s2  }
0x97: {  	_ =	strace $0x8FFFFFFF  }
0x98: {  	s18 =	sld [smem:$0x3FDB];
	_ =	sdelay $0x1  }
0x99: {  	s19 =	simm.s32 $_scs_section_size  }
0x9a: {  	s4 =	simm.s32 $_size__tile_overlayer_lowered;
	s5 =	simm.s32 $_tile_overlayer_lowered  }
0x9b: {  	s22 =	simm.s32 $0x1BFF;
	s21 =	sshll.u32 s5, $0x1;
	s2 =	sadd.s32 s19, s18  }
0x9c: {  	s6 =	simm.s32 $0x0;
	s20 =	sshll.u32 s4, $0x1;
	s4 =	sadd.s32 s21, s2  }
0x9d: {  	[timem:s6], [sflag:s22] =	dma.local [hbm:s4], s20  }
0x9e: {  	_ =	swait.ge [sflag:s22], s20  }
0x9f: {  	s3 =	ssub.s32 $0x0, s20;
	[sflag:s22] =	ssyncset.done $0x0  }
0xa0: {  	[sflag:s22] =	ssyncadd.s32 s3;
	_ =	sdelay $0x1  }
0xa1: {  	s23 =	simm.s32 $0x1B8B  }
0xa2: {  	_ =	swait.ge [sflag:s23], $0x1  }
0xa3: {  	[sflag:s23] =	ssyncset.done $0x0  }
0xa4: {  	s25 =	simm.s32 $0x1B8E;
	s24 =	sld [smem:$0x3FFE];
	[sflag:s23] =	ssyncadd.s32 $0xFFFFFFFF  }
0xa5: {  	s26 =	simm.s32 $execute0_lowered;
	[smem:$0x3FD2] =	sst s25  }
0xa6: {  	s4 =	sshll.u32 s26, $0x1;
	_ =	strace $0x80000049;
	[dreg:$0x1] =	wrdreg $0xFFFFFFFF  }
0xa7: {  	s28 =	simm.s32 $_size_execute0_lowered;
	s2 =	sadd.s32 s2, s4;
	[dreg:$0x0] =	wrdreg $0x0  }
0xa8: {  	s4 =	sshll.u32 s28, $0x1;
	[dreg:$0x2] =	wrdreg s2  }
0xa9: {  	[dreg:$0x3] =	wrdreg s4  }
0xaa: {  	[dreg:$0x4] =	wrdreg $0xC0  }
0xab: {  	_ =	task [dreg:s6], $0x5FFFF  }
0xac: {  	[dreg:$0x1] =	wrdreg $0xFFFFFFFF  }
0xad: {  	[dreg:$0x0] =	wrdreg $0x60  }
0xae: {  	[dreg:$0x2] =	wrdreg s24  }
0xaf: {  	[dreg:$0x3] =	wrdreg $0x9  }
0xb0: {  	_ =	task.clear_ibuf [dreg:s6], $0x4FFFF;
	_ =	strace $0x90000049  }
0xb1: {  	s29 =	simm.s32 $0x9;
	_ =	strace $0x8000004B  }
0xb2: {  	_ =	swait.ge [sflag:s29], $0x1  }
0xb3: {  	[sflag:s29] =	ssyncadd.s32 $0xFFFFFFFF  }
0xb4: {  	_ =	strace $0x9000004B  }
0xb5: {  	_ =	sfence  }
0xb6: {  	s30 =	sld [smem:$0x0];
	_ =	sdelay $0x2  }
0xb7: {  	s31 =	sshll.u32 s1, $0xD;
	s1 =	sshrl.u32 s1, $0x2  }
0xb8: {  	s3 =	sand.u32 $0x4000, s31;
	s1 =	sadd.s32 s1, s30  }
0xb9: {  	s0 =	sor.u32 s3, s0;
	s1 =	sshll.u32 s1, $0x11  }
0xba: {  	s0 =	sor.u32 s1, s0  }
0xbb: {  	s0 =	sadd.s32 $0x8F2B, s0  }
0xbc: {  	[sflag:s0] =	ssyncadd.remote.s32 $0x1  }
0xbd: {  	_ =	sfence.sel $0xFFFF  }
0xbe: {  	[dreg:$0x0] =	wrdreg $0xFFFFFFFF;
	(pc) =	sbr.abs _section_cstart, $3  }
0xbf: {  	[dreg:$0x1] =	wrdreg $0xFFFFFFFF  }
0xc0: {  	_ =	task.clear_ibuf [dreg:s6], $0x2FFFF;
	_ =	strace $0x9FFFFFFF  }
0xc1: {  	(tm) =	ssettm $0x7FFFFFFF  }
tec
execute0_lowered:
.L_overlay_start_1:
0x0: {  	(tag) =	ssettag $0x1  }
0x1: {  	s0 =	srdreg.scid  }
0x2: {  	s2 =	stileid.u32;
	s1 =	rddreg [dreg:$0x0];
	s7 =	simm.s32 $0x9  }
0x3: {  	s8 =	simm.s32 $0x68;
	s10 =	simm.s32 $0x60;
	s17 =	simm.s32 $0xC800  }
0x4: {  	s18 =	simm.s32 $0x1F8;
	s19 =	simm.s32 $0xE200;
	s20 =	simm.s32 $0x258  }
0x5: {  	s21 =	simm.s32 $0xFA00;
	s22 =	simm.s32 $0x2C0;
	s23 =	simm.s32 $0x11400  }
0x6: {  	s24 =	simm.s32 $0x1;
	s25 =	simm.s32 $0x2;
	s26 =	simm.s32 $0x3  }
0x7: {  	s28 =	simm.s32 $0x4;
	s29 =	simm.s32 $0x5;
	s30 =	simm.s32 $0x6  }
0x8: {  	s31 =	simm.s32 $0x7;
	s0 =	sand.u32 $0x1, s0;
	s3 =	sshll.u32 s2, $0x1  }
0x9: {  	s9 =	simm.s32 $0x0;
	s2 =	simm.s32 $0x0;
	s3 =	sor.u32 s0, s3  }
0xa: {  	[smem:$0x7FF] =	sst s2;
	s0 =	ssub.s32 $0x2, s0;
	s4 =	smul.u32 $0xC80, s3  }
0xb: {  	_ =	strace $0x8000004A;
	s5 =	sshll.u32 s3, $0xA;
	s6 =	sshrl.u32 s0, $0x1  }
0xc: {  	s3 =	sadd.s32 $0xF5C600, s1;
	s0 =	ssub.s32 s0, s6;
	s4 =	sadd.s32 s4, s1  }
0xd: {  	s1 =	sadd.s32 s5, s1;
	s6 =	smax.u32 s0, $0x1;
	s0 =	simm.s32 $0x12C00  }
0xe: {  	s4 =	sadd.s32 $0xF43600, s4;
	s5 =	sadd.s32 $0x1200, s1;
	s1 =	simm.s32 $0x8  }
.LBB2_1:
0xf: {  	[tilespmem:s2], [sflag:$0x9] =	stream.linear.gather [hbm4b:s4+s2], $0x6400, $0x38;
	[tilespmem:$0x14C00] =	vst v63  }
0x10: {  	_ =	swait.ge [sflag:s7], $0x6400  }
0x11: {  	[sflag:s7] =	ssyncset.done $0x0  }
0x12: {  	s11 =	simm.s32 $0x0;
	s12 =	simm.s32 $0x40;
	[sflag:s7] =	ssyncadd.s32 $0xFFFF9C00  }
.LBB2_2:
0x13: {  	p0 =	sne.s32 s12, $0x18FC0;
	v0 =	vld [tilespmem:s11+$0x0];
	_ =	sdelay $0x1  }
.Ltmp0:
0x14: {  	(pc) =	sbr.rel @p0 .LBB2_2-.Ltmp0, $3  }
0x15: {  	_ =	sdelay $0x1  }
0x16: {  	v0 =	vshll.u32 v0, $0x1  }
0x17: {  	[tilespmem:s11+$0x0] =	vst v0;
	s11 =	sshra.s32 s12, $0x2;
	s12 =	sadd.s32 $0x40, s12  }
0x18: {  	v0 =	vld [tilespmem:s11+$0x0];
	_ =	sdelay $0x4  }
0x19: {  	v0 =	vshll.u32 v0, $0x1  }
0x1a: {  	s12 =	simm.s32 $0x6400;
	[tilespmem:s11+$0x0] =	vst v0;
	s11 =	simm.s32 $0x0  }
0x1b: {  	[tilespmem:s12], [sflag:$0x1] =	stream.indirect.gather [hbm4b:s3+s8], $0x40, s11, s8, $0xb8;
	[tilespmem:$0x14C00] =	vst v63  }
0x1c: {  	s15 =	simm.s32 $0x7E00  }
0x1d: {  	[tilespmem:s15], [sflag:$0x2] =	stream.indirect.gather [hbm4b:s3+s10], $0x40, s8, s10, $0xb8;
	[tilespmem:$0x14C00] =	vst v63  }
0x1e: {  	s16 =	simm.s32 $0xC8;
	s13 =	simm.s32 $0x9600  }
0x1f: {  	[tilespmem:s13], [sflag:$0x3] =	stream.indirect.gather [hbm4b:s3+s8], $0x40, s16, s8, $0xb8;
	[tilespmem:$0x14C00] =	vst v63  }
0x20: {  	s14 =	simm.s32 $0x130;
	s15 =	simm.s32 $0xB000  }
0x21: {  	[tilespmem:s15], [sflag:$0x4] =	stream.indirect.gather [hbm4b:s3+s10], $0x40, s14, s10, $0xb8;
	[tilespmem:$0x14C00] =	vst v63  }
0x22: {  	s16 =	simm.s32 $0x190  }
0x23: {  	[tilespmem:s17], [sflag:$0x5] =	stream.indirect.gather [hbm4b:s3+s8], $0x40, s16, s8, $0xb8;
	[tilespmem:$0x14C00] =	vst v63  }
0x24: {  	_ = 	snop  }
0x25: {  	[tilespmem:s19], [sflag:$0x6] =	stream.indirect.gather [hbm4b:s3+s10], $0x40, s18, s10, $0xb8;
	[tilespmem:$0x14C00] =	vst v63  }
0x26: {  	_ = 	snop  }
0x27: {  	[tilespmem:s21], [sflag:$0x7] =	stream.indirect.gather [hbm4b:s3+s8], $0x40, s20, s8, $0xb8;
	[tilespmem:$0x14C00] =	vst v63  }
0x28: {  	_ = 	snop  }
0x29: {  	[tilespmem:s23], [sflag:$0x8] =	stream.indirect.gather [hbm4b:s3+s10], $0x40, s22, s10, $0xb8;
	[tilespmem:$0x14C00] =	vst v63  }
.LBB2_4:
0x2a: {  	_ =	swait.ge [sflag:s24], $0x1A00  }
0x2b: {  	[sflag:s24] =	ssyncset.done $0x0  }
0x2c: {  	[sflag:s24] =	ssyncadd.s32 $0xFFFFE600  }
0x2d: {  	v3 =	vld [tilespmem:$0x6400]  }
0x2e: {  	v5 =	vld [tilespmem:$0x6410]  }
0x2f: {  	v6 =	vld [tilespmem:$0x6420]  }
0x30: {  	s13 =	simm.s32 $0x6520;
	v7 =	vld [tilespmem:$0x6430]  }
0x31: {  	v0 =	vld [tilespmem:s13+$0xE0]  }
0x32: {  	v1 =	vld [tilespmem:s13+$0xF0]  }
0x33: {  	v2 =	vld [tilespmem:s13+$0xA0]  }
0x34: {  	v4 =	vld [tilespmem:s13+$0xB0]  }
0x35: {  	v11 =	vld [tilespmem:s13+$0x60]  }
0x36: {  	v15 =	vld [tilespmem:s13+$0x70]  }
0x37: {  	v8 =	vld [tilespmem:s13+$0x20]  }
0x38: {  	v10 =	vld [tilespmem:s13+$0x30]  }
0x39: {  	v9 =	vld [tilespmem:s13+$0xFFFFFFE0]  }
0x3a: {  	v12 =	vld [tilespmem:s13+$0xFFFFFFF0]  }
0x3b: {  	v13 =	vld [tilespmem:s13+$0xFFFFFFA0]  }
0x3c: {  	v14 =	vld [tilespmem:s13+$0xFFFFFFB0]  }
0x3d: {  	v16 =	vld [tilespmem:s13+$0xFFFFFF60]  }
0x3e: {  	v17 =	vld [tilespmem:s13+$0xFFFFFF70]  }
0x3f: {  	v18 =	vld [tilespmem:s13+$0xFFFFFF20]  }
0x40: {  	v19 =	vld [tilespmem:s13+$0xFFFFFF30]  }
0x41: {  	v20 =	vld [tilespmem:s13+$0xFFFFFF40]  }
0x42: {  	v21 =	vld [tilespmem:s13+$0xFFFFFF50]  }
0x43: {  	v22 =	vld [tilespmem:s13+$0xFFFFFF80]  }
0x44: {  	v23 =	vld [tilespmem:s13+$0xFFFFFF90]  }
0x45: {  	v24 =	vld [tilespmem:s13+$0xFFFFFFC0]  }
0x46: {  	v62 =	vld [tilespmem:s13+$0xFFFFFFD0];
	v3 =	vadd.f32 v18, v3;
	v5 =	vadd.f32 v19, v5  }
0x47: {  	v63 =	vld [tilespmem:s13+$0x0];
	v6 =	vadd.f32 v20, v6;
	v7 =	vadd.f32 v21, v7  }
0x48: {  	v3 =	vadd.f32 v16, v3;
	v5 =	vadd.f32 v17, v5;
	v16 =	vld [tilespmem:s13+$0x10]  }
0x49: {  	v6 =	vadd.f32 v22, v6;
	v7 =	vadd.f32 v23, v7;
	v17 =	vld [tilespmem:s13+$0x40]  }
0x4a: {  	v3 =	vadd.f32 v13, v3;
	v5 =	vadd.f32 v14, v5;
	v13 =	vld [tilespmem:s13+$0x50]  }
0x4b: {  	v14 =	vadd.f32 v24, v6;
	v7 =	vadd.f32 v62, v7;
	v6 =	vld [tilespmem:s13+$0x80]  }
0x4c: {  	v3 =	vadd.f32 v9, v3;
	v5 =	vadd.f32 v12, v5;
	v9 =	vld [tilespmem:s13+$0x90]  }
0x4d: {  	v12 =	vadd.f32 v63, v14;
	v14 =	vadd.f32 v16, v7;
	v7 =	vld [tilespmem:s13+$0xC0]  }
0x4e: {  	v3 =	vadd.f32 v8, v3;
	v5 =	vadd.f32 v10, v5;
	v10 =	vld [tilespmem:s13+$0xD0]  }
0x4f: {  	v12 =	vadd.f32 v17, v12;
	v8 =	vld [tilespmem:s13+$0x100];
	v13 =	vadd.f32 v13, v14  }
0x50: {  	s12 =	simm.s32 $0x1;
	v14 =	vadd.f32 v11, v3;
	v15 =	vadd.f32 v15, v5;
	v11 =	vld [tilespmem:s13+$0x110];
	s13 =	simm.s32 $0x6720  }
.LBB2_5:
0x51: {  	v3 =	vld [tilespmem:s13+$0xE0];
	v5 =	vadd.f32 v6, v12;
	v6 =	vadd.f32 v9, v13  }
0x52: {  	v9 =	vld [tilespmem:s13+$0xF0];
	v12 =	vadd.f32 v2, v14;
	v13 =	vadd.f32 v4, v15  }
0x53: {  	v2 =	vld [tilespmem:s13+$0xA0];
	v5 =	vadd.f32 v7, v5;
	v6 =	vadd.f32 v10, v6  }
0x54: {  	v4 =	vld [tilespmem:s13+$0xB0];
	v7 =	vadd.f32 v0, v12;
	v10 =	vadd.f32 v1, v13  }
0x55: {  	v14 =	vld [tilespmem:s13+$0x60];
	v5 =	vadd.f32 v8, v5;
	v6 =	vadd.f32 v11, v6  }
0x56: {  	v11 =	vld [tilespmem:s13+$0x70];
	v0 =	vmov v3  }
0x57: {  	v3 =	vld [tilespmem:s13+$0x20];
	v1 =	vmov v9  }
0x58: {  	v8 =	vld [tilespmem:s13+$0x30]  }
0x59: {  	v9 =	vld [tilespmem:s13+$0xFFFFFFE0]  }
0x5a: {  	v12 =	vld [tilespmem:s13+$0xFFFFFFF0]  }
0x5b: {  	v13 =	vld [tilespmem:s13+$0xFFFFFFA0]  }
0x5c: {  	v15 =	vld [tilespmem:s13+$0xFFFFFFB0]  }
0x5d: {  	v16 =	vld [tilespmem:s13+$0xFFFFFF60]  }
0x5e: {  	v17 =	vld [tilespmem:s13+$0xFFFFFF70]  }
0x5f: {  	v18 =	vld [tilespmem:s13+$0xFFFFFF20]  }
0x60: {  	v19 =	vld [tilespmem:s13+$0xFFFFFF30]  }
0x61: {  	v20 =	vld [tilespmem:s13+$0xFFFFFF40]  }
0x62: {  	s12 =	sadd.s32 $0x8, s12;
	v21 =	vld [tilespmem:s13+$0xFFFFFF50]  }
0x63: {  	p0 =	slt.u32 s12, $0x59;
	v22 =	vld [tilespmem:s13+$0xFFFFFF80]  }
0x64: {  	v23 =	vld [tilespmem:s13+$0xFFFFFF90]  }
0x65: {  	v24 =	vld [tilespmem:s13+$0xFFFFFFC0]  }
0x66: {  	v7 =	vadd.f32 v18, v7;
	v10 =	vadd.f32 v19, v10;
	v18 =	vld [tilespmem:s13+$0xFFFFFFD0]  }
0x67: {  	v5 =	vadd.f32 v20, v5;
	v6 =	vadd.f32 v21, v6;
	v19 =	vld [tilespmem:s13+$0x0]  }
0x68: {  	v7 =	vadd.f32 v16, v7;
	v10 =	vadd.f32 v17, v10;
	v16 =	vld [tilespmem:s13+$0x10]  }
0x69: {  	v5 =	vadd.f32 v22, v5;
	v6 =	vadd.f32 v23, v6;
	v17 =	vld [tilespmem:s13+$0x40]  }
0x6a: {  	v7 =	vadd.f32 v13, v7;
	v10 =	vadd.f32 v15, v10;
	v13 =	vld [tilespmem:s13+$0x50]  }
0x6b: {  	v5 =	vadd.f32 v24, v5;
	v15 =	vadd.f32 v18, v6;
	v6 =	vld [tilespmem:s13+$0x80]  }
.Ltmp1:
0x6c: {  	v18 =	vadd.f32 v9, v7;
	v10 =	vadd.f32 v12, v10;
	v9 =	vld [tilespmem:s13+$0x90];
	(pc) =	sbr.rel @p0 .LBB2_5-.Ltmp1, $4  }
0x6d: {  	v5 =	vadd.f32 v19, v5;
	v15 =	vadd.f32 v16, v15;
	v7 =	vld [tilespmem:s13+$0xC0]  }
0x6e: {  	v3 =	vadd.f32 v3, v18;
	v16 =	vadd.f32 v8, v10;
	v10 =	vld [tilespmem:s13+$0xD0]  }
0x6f: {  	v12 =	vadd.f32 v17, v5;
	v13 =	vadd.f32 v13, v15;
	v8 =	vld [tilespmem:s13+$0x100]  }
0x70: {  	v14 =	vadd.f32 v14, v3;
	v15 =	vadd.f32 v11, v16;
	v11 =	vld [tilespmem:s13+$0x110];
	s13 =	sadd.s32 $0x200, s13  }
0x71: {  	v16 =	vld [tilespmem:$0x7C40]  }
0x72: {  	v17 =	vld [tilespmem:$0x7C50]  }
0x73: {  	v18 =	vld [tilespmem:$0x7C60]  }
0x74: {  	v19 =	vld [tilespmem:$0x7C70]  }
0x75: {  	v20 =	vld [tilespmem:$0x7C80]  }
0x76: {  	v21 =	vld [tilespmem:$0x7C90]  }
0x77: {  	v22 =	vld [tilespmem:$0x7CA0]  }
0x78: {  	v23 =	vld [tilespmem:$0x7CB0]  }
0x79: {  	v24 =	vld [tilespmem:$0x7CC0]  }
0x7a: {  	v25 =	vld [tilespmem:$0x7CD0]  }
0x7b: {  	v26 =	vld [tilespmem:$0x7CE0]  }
0x7c: {  	v27 =	vld [tilespmem:$0x7CF0]  }
0x7d: {  	v28 =	vld [tilespmem:$0x7D00]  }
0x7e: {  	v29 =	vld [tilespmem:$0x7D10]  }
0x7f: {  	v30 =	vld [tilespmem:$0x7D20]  }
0x80: {  	v31 =	vld [tilespmem:$0x7D30]  }
0x81: {  	v32 =	vld [tilespmem:$0x7D40]  }
0x82: {  	v33 =	vld [tilespmem:$0x7D50]  }
0x83: {  	v34 =	vld [tilespmem:$0x7D60]  }
0x84: {  	v35 =	vld [tilespmem:$0x7D70]  }
0x85: {  	v36 =	vld [tilespmem:$0x7D80]  }
0x86: {  	v37 =	vld [tilespmem:$0x7D90]  }
0x87: {  	v38 =	vld [tilespmem:$0x7DA0];
	p0 =	seq.s32 s11, $0x1F  }
0x88: {  	v39 =	vld [tilespmem:$0x7DB0];
	s12 =	smul.u32 @!p0 $0xC80, s11  }
0x89: {  	v40 =	vld [tilespmem:$0x7DC0]  }
0x8a: {  	v41 =	vld [tilespmem:$0x7DD0];
	s12 =	sshra.s32 @!p0 s12, $0x2  }
0x8b: {  	v42 =	vld [tilespmem:$0x7DE0];
	s14 =	simm.s32 @!p0 $0x68;
	s15 =	simm.s32 @!p0 $0x6400;
	s13 =	sadd.s32 @!p0 $0x320, s12  }
0x8c: {  	v43 =	vld [tilespmem:$0x7DF0];
	[tilespmem:s15], [sflag:$0x1] =	stream.indirect.gather @!p0 [hbm4b:s3+s14], $0x40, s13, s14, $0xb8  }
0x8d: {  	_ =	swait.ge [sflag:s25], $0x1800  }
0x8e: {  	[sflag:s25] =	ssyncset.done $0x0  }
0x8f: {  	s16 =	simm.s32 $0x7F00;
	[sflag:s25] =	ssyncadd.s32 $0xFFFFE800  }
0x90: {  	v5 =	vld [tilespmem:s16+$0xC0]  }
0x91: {  	v3 =	vld [tilespmem:s16+$0xD0]  }
0x92: {  	v12 =	vadd.f32 v6, v12;
	v9 =	vadd.f32 v9, v13;
	v6 =	vld [tilespmem:s16+$0x80]  }
0x93: {  	v13 =	vadd.f32 v2, v14;
	v4 =	vadd.f32 v4, v15;
	v2 =	vld [tilespmem:s16+$0x90]  }
0x94: {  	v7 =	vadd.f32 v7, v12;
	v9 =	vadd.f32 v10, v9;
	v12 =	vld [tilespmem:s16+$0x40]  }
0x95: {  	v0 =	vadd.f32 v0, v13;
	v1 =	vadd.f32 v1, v4;
	v14 =	vld [tilespmem:s16+$0x50]  }
0x96: {  	v4 =	vadd.f32 v8, v7;
	v7 =	vadd.f32 v11, v9;
	v9 =	vld [tilespmem:s16+$0x0]  }
0x97: {  	v0 =	vadd.f32 v16, v0;
	v1 =	vadd.f32 v17, v1;
	v10 =	vld [tilespmem:s16+$0x10]  }
0x98: {  	v4 =	vadd.f32 v18, v4;
	v7 =	vadd.f32 v19, v7;
	v8 =	vld [tilespmem:s16+$0xFFFFFFC0]  }
0x99: {  	v0 =	vadd.f32 v20, v0;
	v1 =	vadd.f32 v21, v1;
	v11 =	vld [tilespmem:s16+$0xFFFFFFD0]  }
0x9a: {  	v4 =	vadd.f32 v22, v4;
	v7 =	vadd.f32 v23, v7;
	v13 =	vld [tilespmem:s16+$0xFFFFFF80]  }
0x9b: {  	v0 =	vadd.f32 v24, v0;
	v1 =	vadd.f32 v25, v1;
	v15 =	vld [tilespmem:s16+$0xFFFFFF90]  }
0x9c: {  	v50 =	vld [tilespmem:s16+$0xFFFFFF40];
	v4 =	vadd.f32 v26, v4;
	v7 =	vadd.f32 v27, v7  }
0x9d: {  	v51 =	vld [tilespmem:s16+$0xFFFFFF50];
	v0 =	vadd.f32 v28, v0;
	v1 =	vadd.f32 v29, v1  }
0x9e: {  	v52 =	vld [tilespmem:s16+$0xFFFFFF00];
	v4 =	vadd.f32 v30, v4;
	v7 =	vadd.f32 v31, v7  }
0x9f: {  	v53 =	vld [tilespmem:s16+$0xFFFFFF10];
	v0 =	vadd.f32 v32, v0;
	v1 =	vadd.f32 v33, v1  }
0xa0: {  	v54 =	vld [tilespmem:s16+$0xFFFFFF20];
	v4 =	vadd.f32 v34, v4;
	v7 =	vadd.f32 v35, v7  }
0xa1: {  	v55 =	vld [tilespmem:s16+$0xFFFFFF30];
	v0 =	vadd.f32 v36, v0;
	v1 =	vadd.f32 v37, v1  }
0xa2: {  	v56 =	vld [tilespmem:s16+$0xFFFFFF60];
	v4 =	vadd.f32 v38, v4;
	v7 =	vadd.f32 v39, v7  }
0xa3: {  	v57 =	vld [tilespmem:s16+$0xFFFFFF70];
	v0 =	vadd.f32 v40, v0;
	v1 =	vadd.f32 v41, v1  }
0xa4: {  	v58 =	vld [tilespmem:s16+$0xFFFFFFA0];
	v4 =	vadd.f32 v42, v4;
	v7 =	vadd.f32 v43, v7  }
0xa5: {  	v59 =	vld [tilespmem:s16+$0xFFFFFFB0];
	v0 =	vadd.f32 v52, v0;
	v1 =	vadd.f32 v53, v1  }
0xa6: {  	v60 =	vld [tilespmem:s16+$0xFFFFFFE0];
	v4 =	vadd.f32 v54, v4;
	v7 =	vadd.f32 v55, v7  }
0xa7: {  	v61 =	vld [tilespmem:s16+$0xFFFFFFF0];
	v0 =	vadd.f32 v50, v0;
	v1 =	vadd.f32 v51, v1  }
0xa8: {  	v62 =	vld [tilespmem:s16+$0x20];
	v4 =	vadd.f32 v56, v4;
	v7 =	vadd.f32 v57, v7  }
0xa9: {  	v13 =	vadd.f32 v13, v0;
	v1 =	vadd.f32 v15, v1;
	v15 =	vld [tilespmem:s16+$0x30]  }
0xaa: {  	v0 =	vld [tilespmem:s16+$0x60];
	v4 =	vadd.f32 v58, v4;
	v7 =	vadd.f32 v59, v7  }
0xab: {  	v13 =	vadd.f32 v8, v13;
	v1 =	vadd.f32 v11, v1;
	v8 =	vld [tilespmem:s16+$0x70]  }
0xac: {  	v11 =	vadd.f32 v60, v4;
	v16 =	vadd.f32 v61, v7;
	v4 =	vld [tilespmem:s16+$0xA0]  }
0xad: {  	v7 =	vld [tilespmem:s16+$0xB0];
	v9 =	vadd.f32 v9, v13;
	v63 =	vadd.f32 v10, v1  }
0xae: {  	v1 =	vld [tilespmem:s16+$0xE0];
	v11 =	vadd.f32 v62, v11;
	v10 =	vadd.f32 v15, v16  }
0xaf: {  	s13 =	simm.s32 $0x0;
	s14 =	simm.s32 $0x8100;
	v13 =	vadd.f32 v12, v9;
	v12 =	vadd.f32 v14, v63;
	v9 =	vld [tilespmem:s16+$0xF0]  }
.LBB2_7:
0xb0: {  	v14 =	vld [tilespmem:s14+$0xC0];
	v0 =	vadd.f32 v0, v11;
	v8 =	vadd.f32 v8, v10  }
0xb1: {  	v10 =	vld [tilespmem:s14+$0xD0];
	v11 =	vadd.f32 v6, v13;
	v12 =	vadd.f32 v2, v12  }
0xb2: {  	v6 =	vld [tilespmem:s14+$0x80];
	v0 =	vadd.f32 v4, v0;
	v4 =	vadd.f32 v7, v8  }
0xb3: {  	v2 =	vld [tilespmem:s14+$0x90];
	v7 =	vadd.f32 v5, v11;
	v8 =	vadd.f32 v3, v12  }
0xb4: {  	v12 =	vld [tilespmem:s14+$0x40];
	v0 =	vadd.f32 v1, v0;
	v1 =	vadd.f32 v9, v4  }
0xb5: {  	v9 =	vld [tilespmem:s14+$0x50];
	v5 =	vmov v14  }
0xb6: {  	v11 =	vld [tilespmem:s14+$0x0];
	v3 =	vmov v10  }
0xb7: {  	v10 =	vld [tilespmem:s14+$0x10]  }
0xb8: {  	v4 =	vld [tilespmem:s14+$0xFFFFFFC0]  }
0xb9: {  	v13 =	vld [tilespmem:s14+$0xFFFFFFD0]  }
0xba: {  	v14 =	vld [tilespmem:s14+$0xFFFFFF80]  }
0xbb: {  	v15 =	vld [tilespmem:s14+$0xFFFFFF90]  }
0xbc: {  	v16 =	vld [tilespmem:s14+$0xFFFFFF40]  }
0xbd: {  	v17 =	vld [tilespmem:s14+$0xFFFFFF50]  }
0xbe: {  	v18 =	vld [tilespmem:s14+$0xFFFFFF00]  }
0xbf: {  	v19 =	vld [tilespmem:s14+$0xFFFFFF10]  }
0xc0: {  	v20 =	vld [tilespmem:s14+$0xFFFFFF20]  }
0xc1: {  	s13 =	sadd.s32 $0x8, s13;
	v21 =	vld [tilespmem:s14+$0xFFFFFF30]  }
0xc2: {  	p1 =	slt.u32 s13, $0x58;
	v22 =	vld [tilespmem:s14+$0xFFFFFF60]  }
0xc3: {  	v23 =	vld [tilespmem:s14+$0xFFFFFF70]  }
0xc4: {  	v24 =	vld [tilespmem:s14+$0xFFFFFFA0]  }
0xc5: {  	v7 =	vadd.f32 v18, v7;
	v8 =	vadd.f32 v19, v8;
	v18 =	vld [tilespmem:s14+$0xFFFFFFB0]  }
0xc6: {  	v0 =	vadd.f32 v20, v0;
	v1 =	vadd.f32 v21, v1;
	v19 =	vld [tilespmem:s14+$0xFFFFFFE0]  }
0xc7: {  	v7 =	vadd.f32 v16, v7;
	v8 =	vadd.f32 v17, v8;
	v16 =	vld [tilespmem:s14+$0xFFFFFFF0]  }
0xc8: {  	v0 =	vadd.f32 v22, v0;
	v1 =	vadd.f32 v23, v1;
	v17 =	vld [tilespmem:s14+$0x20]  }
0xc9: {  	v7 =	vadd.f32 v14, v7;
	v8 =	vadd.f32 v15, v8;
	v14 =	vld [tilespmem:s14+$0x30]  }
0xca: {  	v15 =	vadd.f32 v24, v0;
	v1 =	vadd.f32 v18, v1;
	v0 =	vld [tilespmem:s14+$0x60]  }
.Ltmp2:
0xcb: {  	v7 =	vadd.f32 v4, v7;
	v13 =	vadd.f32 v13, v8;
	v8 =	vld [tilespmem:s14+$0x70];
	(pc) =	sbr.rel @p1 .LBB2_7-.Ltmp2, $4  }
0xcc: {  	v15 =	vadd.f32 v19, v15;
	v1 =	vadd.f32 v16, v1;
	v4 =	vld [tilespmem:s14+$0xA0]  }
0xcd: {  	v16 =	vadd.f32 v11, v7;
	v18 =	vadd.f32 v10, v13;
	v7 =	vld [tilespmem:s14+$0xB0]  }
0xce: {  	v11 =	vadd.f32 v17, v15;
	v10 =	vadd.f32 v14, v1;
	v1 =	vld [tilespmem:s14+$0xE0]  }
0xcf: {  	v13 =	vadd.f32 v12, v16;
	v12 =	vadd.f32 v9, v18;
	v9 =	vld [tilespmem:s14+$0xF0];
	s14 =	sadd.s32 $0x200, s14  }
0xd0: {  	_ = 	snop  }
0xd1: {  	v0 =	vadd.f32 v0, v11;
	v6 =	vadd.f32 v6, v13  }
0xd2: {  	v8 =	vadd.f32 v8, v10;
	v2 =	vadd.f32 v2, v12  }
0xd3: {  	s13 =	sadd.s32 @!p0 $0x388, s12;
	s14 =	simm.s32 @!p0 $0x60;
	s15 =	simm.s32 @!p0 $0x7E00;
	v0 =	vadd.f32 v4, v0;
	v4 =	vadd.f32 v5, v6  }
0xd4: {  	[tilespmem:s15], [sflag:$0x2] =	stream.indirect.gather @!p0 [hbm4b:s3+s14], $0x40, s13, s14, $0xb8;
	v5 =	vadd.f32 v7, v8;
	v2 =	vadd.f32 v3, v2;
	[tilespmem:$0x14C00] =	vst v63  }
0xd5: {  	s15 =	sshll.u32 s11, $0x8;
	v0 =	vadd.f32 v1, v0;
	v1 =	vmul.f32 $4.999999890e-03, v4  }
0xd6: {  	s13 =	sand.u32 $0x3FFFFF00, s15;
	v3 =	vadd.f32 v9, v5;
	v2 =	vmul.f32 $4.999999890e-03, v2  }
0xd7: {  	v0 =	vmul.f32 $4.999999890e-03, v0;
	[tilespmem:s13+$0x12C00] =	vst v1  }
0xd8: {  	[tilespmem:s13+$0x12C10] =	vst v2;
	v1 =	vmul.f32 $4.999999890e-03, v3  }
0xd9: {  	[tilespmem:s13+$0x12C20] =	vst v0  }
0xda: {  	[tilespmem:s13+$0x12C30] =	vst v1  }
0xdb: {  	_ =	swait.ge [sflag:s26], $0x1A00  }
0xdc: {  	[sflag:s26] =	ssyncset.done $0x0  }
0xdd: {  	[sflag:s26] =	ssyncadd.s32 $0xFFFFE600  }
0xde: {  	v3 =	vld [tilespmem:$0x9600]  }
0xdf: {  	v4 =	vld [tilespmem:$0x9610]  }
0xe0: {  	v6 =	vld [tilespmem:$0x9620]  }
0xe1: {  	s16 =	simm.s32 $0x9720;
	v7 =	vld [tilespmem:$0x9630]  }
0xe2: {  	v0 =	vld [tilespmem:s16+$0xE0]  }
0xe3: {  	v1 =	vld [tilespmem:s16+$0xF0]  }
0xe4: {  	v2 =	vld [tilespmem:s16+$0xA0]  }
0xe5: {  	v5 =	vld [tilespmem:s16+$0xB0]  }
0xe6: {  	v11 =	vld [tilespmem:s16+$0x60]  }
0xe7: {  	v15 =	vld [tilespmem:s16+$0x70]  }
0xe8: {  	v8 =	vld [tilespmem:s16+$0x20]  }
0xe9: {  	v10 =	vld [tilespmem:s16+$0x30]  }
0xea: {  	v9 =	vld [tilespmem:s16+$0xFFFFFFE0]  }
0xeb: {  	v12 =	vld [tilespmem:s16+$0xFFFFFFF0]  }
0xec: {  	v13 =	vld [tilespmem:s16+$0xFFFFFFA0]  }
0xed: {  	v14 =	vld [tilespmem:s16+$0xFFFFFFB0]  }
0xee: {  	v16 =	vld [tilespmem:s16+$0xFFFFFF60]  }
0xef: {  	v17 =	vld [tilespmem:s16+$0xFFFFFF70]  }
0xf0: {  	v18 =	vld [tilespmem:s16+$0xFFFFFF20]  }
0xf1: {  	v19 =	vld [tilespmem:s16+$0xFFFFFF30]  }
0xf2: {  	v20 =	vld [tilespmem:s16+$0xFFFFFF40]  }
0xf3: {  	v21 =	vld [tilespmem:s16+$0xFFFFFF50]  }
0xf4: {  	v22 =	vld [tilespmem:s16+$0xFFFFFF80]  }
0xf5: {  	v23 =	vld [tilespmem:s16+$0xFFFFFF90]  }
0xf6: {  	v24 =	vld [tilespmem:s16+$0xFFFFFFC0]  }
0xf7: {  	v62 =	vld [tilespmem:s16+$0xFFFFFFD0];
	v3 =	vadd.f32 v18, v3;
	v4 =	vadd.f32 v19, v4  }
0xf8: {  	v63 =	vld [tilespmem:s16+$0x0];
	v6 =	vadd.f32 v20, v6;
	v7 =	vadd.f32 v21, v7  }
0xf9: {  	v3 =	vadd.f32 v16, v3;
	v4 =	vadd.f32 v17, v4;
	v16 =	vld [tilespmem:s16+$0x10]  }
0xfa: {  	v6 =	vadd.f32 v22, v6;
	v7 =	vadd.f32 v23, v7;
	v17 =	vld [tilespmem:s16+$0x40]  }
0xfb: {  	v3 =	vadd.f32 v13, v3;
	v4 =	vadd.f32 v14, v4;
	v13 =	vld [tilespmem:s16+$0x50]  }
0xfc: {  	v14 =	vadd.f32 v24, v6;
	v7 =	vadd.f32 v62, v7;
	v6 =	vld [tilespmem:s16+$0x80]  }
0xfd: {  	v3 =	vadd.f32 v9, v3;
	v4 =	vadd.f32 v12, v4;
	v9 =	vld [tilespmem:s16+$0x90]  }
0xfe: {  	v12 =	vadd.f32 v63, v14;
	v14 =	vadd.f32 v16, v7;
	v7 =	vld [tilespmem:s16+$0xC0]  }
0xff: {  	v3 =	vadd.f32 v8, v3;
	v4 =	vadd.f32 v10, v4;
	v10 =	vld [tilespmem:s16+$0xD0]  }
0x100: {  	v12 =	vadd.f32 v17, v12;
	v8 =	vld [tilespmem:s16+$0x100];
	v13 =	vadd.f32 v13, v14  }
0x101: {  	s14 =	simm.s32 $0x1;
	s15 =	simm.s32 $0x9920;
	v14 =	vadd.f32 v11, v3;
	v15 =	vadd.f32 v15, v4;
	v11 =	vld [tilespmem:s16+$0x110]  }
.LBB2_9:
0x102: {  	v3 =	vld [tilespmem:s15+$0xE0];
	v4 =	vadd.f32 v6, v12;
	v6 =	vadd.f32 v9, v13  }
0x103: {  	v9 =	vld [tilespmem:s15+$0xF0];
	v12 =	vadd.f32 v2, v14;
	v13 =	vadd.f32 v5, v15  }
0x104: {  	v2 =	vld [tilespmem:s15+$0xA0];
	v4 =	vadd.f32 v7, v4;
	v6 =	vadd.f32 v10, v6  }
0x105: {  	v5 =	vld [tilespmem:s15+$0xB0];
	v7 =	vadd.f32 v0, v12;
	v10 =	vadd.f32 v1, v13  }
0x106: {  	v14 =	vld [tilespmem:s15+$0x60];
	v4 =	vadd.f32 v8, v4;
	v6 =	vadd.f32 v11, v6  }
0x107: {  	v11 =	vld [tilespmem:s15+$0x70];
	v0 =	vmov v3  }
0x108: {  	v3 =	vld [tilespmem:s15+$0x20];
	v1 =	vmov v9  }
0x109: {  	v8 =	vld [tilespmem:s15+$0x30]  }
0x10a: {  	v9 =	vld [tilespmem:s15+$0xFFFFFFE0]  }
0x10b: {  	v12 =	vld [tilespmem:s15+$0xFFFFFFF0]  }
0x10c: {  	v13 =	vld [tilespmem:s15+$0xFFFFFFA0]  }
0x10d: {  	v15 =	vld [tilespmem:s15+$0xFFFFFFB0]  }
0x10e: {  	v16 =	vld [tilespmem:s15+$0xFFFFFF60]  }
0x10f: {  	v17 =	vld [tilespmem:s15+$0xFFFFFF70]  }
0x110: {  	v18 =	vld [tilespmem:s15+$0xFFFFFF20]  }
0x111: {  	v19 =	vld [tilespmem:s15+$0xFFFFFF30]  }
0x112: {  	v20 =	vld [tilespmem:s15+$0xFFFFFF40]  }
0x113: {  	s14 =	sadd.s32 $0x8, s14;
	v21 =	vld [tilespmem:s15+$0xFFFFFF50]  }
0x114: {  	p1 =	slt.u32 s14, $0x59;
	v22 =	vld [tilespmem:s15+$0xFFFFFF80]  }
0x115: {  	v23 =	vld [tilespmem:s15+$0xFFFFFF90]  }
0x116: {  	v24 =	vld [tilespmem:s15+$0xFFFFFFC0]  }
0x117: {  	v7 =	vadd.f32 v18, v7;
	v10 =	vadd.f32 v19, v10;
	v18 =	vld [tilespmem:s15+$0xFFFFFFD0]  }
0x118: {  	v4 =	vadd.f32 v20, v4;
	v6 =	vadd.f32 v21, v6;
	v19 =	vld [tilespmem:s15+$0x0]  }
0x119: {  	v7 =	vadd.f32 v16, v7;
	v10 =	vadd.f32 v17, v10;
	v16 =	vld [tilespmem:s15+$0x10]  }
0x11a: {  	v4 =	vadd.f32 v22, v4;
	v6 =	vadd.f32 v23, v6;
	v17 =	vld [tilespmem:s15+$0x40]  }
0x11b: {  	v7 =	vadd.f32 v13, v7;
	v10 =	vadd.f32 v15, v10;
	v13 =	vld [tilespmem:s15+$0x50]  }
0x11c: {  	v4 =	vadd.f32 v24, v4;
	v15 =	vadd.f32 v18, v6;
	v6 =	vld [tilespmem:s15+$0x80]  }
.Ltmp3:
0x11d: {  	v18 =	vadd.f32 v9, v7;
	v10 =	vadd.f32 v12, v10;
	v9 =	vld [tilespmem:s15+$0x90];
	(pc) =	sbr.rel @p1 .LBB2_9-.Ltmp3, $4  }
0x11e: {  	v4 =	vadd.f32 v19, v4;
	v15 =	vadd.f32 v16, v15;
	v7 =	vld [tilespmem:s15+$0xC0]  }
0x11f: {  	v3 =	vadd.f32 v3, v18;
	v16 =	vadd.f32 v8, v10;
	v10 =	vld [tilespmem:s15+$0xD0]  }
0x120: {  	v12 =	vadd.f32 v17, v4;
	v13 =	vadd.f32 v13, v15;
	v8 =	vld [tilespmem:s15+$0x100]  }
0x121: {  	v14 =	vadd.f32 v14, v3;
	v15 =	vadd.f32 v11, v16;
	v11 =	vld [tilespmem:s15+$0x110];
	s15 =	sadd.s32 $0x200, s15  }
0x122: {  	v16 =	vld [tilespmem:$0xAE40]  }
0x123: {  	v17 =	vld [tilespmem:$0xAE50]  }
0x124: {  	v18 =	vld [tilespmem:$0xAE60]  }
0x125: {  	v19 =	vld [tilespmem:$0xAE70]  }
0x126: {  	v20 =	vld [tilespmem:$0xAE80]  }
0x127: {  	v21 =	vld [tilespmem:$0xAE90]  }
0x128: {  	v22 =	vld [tilespmem:$0xAEA0]  }
0x129: {  	v23 =	vld [tilespmem:$0xAEB0]  }
0x12a: {  	v24 =	vld [tilespmem:$0xAEC0]  }
0x12b: {  	v25 =	vld [tilespmem:$0xAED0]  }
0x12c: {  	v26 =	vld [tilespmem:$0xAEE0]  }
0x12d: {  	v27 =	vld [tilespmem:$0xAEF0]  }
0x12e: {  	v28 =	vld [tilespmem:$0xAF00]  }
0x12f: {  	v29 =	vld [tilespmem:$0xAF10]  }
0x130: {  	v30 =	vld [tilespmem:$0xAF20]  }
0x131: {  	v31 =	vld [tilespmem:$0xAF30]  }
0x132: {  	v32 =	vld [tilespmem:$0xAF40]  }
0x133: {  	v33 =	vld [tilespmem:$0xAF50]  }
0x134: {  	v34 =	vld [tilespmem:$0xAF60]  }
0x135: {  	v35 =	vld [tilespmem:$0xAF70]  }
0x136: {  	v36 =	vld [tilespmem:$0xAF80]  }
0x137: {  	v37 =	vld [tilespmem:$0xAF90]  }
0x138: {  	v38 =	vld [tilespmem:$0xAFA0]  }
0x139: {  	v39 =	vld [tilespmem:$0xAFB0]  }
0x13a: {  	v40 =	vld [tilespmem:$0xAFC0]  }
0x13b: {  	v41 =	vld [tilespmem:$0xAFD0]  }
0x13c: {  	v42 =	vld [tilespmem:$0xAFE0];
	s14 =	sadd.s32 @!p0 $0x3E8, s12;
	s15 =	simm.s32 @!p0 $0x68;
	s16 =	simm.s32 @!p0 $0x9600  }
0x13d: {  	v43 =	vld [tilespmem:$0xAFF0];
	[tilespmem:s16], [sflag:$0x3] =	stream.indirect.gather @!p0 [hbm4b:s3+s15], $0x40, s14, s15, $0xb8  }
0x13e: {  	_ =	swait.ge [sflag:s28], $0x1800  }
0x13f: {  	[sflag:s28] =	ssyncset.done $0x0  }
0x140: {  	s16 =	simm.s32 $0xB100;
	[sflag:s28] =	ssyncadd.s32 $0xFFFFE800  }
0x141: {  	v3 =	vld [tilespmem:s16+$0xC0]  }
0x142: {  	v4 =	vld [tilespmem:s16+$0xD0]  }
0x143: {  	v12 =	vadd.f32 v6, v12;
	v9 =	vadd.f32 v9, v13;
	v6 =	vld [tilespmem:s16+$0x80]  }
0x144: {  	v13 =	vadd.f32 v2, v14;
	v5 =	vadd.f32 v5, v15;
	v2 =	vld [tilespmem:s16+$0x90]  }
0x145: {  	v7 =	vadd.f32 v7, v12;
	v9 =	vadd.f32 v10, v9;
	v12 =	vld [tilespmem:s16+$0x40]  }
0x146: {  	v0 =	vadd.f32 v0, v13;
	v1 =	vadd.f32 v1, v5;
	v14 =	vld [tilespmem:s16+$0x50]  }
0x147: {  	v5 =	vadd.f32 v8, v7;
	v7 =	vadd.f32 v11, v9;
	v8 =	vld [tilespmem:s16+$0x0]  }
0x148: {  	v0 =	vadd.f32 v16, v0;
	v1 =	vadd.f32 v17, v1;
	v9 =	vld [tilespmem:s16+$0x10]  }
0x149: {  	v10 =	vld [tilespmem:s16+$0xFFFFFFC0];
	v5 =	vadd.f32 v18, v5;
	v7 =	vadd.f32 v19, v7  }
0x14a: {  	v11 =	vld [tilespmem:s16+$0xFFFFFFD0];
	v0 =	vadd.f32 v20, v0;
	v1 =	vadd.f32 v21, v1  }
0x14b: {  	v13 =	vld [tilespmem:s16+$0xFFFFFF80];
	v5 =	vadd.f32 v22, v5;
	v7 =	vadd.f32 v23, v7  }
0x14c: {  	v15 =	vld [tilespmem:s16+$0xFFFFFF90];
	v0 =	vadd.f32 v24, v0;
	v1 =	vadd.f32 v25, v1  }
0x14d: {  	v49 =	vld [tilespmem:s16+$0xFFFFFF40];
	v5 =	vadd.f32 v26, v5;
	v7 =	vadd.f32 v27, v7  }
0x14e: {  	v50 =	vld [tilespmem:s16+$0xFFFFFF50];
	v0 =	vadd.f32 v28, v0;
	v1 =	vadd.f32 v29, v1  }
0x14f: {  	v51 =	vld [tilespmem:s16+$0xFFFFFF00];
	v5 =	vadd.f32 v30, v5;
	v7 =	vadd.f32 v31, v7  }
0x150: {  	v52 =	vld [tilespmem:s16+$0xFFFFFF10];
	v0 =	vadd.f32 v32, v0;
	v1 =	vadd.f32 v33, v1  }
0x151: {  	v53 =	vld [tilespmem:s16+$0xFFFFFF20];
	v5 =	vadd.f32 v34, v5;
	v7 =	vadd.f32 v35, v7  }
0x152: {  	v54 =	vld [tilespmem:s16+$0xFFFFFF30];
	v0 =	vadd.f32 v36, v0;
	v1 =	vadd.f32 v37, v1  }
0x153: {  	v55 =	vld [tilespmem:s16+$0xFFFFFF60];
	v5 =	vadd.f32 v38, v5;
	v7 =	vadd.f32 v39, v7  }
0x154: {  	v56 =	vld [tilespmem:s16+$0xFFFFFF70];
	v0 =	vadd.f32 v40, v0;
	v1 =	vadd.f32 v41, v1  }
0x155: {  	v57 =	vld [tilespmem:s16+$0xFFFFFFA0];
	v5 =	vadd.f32 v42, v5;
	v7 =	vadd.f32 v43, v7  }
0x156: {  	v58 =	vld [tilespmem:s16+$0xFFFFFFB0];
	v0 =	vadd.f32 v51, v0;
	v1 =	vadd.f32 v52, v1  }
0x157: {  	v59 =	vld [tilespmem:s16+$0xFFFFFFE0];
	v5 =	vadd.f32 v53, v5;
	v7 =	vadd.f32 v54, v7  }
0x158: {  	v60 =	vld [tilespmem:s16+$0xFFFFFFF0];
	v0 =	vadd.f32 v49, v0;
	v1 =	vadd.f32 v50, v1  }
0x159: {  	v61 =	vld [tilespmem:s16+$0x20];
	v5 =	vadd.f32 v55, v5;
	v7 =	vadd.f32 v56, v7  }
0x15a: {  	v13 =	vadd.f32 v13, v0;
	v1 =	vadd.f32 v15, v1;
	v15 =	vld [tilespmem:s16+$0x30]  }
0x15b: {  	v0 =	vld [tilespmem:s16+$0x60];
	v62 =	vadd.f32 v57, v5;
	v7 =	vadd.f32 v58, v7  }
0x15c: {  	v5 =	vld [tilespmem:s16+$0x70];
	v10 =	vadd.f32 v10, v13;
	v11 =	vadd.f32 v11, v1  }
0x15d: {  	v1 =	vld [tilespmem:s16+$0xA0];
	v13 =	vadd.f32 v59, v62;
	v7 =	vadd.f32 v60, v7  }
0x15e: {  	v63 =	vadd.f32 v8, v10;
	v9 =	vadd.f32 v9, v11;
	v8 =	vld [tilespmem:s16+$0xB0]  }
0x15f: {  	v11 =	vadd.f32 v61, v13;
	v10 =	vadd.f32 v15, v7;
	v7 =	vld [tilespmem:s16+$0xE0]  }
0x160: {  	s14 =	simm.s32 $0x0;
	s15 =	simm.s32 $0xB300;
	v13 =	vadd.f32 v12, v63;
	v12 =	vadd.f32 v14, v9;
	v9 =	vld [tilespmem:s16+$0xF0]  }
.LBB2_11:
0x161: {  	v14 =	vld [tilespmem:s15+$0xC0];
	v0 =	vadd.f32 v0, v11;
	v5 =	vadd.f32 v5, v10  }
0x162: {  	v10 =	vld [tilespmem:s15+$0xD0];
	v11 =	vadd.f32 v6, v13;
	v12 =	vadd.f32 v2, v12  }
0x163: {  	v6 =	vld [tilespmem:s15+$0x80];
	v0 =	vadd.f32 v1, v0;
	v1 =	vadd.f32 v8, v5  }
0x164: {  	v2 =	vld [tilespmem:s15+$0x90];
	v5 =	vadd.f32 v3, v11;
	v8 =	vadd.f32 v4, v12  }
0x165: {  	v12 =	vld [tilespmem:s15+$0x40];
	v0 =	vadd.f32 v7, v0;
	v1 =	vadd.f32 v9, v1  }
0x166: {  	v9 =	vld [tilespmem:s15+$0x50];
	v3 =	vmov v14  }
0x167: {  	v7 =	vld [tilespmem:s15+$0x0];
	v4 =	vmov v10  }
0x168: {  	v10 =	vld [tilespmem:s15+$0x10]  }
0x169: {  	v11 =	vld [tilespmem:s15+$0xFFFFFFC0]  }
0x16a: {  	v13 =	vld [tilespmem:s15+$0xFFFFFFD0]  }
0x16b: {  	v14 =	vld [tilespmem:s15+$0xFFFFFF80]  }
0x16c: {  	v15 =	vld [tilespmem:s15+$0xFFFFFF90]  }
0x16d: {  	v16 =	vld [tilespmem:s15+$0xFFFFFF40]  }
0x16e: {  	v17 =	vld [tilespmem:s15+$0xFFFFFF50]  }
0x16f: {  	v18 =	vld [tilespmem:s15+$0xFFFFFF00]  }
0x170: {  	v19 =	vld [tilespmem:s15+$0xFFFFFF10]  }
0x171: {  	v20 =	vld [tilespmem:s15+$0xFFFFFF20]  }
0x172: {  	s14 =	sadd.s32 $0x8, s14;
	v21 =	vld [tilespmem:s15+$0xFFFFFF30]  }
0x173: {  	p1 =	slt.u32 s14, $0x58;
	v22 =	vld [tilespmem:s15+$0xFFFFFF60]  }
0x174: {  	v23 =	vld [tilespmem:s15+$0xFFFFFF70]  }
0x175: {  	v24 =	vld [tilespmem:s15+$0xFFFFFFA0]  }
0x176: {  	v5 =	vadd.f32 v18, v5;
	v8 =	vadd.f32 v19, v8;
	v18 =	vld [tilespmem:s15+$0xFFFFFFB0]  }
0x177: {  	v0 =	vadd.f32 v20, v0;
	v1 =	vadd.f32 v21, v1;
	v19 =	vld [tilespmem:s15+$0xFFFFFFE0]  }
0x178: {  	v5 =	vadd.f32 v16, v5;
	v8 =	vadd.f32 v17, v8;
	v16 =	vld [tilespmem:s15+$0xFFFFFFF0]  }
0x179: {  	v0 =	vadd.f32 v22, v0;
	v1 =	vadd.f32 v23, v1;
	v17 =	vld [tilespmem:s15+$0x20]  }
0x17a: {  	v5 =	vadd.f32 v14, v5;
	v8 =	vadd.f32 v15, v8;
	v14 =	vld [tilespmem:s15+$0x30]  }
0x17b: {  	v15 =	vadd.f32 v24, v0;
	v1 =	vadd.f32 v18, v1;
	v0 =	vld [tilespmem:s15+$0x60]  }
.Ltmp4:
0x17c: {  	v11 =	vadd.f32 v11, v5;
	v8 =	vadd.f32 v13, v8;
	v5 =	vld [tilespmem:s15+$0x70];
	(pc) =	sbr.rel @p1 .LBB2_11-.Ltmp4, $4  }
0x17d: {  	v13 =	vadd.f32 v19, v15;
	v15 =	vadd.f32 v16, v1;
	v1 =	vld [tilespmem:s15+$0xA0]  }
0x17e: {  	v16 =	vadd.f32 v7, v11;
	v18 =	vadd.f32 v10, v8;
	v8 =	vld [tilespmem:s15+$0xB0]  }
0x17f: {  	v11 =	vadd.f32 v17, v13;
	v10 =	vadd.f32 v14, v15;
	v7 =	vld [tilespmem:s15+$0xE0]  }
0x180: {  	v13 =	vadd.f32 v12, v16;
	v12 =	vadd.f32 v9, v18;
	v9 =	vld [tilespmem:s15+$0xF0];
	s15 =	sadd.s32 $0x200, s15  }
0x181: {  	_ = 	snop  }
0x182: {  	v0 =	vadd.f32 v0, v11;
	v6 =	vadd.f32 v6, v13  }
0x183: {  	v5 =	vadd.f32 v5, v10;
	v2 =	vadd.f32 v2, v12  }
0x184: {  	v0 =	vadd.f32 v1, v0;
	v1 =	vadd.f32 v3, v6  }
0x185: {  	v3 =	vadd.f32 v8, v5;
	v2 =	vadd.f32 v4, v2  }
0x186: {  	s14 =	sadd.s32 @!p0 $0x450, s12;
	s15 =	simm.s32 @!p0 $0x60;
	s16 =	simm.s32 @!p0 $0xB000;
	v0 =	vadd.f32 v7, v0;
	v1 =	vmul.f32 $4.999999890e-03, v1  }
0x187: {  	[tilespmem:s16], [sflag:$0x4] =	stream.indirect.gather @!p0 [hbm4b:s3+s15], $0x40, s14, s15, $0xb8;
	v3 =	vadd.f32 v9, v3;
	v2 =	vmul.f32 $4.999999890e-03, v2;
	[tilespmem:$0x14C00] =	vst v63  }
0x188: {  	v0 =	vmul.f32 $4.999999890e-03, v0;
	[tilespmem:s13+$0x12C40] =	vst v1  }
0x189: {  	[tilespmem:s13+$0x12C50] =	vst v2;
	v1 =	vmul.f32 $4.999999890e-03, v3  }
0x18a: {  	[tilespmem:s13+$0x12C60] =	vst v0  }
0x18b: {  	[tilespmem:s13+$0x12C70] =	vst v1  }
0x18c: {  	_ =	swait.ge [sflag:s29], $0x1A00  }
0x18d: {  	[sflag:s29] =	ssyncset.done $0x0  }
0x18e: {  	[sflag:s29] =	ssyncadd.s32 $0xFFFFE600  }
0x18f: {  	v3 =	vld [tilespmem:$0xC800]  }
0x190: {  	v4 =	vld [tilespmem:$0xC810]  }
0x191: {  	v6 =	vld [tilespmem:$0xC820]  }
0x192: {  	s16 =	simm.s32 $0xC920;
	v7 =	vld [tilespmem:$0xC830]  }
0x193: {  	v0 =	vld [tilespmem:s16+$0xE0]  }
0x194: {  	v1 =	vld [tilespmem:s16+$0xF0]  }
0x195: {  	v2 =	vld [tilespmem:s16+$0xA0]  }
0x196: {  	v5 =	vld [tilespmem:s16+$0xB0]  }
0x197: {  	v11 =	vld [tilespmem:s16+$0x60]  }
0x198: {  	v15 =	vld [tilespmem:s16+$0x70]  }
0x199: {  	v8 =	vld [tilespmem:s16+$0x20]  }
0x19a: {  	v10 =	vld [tilespmem:s16+$0x30]  }
0x19b: {  	v9 =	vld [tilespmem:s16+$0xFFFFFFE0]  }
0x19c: {  	v12 =	vld [tilespmem:s16+$0xFFFFFFF0]  }
0x19d: {  	v13 =	vld [tilespmem:s16+$0xFFFFFFA0]  }
0x19e: {  	v14 =	vld [tilespmem:s16+$0xFFFFFFB0]  }
0x19f: {  	v16 =	vld [tilespmem:s16+$0xFFFFFF60]  }
0x1a0: {  	v17 =	vld [tilespmem:s16+$0xFFFFFF70]  }
0x1a1: {  	v18 =	vld [tilespmem:s16+$0xFFFFFF20]  }
0x1a2: {  	v19 =	vld [tilespmem:s16+$0xFFFFFF30]  }
0x1a3: {  	v20 =	vld [tilespmem:s16+$0xFFFFFF40]  }
0x1a4: {  	v21 =	vld [tilespmem:s16+$0xFFFFFF50]  }
0x1a5: {  	v22 =	vld [tilespmem:s16+$0xFFFFFF80]  }
0x1a6: {  	v23 =	vld [tilespmem:s16+$0xFFFFFF90]  }
0x1a7: {  	v24 =	vld [tilespmem:s16+$0xFFFFFFC0]  }
0x1a8: {  	v62 =	vld [tilespmem:s16+$0xFFFFFFD0];
	v3 =	vadd.f32 v18, v3;
	v4 =	vadd.f32 v19, v4  }
0x1a9: {  	v63 =	vld [tilespmem:s16+$0x0];
	v6 =	vadd.f32 v20, v6;
	v7 =	vadd.f32 v21, v7  }
0x1aa: {  	v3 =	vadd.f32 v16, v3;
	v4 =	vadd.f32 v17, v4;
	v16 =	vld [tilespmem:s16+$0x10]  }
0x1ab: {  	v6 =	vadd.f32 v22, v6;
	v7 =	vadd.f32 v23, v7;
	v17 =	vld [tilespmem:s16+$0x40]  }
0x1ac: {  	v3 =	vadd.f32 v13, v3;
	v4 =	vadd.f32 v14, v4;
	v13 =	vld [tilespmem:s16+$0x50]  }
0x1ad: {  	v14 =	vadd.f32 v24, v6;
	v7 =	vadd.f32 v62, v7;
	v6 =	vld [tilespmem:s16+$0x80]  }
0x1ae: {  	v3 =	vadd.f32 v9, v3;
	v4 =	vadd.f32 v12, v4;
	v9 =	vld [tilespmem:s16+$0x90]  }
0x1af: {  	v12 =	vadd.f32 v63, v14;
	v14 =	vadd.f32 v16, v7;
	v7 =	vld [tilespmem:s16+$0xC0]  }
0x1b0: {  	v3 =	vadd.f32 v8, v3;
	v4 =	vadd.f32 v10, v4;
	v10 =	vld [tilespmem:s16+$0xD0]  }
0x1b1: {  	v12 =	vadd.f32 v17, v12;
	v8 =	vld [tilespmem:s16+$0x100];
	v13 =	vadd.f32 v13, v14  }
0x1b2: {  	s14 =	simm.s32 $0x1;
	s15 =	simm.s32 $0xCB20;
	v14 =	vadd.f32 v11, v3;
	v15 =	vadd.f32 v15, v4;
	v11 =	vld [tilespmem:s16+$0x110]  }
.LBB2_13:
0x1b3: {  	v3 =	vld [tilespmem:s15+$0xE0];
	v4 =	vadd.f32 v6, v12;
	v6 =	vadd.f32 v9, v13  }
0x1b4: {  	v9 =	vld [tilespmem:s15+$0xF0];
	v12 =	vadd.f32 v2, v14;
	v13 =	vadd.f32 v5, v15  }
0x1b5: {  	v2 =	vld [tilespmem:s15+$0xA0];
	v4 =	vadd.f32 v7, v4;
	v6 =	vadd.f32 v10, v6  }
0x1b6: {  	v5 =	vld [tilespmem:s15+$0xB0];
	v7 =	vadd.f32 v0, v12;
	v10 =	vadd.f32 v1, v13  }
0x1b7: {  	v14 =	vld [tilespmem:s15+$0x60];
	v4 =	vadd.f32 v8, v4;
	v6 =	vadd.f32 v11, v6  }
0x1b8: {  	v11 =	vld [tilespmem:s15+$0x70];
	v0 =	vmov v3  }
0x1b9: {  	v3 =	vld [tilespmem:s15+$0x20];
	v1 =	vmov v9  }
0x1ba: {  	v8 =	vld [tilespmem:s15+$0x30]  }
0x1bb: {  	v9 =	vld [tilespmem:s15+$0xFFFFFFE0]  }
0x1bc: {  	v12 =	vld [tilespmem:s15+$0xFFFFFFF0]  }
0x1bd: {  	v13 =	vld [tilespmem:s15+$0xFFFFFFA0]  }
0x1be: {  	v15 =	vld [tilespmem:s15+$0xFFFFFFB0]  }
0x1bf: {  	v16 =	vld [tilespmem:s15+$0xFFFFFF60]  }
0x1c0: {  	v17 =	vld [tilespmem:s15+$0xFFFFFF70]  }
0x1c1: {  	v18 =	vld [tilespmem:s15+$0xFFFFFF20]  }
0x1c2: {  	v19 =	vld [tilespmem:s15+$0xFFFFFF30]  }
0x1c3: {  	v20 =	vld [tilespmem:s15+$0xFFFFFF40]  }
0x1c4: {  	s14 =	sadd.s32 $0x8, s14;
	v21 =	vld [tilespmem:s15+$0xFFFFFF50]  }
0x1c5: {  	p1 =	slt.u32 s14, $0x59;
	v22 =	vld [tilespmem:s15+$0xFFFFFF80]  }
0x1c6: {  	v23 =	vld [tilespmem:s15+$0xFFFFFF90]  }
0x1c7: {  	v24 =	vld [tilespmem:s15+$0xFFFFFFC0]  }
0x1c8: {  	v7 =	vadd.f32 v18, v7;
	v10 =	vadd.f32 v19, v10;
	v18 =	vld [tilespmem:s15+$0xFFFFFFD0]  }
0x1c9: {  	v4 =	vadd.f32 v20, v4;
	v6 =	vadd.f32 v21, v6;
	v19 =	vld [tilespmem:s15+$0x0]  }
0x1ca: {  	v7 =	vadd.f32 v16, v7;
	v10 =	vadd.f32 v17, v10;
	v16 =	vld [tilespmem:s15+$0x10]  }
0x1cb: {  	v4 =	vadd.f32 v22, v4;
	v6 =	vadd.f32 v23, v6;
	v17 =	vld [tilespmem:s15+$0x40]  }
0x1cc: {  	v7 =	vadd.f32 v13, v7;
	v10 =	vadd.f32 v15, v10;
	v13 =	vld [tilespmem:s15+$0x50]  }
0x1cd: {  	v4 =	vadd.f32 v24, v4;
	v15 =	vadd.f32 v18, v6;
	v6 =	vld [tilespmem:s15+$0x80]  }
.Ltmp5:
0x1ce: {  	v18 =	vadd.f32 v9, v7;
	v10 =	vadd.f32 v12, v10;
	v9 =	vld [tilespmem:s15+$0x90];
	(pc) =	sbr.rel @p1 .LBB2_13-.Ltmp5, $4  }
0x1cf: {  	v4 =	vadd.f32 v19, v4;
	v15 =	vadd.f32 v16, v15;
	v7 =	vld [tilespmem:s15+$0xC0]  }
0x1d0: {  	v3 =	vadd.f32 v3, v18;
	v16 =	vadd.f32 v8, v10;
	v10 =	vld [tilespmem:s15+$0xD0]  }
0x1d1: {  	v12 =	vadd.f32 v17, v4;
	v13 =	vadd.f32 v13, v15;
	v8 =	vld [tilespmem:s15+$0x100]  }
0x1d2: {  	v14 =	vadd.f32 v14, v3;
	v15 =	vadd.f32 v11, v16;
	v11 =	vld [tilespmem:s15+$0x110];
	s15 =	sadd.s32 $0x200, s15  }
0x1d3: {  	v16 =	vld [tilespmem:$0xE040]  }
0x1d4: {  	v17 =	vld [tilespmem:$0xE050]  }
0x1d5: {  	v18 =	vld [tilespmem:$0xE060]  }
0x1d6: {  	v19 =	vld [tilespmem:$0xE070]  }
0x1d7: {  	v20 =	vld [tilespmem:$0xE080]  }
0x1d8: {  	v21 =	vld [tilespmem:$0xE090]  }
0x1d9: {  	v22 =	vld [tilespmem:$0xE0A0]  }
0x1da: {  	v23 =	vld [tilespmem:$0xE0B0]  }
0x1db: {  	v24 =	vld [tilespmem:$0xE0C0]  }
0x1dc: {  	v25 =	vld [tilespmem:$0xE0D0]  }
0x1dd: {  	v26 =	vld [tilespmem:$0xE0E0]  }
0x1de: {  	v27 =	vld [tilespmem:$0xE0F0]  }
0x1df: {  	v28 =	vld [tilespmem:$0xE100]  }
0x1e0: {  	v29 =	vld [tilespmem:$0xE110]  }
0x1e1: {  	v30 =	vld [tilespmem:$0xE120]  }
0x1e2: {  	v31 =	vld [tilespmem:$0xE130]  }
0x1e3: {  	v32 =	vld [tilespmem:$0xE140]  }
0x1e4: {  	v33 =	vld [tilespmem:$0xE150]  }
0x1e5: {  	v34 =	vld [tilespmem:$0xE160]  }
0x1e6: {  	v35 =	vld [tilespmem:$0xE170]  }
0x1e7: {  	v36 =	vld [tilespmem:$0xE180]  }
0x1e8: {  	v37 =	vld [tilespmem:$0xE190]  }
0x1e9: {  	v38 =	vld [tilespmem:$0xE1A0]  }
0x1ea: {  	v39 =	vld [tilespmem:$0xE1B0]  }
0x1eb: {  	v40 =	vld [tilespmem:$0xE1C0]  }
0x1ec: {  	v41 =	vld [tilespmem:$0xE1D0]  }
0x1ed: {  	v42 =	vld [tilespmem:$0xE1E0];
	s14 =	sadd.s32 @!p0 $0x4B0, s12;
	s15 =	simm.s32 @!p0 $0x68;
	s16 =	simm.s32 @!p0 $0xC800  }
0x1ee: {  	v43 =	vld [tilespmem:$0xE1F0];
	[tilespmem:s16], [sflag:$0x5] =	stream.indirect.gather @!p0 [hbm4b:s3+s15], $0x40, s14, s15, $0xb8  }
0x1ef: {  	_ =	swait.ge [sflag:s30], $0x1800  }
0x1f0: {  	[sflag:s30] =	ssyncset.done $0x0  }
0x1f1: {  	s16 =	simm.s32 $0xE300;
	[sflag:s30] =	ssyncadd.s32 $0xFFFFE800  }
0x1f2: {  	v3 =	vld [tilespmem:s16+$0xC0]  }
0x1f3: {  	v4 =	vld [tilespmem:s16+$0xD0]  }
0x1f4: {  	v12 =	vadd.f32 v6, v12;
	v9 =	vadd.f32 v9, v13;
	v6 =	vld [tilespmem:s16+$0x80]  }
0x1f5: {  	v13 =	vadd.f32 v2, v14;
	v5 =	vadd.f32 v5, v15;
	v2 =	vld [tilespmem:s16+$0x90]  }
0x1f6: {  	v7 =	vadd.f32 v7, v12;
	v9 =	vadd.f32 v10, v9;
	v12 =	vld [tilespmem:s16+$0x40]  }
0x1f7: {  	v0 =	vadd.f32 v0, v13;
	v1 =	vadd.f32 v1, v5;
	v14 =	vld [tilespmem:s16+$0x50]  }
0x1f8: {  	v5 =	vadd.f32 v8, v7;
	v7 =	vadd.f32 v11, v9;
	v8 =	vld [tilespmem:s16+$0x0]  }
0x1f9: {  	v0 =	vadd.f32 v16, v0;
	v1 =	vadd.f32 v17, v1;
	v9 =	vld [tilespmem:s16+$0x10]  }
0x1fa: {  	v10 =	vld [tilespmem:s16+$0xFFFFFFC0];
	v5 =	vadd.f32 v18, v5;
	v7 =	vadd.f32 v19, v7  }
0x1fb: {  	v11 =	vld [tilespmem:s16+$0xFFFFFFD0];
	v0 =	vadd.f32 v20, v0;
	v1 =	vadd.f32 v21, v1  }
0x1fc: {  	v13 =	vld [tilespmem:s16+$0xFFFFFF80];
	v5 =	vadd.f32 v22, v5;
	v7 =	vadd.f32 v23, v7  }
0x1fd: {  	v15 =	vld [tilespmem:s16+$0xFFFFFF90];
	v0 =	vadd.f32 v24, v0;
	v1 =	vadd.f32 v25, v1  }
0x1fe: {  	v49 =	vld [tilespmem:s16+$0xFFFFFF40];
	v5 =	vadd.f32 v26, v5;
	v7 =	vadd.f32 v27, v7  }
0x1ff: {  	v50 =	vld [tilespmem:s16+$0xFFFFFF50];
	v0 =	vadd.f32 v28, v0;
	v1 =	vadd.f32 v29, v1  }
0x200: {  	v51 =	vld [tilespmem:s16+$0xFFFFFF00];
	v5 =	vadd.f32 v30, v5;
	v7 =	vadd.f32 v31, v7  }
0x201: {  	v52 =	vld [tilespmem:s16+$0xFFFFFF10];
	v0 =	vadd.f32 v32, v0;
	v1 =	vadd.f32 v33, v1  }
0x202: {  	v53 =	vld [tilespmem:s16+$0xFFFFFF20];
	v5 =	vadd.f32 v34, v5;
	v7 =	vadd.f32 v35, v7  }
0x203: {  	v54 =	vld [tilespmem:s16+$0xFFFFFF30];
	v0 =	vadd.f32 v36, v0;
	v1 =	vadd.f32 v37, v1  }
0x204: {  	v55 =	vld [tilespmem:s16+$0xFFFFFF60];
	v5 =	vadd.f32 v38, v5;
	v7 =	vadd.f32 v39, v7  }
0x205: {  	v56 =	vld [tilespmem:s16+$0xFFFFFF70];
	v0 =	vadd.f32 v40, v0;
	v1 =	vadd.f32 v41, v1  }
0x206: {  	v57 =	vld [tilespmem:s16+$0xFFFFFFA0];
	v5 =	vadd.f32 v42, v5;
	v7 =	vadd.f32 v43, v7  }
0x207: {  	v58 =	vld [tilespmem:s16+$0xFFFFFFB0];
	v0 =	vadd.f32 v51, v0;
	v1 =	vadd.f32 v52, v1  }
0x208: {  	v59 =	vld [tilespmem:s16+$0xFFFFFFE0];
	v5 =	vadd.f32 v53, v5;
	v7 =	vadd.f32 v54, v7  }
0x209: {  	v60 =	vld [tilespmem:s16+$0xFFFFFFF0];
	v0 =	vadd.f32 v49, v0;
	v1 =	vadd.f32 v50, v1  }
0x20a: {  	v61 =	vld [tilespmem:s16+$0x20];
	v5 =	vadd.f32 v55, v5;
	v7 =	vadd.f32 v56, v7  }
0x20b: {  	v13 =	vadd.f32 v13, v0;
	v1 =	vadd.f32 v15, v1;
	v15 =	vld [tilespmem:s16+$0x30]  }
0x20c: {  	v0 =	vld [tilespmem:s16+$0x60];
	v62 =	vadd.f32 v57, v5;
	v7 =	vadd.f32 v58, v7  }
0x20d: {  	v5 =	vld [tilespmem:s16+$0x70];
	v10 =	vadd.f32 v10, v13;
	v11 =	vadd.f32 v11, v1  }
0x20e: {  	v1 =	vld [tilespmem:s16+$0xA0];
	v13 =	vadd.f32 v59, v62;
	v7 =	vadd.f32 v60, v7  }
0x20f: {  	v63 =	vadd.f32 v8, v10;
	v9 =	vadd.f32 v9, v11;
	v8 =	vld [tilespmem:s16+$0xB0]  }
0x210: {  	v11 =	vadd.f32 v61, v13;
	v10 =	vadd.f32 v15, v7;
	v7 =	vld [tilespmem:s16+$0xE0]  }
0x211: {  	s14 =	simm.s32 $0x0;
	s15 =	simm.s32 $0xE500;
	v13 =	vadd.f32 v12, v63;
	v12 =	vadd.f32 v14, v9;
	v9 =	vld [tilespmem:s16+$0xF0]  }
.LBB2_15:
0x212: {  	v14 =	vld [tilespmem:s15+$0xC0];
	v0 =	vadd.f32 v0, v11;
	v5 =	vadd.f32 v5, v10  }
0x213: {  	v10 =	vld [tilespmem:s15+$0xD0];
	v11 =	vadd.f32 v6, v13;
	v12 =	vadd.f32 v2, v12  }
0x214: {  	v6 =	vld [tilespmem:s15+$0x80];
	v0 =	vadd.f32 v1, v0;
	v1 =	vadd.f32 v8, v5  }
0x215: {  	v2 =	vld [tilespmem:s15+$0x90];
	v5 =	vadd.f32 v3, v11;
	v8 =	vadd.f32 v4, v12  }
0x216: {  	v12 =	vld [tilespmem:s15+$0x40];
	v0 =	vadd.f32 v7, v0;
	v1 =	vadd.f32 v9, v1  }
0x217: {  	v9 =	vld [tilespmem:s15+$0x50];
	v3 =	vmov v14  }
0x218: {  	v7 =	vld [tilespmem:s15+$0x0];
	v4 =	vmov v10  }
0x219: {  	v10 =	vld [tilespmem:s15+$0x10]  }
0x21a: {  	v11 =	vld [tilespmem:s15+$0xFFFFFFC0]  }
0x21b: {  	v13 =	vld [tilespmem:s15+$0xFFFFFFD0]  }
0x21c: {  	v14 =	vld [tilespmem:s15+$0xFFFFFF80]  }
0x21d: {  	v15 =	vld [tilespmem:s15+$0xFFFFFF90]  }
0x21e: {  	v16 =	vld [tilespmem:s15+$0xFFFFFF40]  }
0x21f: {  	v17 =	vld [tilespmem:s15+$0xFFFFFF50]  }
0x220: {  	v18 =	vld [tilespmem:s15+$0xFFFFFF00]  }
0x221: {  	v19 =	vld [tilespmem:s15+$0xFFFFFF10]  }
0x222: {  	v20 =	vld [tilespmem:s15+$0xFFFFFF20]  }
0x223: {  	s14 =	sadd.s32 $0x8, s14;
	v21 =	vld [tilespmem:s15+$0xFFFFFF30]  }
0x224: {  	p1 =	slt.u32 s14, $0x58;
	v22 =	vld [tilespmem:s15+$0xFFFFFF60]  }
0x225: {  	v23 =	vld [tilespmem:s15+$0xFFFFFF70]  }
0x226: {  	v24 =	vld [tilespmem:s15+$0xFFFFFFA0]  }
0x227: {  	v5 =	vadd.f32 v18, v5;
	v8 =	vadd.f32 v19, v8;
	v18 =	vld [tilespmem:s15+$0xFFFFFFB0]  }
0x228: {  	v0 =	vadd.f32 v20, v0;
	v1 =	vadd.f32 v21, v1;
	v19 =	vld [tilespmem:s15+$0xFFFFFFE0]  }
0x229: {  	v5 =	vadd.f32 v16, v5;
	v8 =	vadd.f32 v17, v8;
	v16 =	vld [tilespmem:s15+$0xFFFFFFF0]  }
0x22a: {  	v0 =	vadd.f32 v22, v0;
	v1 =	vadd.f32 v23, v1;
	v17 =	vld [tilespmem:s15+$0x20]  }
0x22b: {  	v5 =	vadd.f32 v14, v5;
	v8 =	vadd.f32 v15, v8;
	v14 =	vld [tilespmem:s15+$0x30]  }
0x22c: {  	v15 =	vadd.f32 v24, v0;
	v1 =	vadd.f32 v18, v1;
	v0 =	vld [tilespmem:s15+$0x60]  }
.Ltmp6:
0x22d: {  	v11 =	vadd.f32 v11, v5;
	v8 =	vadd.f32 v13, v8;
	v5 =	vld [tilespmem:s15+$0x70];
	(pc) =	sbr.rel @p1 .LBB2_15-.Ltmp6, $4  }
0x22e: {  	v13 =	vadd.f32 v19, v15;
	v15 =	vadd.f32 v16, v1;
	v1 =	vld [tilespmem:s15+$0xA0]  }
0x22f: {  	v16 =	vadd.f32 v7, v11;
	v18 =	vadd.f32 v10, v8;
	v8 =	vld [tilespmem:s15+$0xB0]  }
0x230: {  	v11 =	vadd.f32 v17, v13;
	v10 =	vadd.f32 v14, v15;
	v7 =	vld [tilespmem:s15+$0xE0]  }
0x231: {  	v13 =	vadd.f32 v12, v16;
	v12 =	vadd.f32 v9, v18;
	v9 =	vld [tilespmem:s15+$0xF0];
	s15 =	sadd.s32 $0x200, s15  }
0x232: {  	_ = 	snop  }
0x233: {  	v0 =	vadd.f32 v0, v11;
	v6 =	vadd.f32 v6, v13  }
0x234: {  	v5 =	vadd.f32 v5, v10;
	v2 =	vadd.f32 v2, v12  }
0x235: {  	v0 =	vadd.f32 v1, v0;
	v1 =	vadd.f32 v3, v6  }
0x236: {  	v3 =	vadd.f32 v8, v5;
	v2 =	vadd.f32 v4, v2  }
0x237: {  	s14 =	sadd.s32 @!p0 $0x518, s12;
	s15 =	simm.s32 @!p0 $0x60;
	s16 =	simm.s32 @!p0 $0xE200;
	v0 =	vadd.f32 v7, v0;
	v1 =	vmul.f32 $4.999999890e-03, v1  }
0x238: {  	[tilespmem:s16], [sflag:$0x6] =	stream.indirect.gather @!p0 [hbm4b:s3+s15], $0x40, s14, s15, $0xb8;
	v3 =	vadd.f32 v9, v3;
	v2 =	vmul.f32 $4.999999890e-03, v2;
	[tilespmem:$0x14C00] =	vst v63  }
0x239: {  	v0 =	vmul.f32 $4.999999890e-03, v0;
	[tilespmem:s13+$0x12C80] =	vst v1  }
0x23a: {  	[tilespmem:s13+$0x12C90] =	vst v2;
	v1 =	vmul.f32 $4.999999890e-03, v3  }
0x23b: {  	[tilespmem:s13+$0x12CA0] =	vst v0  }
0x23c: {  	[tilespmem:s13+$0x12CB0] =	vst v1  }
0x23d: {  	_ =	swait.ge [sflag:s31], $0x1A00  }
0x23e: {  	[sflag:s31] =	ssyncset.done $0x0  }
0x23f: {  	[sflag:s31] =	ssyncadd.s32 $0xFFFFE600  }
0x240: {  	v3 =	vld [tilespmem:$0xFA00]  }
0x241: {  	v4 =	vld [tilespmem:$0xFA10]  }
0x242: {  	v6 =	vld [tilespmem:$0xFA20]  }
0x243: {  	s16 =	simm.s32 $0xFB20;
	v7 =	vld [tilespmem:$0xFA30]  }
0x244: {  	v0 =	vld [tilespmem:s16+$0xE0]  }
0x245: {  	v1 =	vld [tilespmem:s16+$0xF0]  }
0x246: {  	v2 =	vld [tilespmem:s16+$0xA0]  }
0x247: {  	v5 =	vld [tilespmem:s16+$0xB0]  }
0x248: {  	v11 =	vld [tilespmem:s16+$0x60]  }
0x249: {  	v15 =	vld [tilespmem:s16+$0x70]  }
0x24a: {  	v8 =	vld [tilespmem:s16+$0x20]  }
0x24b: {  	v10 =	vld [tilespmem:s16+$0x30]  }
0x24c: {  	v9 =	vld [tilespmem:s16+$0xFFFFFFE0]  }
0x24d: {  	v12 =	vld [tilespmem:s16+$0xFFFFFFF0]  }
0x24e: {  	v13 =	vld [tilespmem:s16+$0xFFFFFFA0]  }
0x24f: {  	v14 =	vld [tilespmem:s16+$0xFFFFFFB0]  }
0x250: {  	v16 =	vld [tilespmem:s16+$0xFFFFFF60]  }
0x251: {  	v17 =	vld [tilespmem:s16+$0xFFFFFF70]  }
0x252: {  	v18 =	vld [tilespmem:s16+$0xFFFFFF20]  }
0x253: {  	v19 =	vld [tilespmem:s16+$0xFFFFFF30]  }
0x254: {  	v20 =	vld [tilespmem:s16+$0xFFFFFF40]  }
0x255: {  	v21 =	vld [tilespmem:s16+$0xFFFFFF50]  }
0x256: {  	v22 =	vld [tilespmem:s16+$0xFFFFFF80]  }
0x257: {  	v23 =	vld [tilespmem:s16+$0xFFFFFF90]  }
0x258: {  	v24 =	vld [tilespmem:s16+$0xFFFFFFC0]  }
0x259: {  	v62 =	vld [tilespmem:s16+$0xFFFFFFD0];
	v3 =	vadd.f32 v18, v3;
	v4 =	vadd.f32 v19, v4  }
0x25a: {  	v63 =	vld [tilespmem:s16+$0x0];
	v6 =	vadd.f32 v20, v6;
	v7 =	vadd.f32 v21, v7  }
0x25b: {  	v3 =	vadd.f32 v16, v3;
	v4 =	vadd.f32 v17, v4;
	v16 =	vld [tilespmem:s16+$0x10]  }
0x25c: {  	v6 =	vadd.f32 v22, v6;
	v7 =	vadd.f32 v23, v7;
	v17 =	vld [tilespmem:s16+$0x40]  }
0x25d: {  	v3 =	vadd.f32 v13, v3;
	v4 =	vadd.f32 v14, v4;
	v13 =	vld [tilespmem:s16+$0x50]  }
0x25e: {  	v14 =	vadd.f32 v24, v6;
	v7 =	vadd.f32 v62, v7;
	v6 =	vld [tilespmem:s16+$0x80]  }
0x25f: {  	v3 =	vadd.f32 v9, v3;
	v4 =	vadd.f32 v12, v4;
	v9 =	vld [tilespmem:s16+$0x90]  }
0x260: {  	v12 =	vadd.f32 v63, v14;
	v14 =	vadd.f32 v16, v7;
	v7 =	vld [tilespmem:s16+$0xC0]  }
0x261: {  	v3 =	vadd.f32 v8, v3;
	v4 =	vadd.f32 v10, v4;
	v10 =	vld [tilespmem:s16+$0xD0]  }
0x262: {  	v12 =	vadd.f32 v17, v12;
	v8 =	vld [tilespmem:s16+$0x100];
	v13 =	vadd.f32 v13, v14  }
0x263: {  	s14 =	simm.s32 $0x1;
	s15 =	simm.s32 $0xFD20;
	v14 =	vadd.f32 v11, v3;
	v15 =	vadd.f32 v15, v4;
	v11 =	vld [tilespmem:s16+$0x110]  }
.LBB2_17:
0x264: {  	v3 =	vld [tilespmem:s15+$0xE0];
	v4 =	vadd.f32 v6, v12;
	v6 =	vadd.f32 v9, v13  }
0x265: {  	v9 =	vld [tilespmem:s15+$0xF0];
	v12 =	vadd.f32 v2, v14;
	v13 =	vadd.f32 v5, v15  }
0x266: {  	v2 =	vld [tilespmem:s15+$0xA0];
	v4 =	vadd.f32 v7, v4;
	v6 =	vadd.f32 v10, v6  }
0x267: {  	v5 =	vld [tilespmem:s15+$0xB0];
	v7 =	vadd.f32 v0, v12;
	v10 =	vadd.f32 v1, v13  }
0x268: {  	v14 =	vld [tilespmem:s15+$0x60];
	v4 =	vadd.f32 v8, v4;
	v6 =	vadd.f32 v11, v6  }
0x269: {  	v11 =	vld [tilespmem:s15+$0x70];
	v0 =	vmov v3  }
0x26a: {  	v3 =	vld [tilespmem:s15+$0x20];
	v1 =	vmov v9  }
0x26b: {  	v8 =	vld [tilespmem:s15+$0x30]  }
0x26c: {  	v9 =	vld [tilespmem:s15+$0xFFFFFFE0]  }
0x26d: {  	v12 =	vld [tilespmem:s15+$0xFFFFFFF0]  }
0x26e: {  	v13 =	vld [tilespmem:s15+$0xFFFFFFA0]  }
0x26f: {  	v15 =	vld [tilespmem:s15+$0xFFFFFFB0]  }
0x270: {  	v16 =	vld [tilespmem:s15+$0xFFFFFF60]  }
0x271: {  	v17 =	vld [tilespmem:s15+$0xFFFFFF70]  }
0x272: {  	v18 =	vld [tilespmem:s15+$0xFFFFFF20]  }
0x273: {  	v19 =	vld [tilespmem:s15+$0xFFFFFF30]  }
0x274: {  	v20 =	vld [tilespmem:s15+$0xFFFFFF40]  }
0x275: {  	s14 =	sadd.s32 $0x8, s14;
	v21 =	vld [tilespmem:s15+$0xFFFFFF50]  }
0x276: {  	p1 =	slt.u32 s14, $0x59;
	v22 =	vld [tilespmem:s15+$0xFFFFFF80]  }
0x277: {  	v23 =	vld [tilespmem:s15+$0xFFFFFF90]  }
0x278: {  	v24 =	vld [tilespmem:s15+$0xFFFFFFC0]  }
0x279: {  	v7 =	vadd.f32 v18, v7;
	v10 =	vadd.f32 v19, v10;
	v18 =	vld [tilespmem:s15+$0xFFFFFFD0]  }
0x27a: {  	v4 =	vadd.f32 v20, v4;
	v6 =	vadd.f32 v21, v6;
	v19 =	vld [tilespmem:s15+$0x0]  }
0x27b: {  	v7 =	vadd.f32 v16, v7;
	v10 =	vadd.f32 v17, v10;
	v16 =	vld [tilespmem:s15+$0x10]  }
0x27c: {  	v4 =	vadd.f32 v22, v4;
	v6 =	vadd.f32 v23, v6;
	v17 =	vld [tilespmem:s15+$0x40]  }
0x27d: {  	v7 =	vadd.f32 v13, v7;
	v10 =	vadd.f32 v15, v10;
	v13 =	vld [tilespmem:s15+$0x50]  }
0x27e: {  	v4 =	vadd.f32 v24, v4;
	v15 =	vadd.f32 v18, v6;
	v6 =	vld [tilespmem:s15+$0x80]  }
.Ltmp7:
0x27f: {  	v18 =	vadd.f32 v9, v7;
	v10 =	vadd.f32 v12, v10;
	v9 =	vld [tilespmem:s15+$0x90];
	(pc) =	sbr.rel @p1 .LBB2_17-.Ltmp7, $4  }
0x280: {  	v4 =	vadd.f32 v19, v4;
	v15 =	vadd.f32 v16, v15;
	v7 =	vld [tilespmem:s15+$0xC0]  }
0x281: {  	v3 =	vadd.f32 v3, v18;
	v16 =	vadd.f32 v8, v10;
	v10 =	vld [tilespmem:s15+$0xD0]  }
0x282: {  	v12 =	vadd.f32 v17, v4;
	v13 =	vadd.f32 v13, v15;
	v8 =	vld [tilespmem:s15+$0x100]  }
0x283: {  	v14 =	vadd.f32 v14, v3;
	v15 =	vadd.f32 v11, v16;
	v11 =	vld [tilespmem:s15+$0x110];
	s15 =	sadd.s32 $0x200, s15  }
0x284: {  	v16 =	vld [tilespmem:$0x11240]  }
0x285: {  	v17 =	vld [tilespmem:$0x11250]  }
0x286: {  	v18 =	vld [tilespmem:$0x11260]  }
0x287: {  	v19 =	vld [tilespmem:$0x11270]  }
0x288: {  	v20 =	vld [tilespmem:$0x11280]  }
0x289: {  	v21 =	vld [tilespmem:$0x11290]  }
0x28a: {  	v22 =	vld [tilespmem:$0x112A0]  }
0x28b: {  	v23 =	vld [tilespmem:$0x112B0]  }
0x28c: {  	v24 =	vld [tilespmem:$0x112C0]  }
0x28d: {  	v25 =	vld [tilespmem:$0x112D0]  }
0x28e: {  	v26 =	vld [tilespmem:$0x112E0]  }
0x28f: {  	v27 =	vld [tilespmem:$0x112F0]  }
0x290: {  	v28 =	vld [tilespmem:$0x11300]  }
0x291: {  	v29 =	vld [tilespmem:$0x11310]  }
0x292: {  	v30 =	vld [tilespmem:$0x11320]  }
0x293: {  	v31 =	vld [tilespmem:$0x11330]  }
0x294: {  	v32 =	vld [tilespmem:$0x11340]  }
0x295: {  	v33 =	vld [tilespmem:$0x11350]  }
0x296: {  	v34 =	vld [tilespmem:$0x11360]  }
0x297: {  	v35 =	vld [tilespmem:$0x11370]  }
0x298: {  	v36 =	vld [tilespmem:$0x11380]  }
0x299: {  	v37 =	vld [tilespmem:$0x11390]  }
0x29a: {  	v38 =	vld [tilespmem:$0x113A0]  }
0x29b: {  	v39 =	vld [tilespmem:$0x113B0]  }
0x29c: {  	v40 =	vld [tilespmem:$0x113C0]  }
0x29d: {  	v41 =	vld [tilespmem:$0x113D0]  }
0x29e: {  	v42 =	vld [tilespmem:$0x113E0];
	s14 =	sadd.s32 @!p0 $0x578, s12;
	s15 =	simm.s32 @!p0 $0x68;
	s16 =	simm.s32 @!p0 $0xFA00  }
0x29f: {  	v43 =	vld [tilespmem:$0x113F0];
	[tilespmem:s16], [sflag:$0x7] =	stream.indirect.gather @!p0 [hbm4b:s3+s15], $0x40, s14, s15, $0xb8  }
0x2a0: {  	_ =	swait.ge [sflag:s1], $0x1800  }
0x2a1: {  	[sflag:s1] =	ssyncset.done $0x0  }
0x2a2: {  	s16 =	simm.s32 $0x11500;
	[sflag:s1] =	ssyncadd.s32 $0xFFFFE800  }
0x2a3: {  	v3 =	vld [tilespmem:s16+$0xC0]  }
0x2a4: {  	v4 =	vld [tilespmem:s16+$0xD0]  }
0x2a5: {  	v12 =	vadd.f32 v6, v12;
	v9 =	vadd.f32 v9, v13;
	v6 =	vld [tilespmem:s16+$0x80]  }
0x2a6: {  	v13 =	vadd.f32 v2, v14;
	v5 =	vadd.f32 v5, v15;
	v2 =	vld [tilespmem:s16+$0x90]  }
0x2a7: {  	v7 =	vadd.f32 v7, v12;
	v9 =	vadd.f32 v10, v9;
	v12 =	vld [tilespmem:s16+$0x40]  }
0x2a8: {  	v0 =	vadd.f32 v0, v13;
	v1 =	vadd.f32 v1, v5;
	v14 =	vld [tilespmem:s16+$0x50]  }
0x2a9: {  	v5 =	vadd.f32 v8, v7;
	v7 =	vadd.f32 v11, v9;
	v8 =	vld [tilespmem:s16+$0x0]  }
0x2aa: {  	v0 =	vadd.f32 v16, v0;
	v1 =	vadd.f32 v17, v1;
	v9 =	vld [tilespmem:s16+$0x10]  }
0x2ab: {  	v10 =	vld [tilespmem:s16+$0xFFFFFFC0];
	v5 =	vadd.f32 v18, v5;
	v7 =	vadd.f32 v19, v7  }
0x2ac: {  	v11 =	vld [tilespmem:s16+$0xFFFFFFD0];
	v0 =	vadd.f32 v20, v0;
	v1 =	vadd.f32 v21, v1  }
0x2ad: {  	v13 =	vld [tilespmem:s16+$0xFFFFFF80];
	v5 =	vadd.f32 v22, v5;
	v7 =	vadd.f32 v23, v7  }
0x2ae: {  	v15 =	vld [tilespmem:s16+$0xFFFFFF90];
	v0 =	vadd.f32 v24, v0;
	v1 =	vadd.f32 v25, v1  }
0x2af: {  	v49 =	vld [tilespmem:s16+$0xFFFFFF40];
	v5 =	vadd.f32 v26, v5;
	v7 =	vadd.f32 v27, v7  }
0x2b0: {  	v50 =	vld [tilespmem:s16+$0xFFFFFF50];
	v0 =	vadd.f32 v28, v0;
	v1 =	vadd.f32 v29, v1  }
0x2b1: {  	v51 =	vld [tilespmem:s16+$0xFFFFFF00];
	v5 =	vadd.f32 v30, v5;
	v7 =	vadd.f32 v31, v7  }
0x2b2: {  	v52 =	vld [tilespmem:s16+$0xFFFFFF10];
	v0 =	vadd.f32 v32, v0;
	v1 =	vadd.f32 v33, v1  }
0x2b3: {  	v53 =	vld [tilespmem:s16+$0xFFFFFF20];
	v5 =	vadd.f32 v34, v5;
	v7 =	vadd.f32 v35, v7  }
0x2b4: {  	v54 =	vld [tilespmem:s16+$0xFFFFFF30];
	v0 =	vadd.f32 v36, v0;
	v1 =	vadd.f32 v37, v1  }
0x2b5: {  	v55 =	vld [tilespmem:s16+$0xFFFFFF60];
	v5 =	vadd.f32 v38, v5;
	v7 =	vadd.f32 v39, v7  }
0x2b6: {  	v56 =	vld [tilespmem:s16+$0xFFFFFF70];
	v0 =	vadd.f32 v40, v0;
	v1 =	vadd.f32 v41, v1  }
0x2b7: {  	v57 =	vld [tilespmem:s16+$0xFFFFFFA0];
	v5 =	vadd.f32 v42, v5;
	v7 =	vadd.f32 v43, v7  }
0x2b8: {  	v58 =	vld [tilespmem:s16+$0xFFFFFFB0];
	v0 =	vadd.f32 v51, v0;
	v1 =	vadd.f32 v52, v1  }
0x2b9: {  	v59 =	vld [tilespmem:s16+$0xFFFFFFE0];
	v5 =	vadd.f32 v53, v5;
	v7 =	vadd.f32 v54, v7  }
0x2ba: {  	v60 =	vld [tilespmem:s16+$0xFFFFFFF0];
	v0 =	vadd.f32 v49, v0;
	v1 =	vadd.f32 v50, v1  }
0x2bb: {  	v61 =	vld [tilespmem:s16+$0x20];
	v5 =	vadd.f32 v55, v5;
	v7 =	vadd.f32 v56, v7  }
0x2bc: {  	v13 =	vadd.f32 v13, v0;
	v1 =	vadd.f32 v15, v1;
	v15 =	vld [tilespmem:s16+$0x30]  }
0x2bd: {  	v0 =	vld [tilespmem:s16+$0x60];
	v62 =	vadd.f32 v57, v5;
	v7 =	vadd.f32 v58, v7  }
0x2be: {  	v5 =	vld [tilespmem:s16+$0x70];
	v10 =	vadd.f32 v10, v13;
	v11 =	vadd.f32 v11, v1  }
0x2bf: {  	v1 =	vld [tilespmem:s16+$0xA0];
	v13 =	vadd.f32 v59, v62;
	v7 =	vadd.f32 v60, v7  }
0x2c0: {  	v63 =	vadd.f32 v8, v10;
	v9 =	vadd.f32 v9, v11;
	v8 =	vld [tilespmem:s16+$0xB0]  }
0x2c1: {  	v11 =	vadd.f32 v61, v13;
	v10 =	vadd.f32 v15, v7;
	v7 =	vld [tilespmem:s16+$0xE0]  }
0x2c2: {  	s14 =	simm.s32 $0x0;
	s15 =	simm.s32 $0x11700;
	v13 =	vadd.f32 v12, v63;
	v12 =	vadd.f32 v14, v9;
	v9 =	vld [tilespmem:s16+$0xF0]  }
.LBB2_19:
0x2c3: {  	v14 =	vld [tilespmem:s15+$0xC0];
	v0 =	vadd.f32 v0, v11;
	v5 =	vadd.f32 v5, v10  }
0x2c4: {  	v10 =	vld [tilespmem:s15+$0xD0];
	v11 =	vadd.f32 v6, v13;
	v12 =	vadd.f32 v2, v12  }
0x2c5: {  	v6 =	vld [tilespmem:s15+$0x80];
	v0 =	vadd.f32 v1, v0;
	v1 =	vadd.f32 v8, v5  }
0x2c6: {  	v2 =	vld [tilespmem:s15+$0x90];
	v5 =	vadd.f32 v3, v11;
	v8 =	vadd.f32 v4, v12  }
0x2c7: {  	v12 =	vld [tilespmem:s15+$0x40];
	v0 =	vadd.f32 v7, v0;
	v1 =	vadd.f32 v9, v1  }
0x2c8: {  	v9 =	vld [tilespmem:s15+$0x50];
	v3 =	vmov v14  }
0x2c9: {  	v7 =	vld [tilespmem:s15+$0x0];
	v4 =	vmov v10  }
0x2ca: {  	v10 =	vld [tilespmem:s15+$0x10]  }
0x2cb: {  	v11 =	vld [tilespmem:s15+$0xFFFFFFC0]  }
0x2cc: {  	v13 =	vld [tilespmem:s15+$0xFFFFFFD0]  }
0x2cd: {  	v14 =	vld [tilespmem:s15+$0xFFFFFF80]  }
0x2ce: {  	v15 =	vld [tilespmem:s15+$0xFFFFFF90]  }
0x2cf: {  	v16 =	vld [tilespmem:s15+$0xFFFFFF40]  }
0x2d0: {  	v17 =	vld [tilespmem:s15+$0xFFFFFF50]  }
0x2d1: {  	v18 =	vld [tilespmem:s15+$0xFFFFFF00]  }
0x2d2: {  	v19 =	vld [tilespmem:s15+$0xFFFFFF10]  }
0x2d3: {  	v20 =	vld [tilespmem:s15+$0xFFFFFF20]  }
0x2d4: {  	s14 =	sadd.s32 $0x8, s14;
	v21 =	vld [tilespmem:s15+$0xFFFFFF30]  }
0x2d5: {  	p1 =	slt.u32 s14, $0x58;
	v22 =	vld [tilespmem:s15+$0xFFFFFF60]  }
0x2d6: {  	v23 =	vld [tilespmem:s15+$0xFFFFFF70]  }
0x2d7: {  	v24 =	vld [tilespmem:s15+$0xFFFFFFA0]  }
0x2d8: {  	v5 =	vadd.f32 v18, v5;
	v8 =	vadd.f32 v19, v8;
	v18 =	vld [tilespmem:s15+$0xFFFFFFB0]  }
0x2d9: {  	v0 =	vadd.f32 v20, v0;
	v1 =	vadd.f32 v21, v1;
	v19 =	vld [tilespmem:s15+$0xFFFFFFE0]  }
0x2da: {  	v5 =	vadd.f32 v16, v5;
	v8 =	vadd.f32 v17, v8;
	v16 =	vld [tilespmem:s15+$0xFFFFFFF0]  }
0x2db: {  	v0 =	vadd.f32 v22, v0;
	v1 =	vadd.f32 v23, v1;
	v17 =	vld [tilespmem:s15+$0x20]  }
0x2dc: {  	v5 =	vadd.f32 v14, v5;
	v8 =	vadd.f32 v15, v8;
	v14 =	vld [tilespmem:s15+$0x30]  }
0x2dd: {  	v15 =	vadd.f32 v24, v0;
	v1 =	vadd.f32 v18, v1;
	v0 =	vld [tilespmem:s15+$0x60]  }
.Ltmp8:
0x2de: {  	v11 =	vadd.f32 v11, v5;
	v8 =	vadd.f32 v13, v8;
	v5 =	vld [tilespmem:s15+$0x70];
	(pc) =	sbr.rel @p1 .LBB2_19-.Ltmp8, $4  }
0x2df: {  	v13 =	vadd.f32 v19, v15;
	v15 =	vadd.f32 v16, v1;
	v1 =	vld [tilespmem:s15+$0xA0]  }
0x2e0: {  	v16 =	vadd.f32 v7, v11;
	v18 =	vadd.f32 v10, v8;
	v8 =	vld [tilespmem:s15+$0xB0]  }
0x2e1: {  	v11 =	vadd.f32 v17, v13;
	v10 =	vadd.f32 v14, v15;
	v7 =	vld [tilespmem:s15+$0xE0]  }
0x2e2: {  	v13 =	vadd.f32 v12, v16;
	v12 =	vadd.f32 v9, v18;
	v9 =	vld [tilespmem:s15+$0xF0];
	s15 =	sadd.s32 $0x200, s15  }
0x2e3: {  	_ = 	snop  }
0x2e4: {  	v0 =	vadd.f32 v0, v11;
	v6 =	vadd.f32 v6, v13  }
0x2e5: {  	v5 =	vadd.f32 v5, v10;
	s12 =	sadd.s32 @!p0 $0x5E0, s12;
	v2 =	vadd.f32 v2, v12  }
0x2e6: {  	s14 =	simm.s32 @!p0 $0x60;
	s15 =	simm.s32 @!p0 $0x11400;
	s11 =	sadd.s32 $0x1, s11;
	v0 =	vadd.f32 v1, v0;
	v61 =	vadd.f32 v3, v6  }
0x2e7: {  	[tilespmem:s15], [sflag:$0x8] =	stream.indirect.gather @!p0 [hbm4b:s3+s14], $0x40, s12, s14, $0xb8;
	v62 =	vadd.f32 v8, v5;
	v2 =	vadd.f32 v4, v2;
	[tilespmem:$0x14C00] =	vst v63  }
0x2e8: {  	p0 =	sne.s32 s11, $0x20;
	v0 =	vadd.f32 v7, v0;
	v1 =	vmul.f32 $4.999999890e-03, v61  }
.Ltmp9:
0x2e9: {  	v3 =	vadd.f32 v9, v62;
	v2 =	vmul.f32 $4.999999890e-03, v2;
	(pc) =	sbr.rel @p0 .LBB2_4-.Ltmp9, $4  }
0x2ea: {  	v0 =	vmul.f32 $4.999999890e-03, v0;
	[tilespmem:s13+$0x12CC0] =	vst v1  }
0x2eb: {  	v63 =	vmul.f32 $4.999999890e-03, v3;
	[tilespmem:s13+$0x12CD0] =	vst v2  }
0x2ec: {  	[tilespmem:s13+$0x12CE0] =	vst v0  }
0x2ed: {  	[tilespmem:s13+$0x12CF0] =	vst v63  }
0x2ee: {  	s9 =	sadd.s32 $0x1, s9  }
0x2ef: {  	p0 =	sne.s32 s9, s6  }
.Ltmp10:
0x2f0: {  	_ = 	snop;
	(pc) =	sbr.rel @p0 .LBB2_1-.Ltmp10, $4  }
0x2f1: {  	[hbm4b:s5+s2] =	stream.linear.scatter [tilespmem:s0], [sflag:$0x9], $0x2000, $0x38;
	[tilespmem:$0x14C00] =	vst v63  }
0x2f2: {  	_ =	swait.ge [sflag:s7], $0x2000  }
0x2f3: {  	[sflag:s7] =	ssyncset.done $0x0  }
0x2f4: {  	[sflag:s7] =	ssyncadd.s32 $0xFFFFE000  }
0x2f5: {  	_ =	sfence.sel $0x180000  }
0x2f6: {  	[bflag:$0x0] =	sbarrier.arrive $0xFFFF  }
0x2f7: {  	_ =	strace $0x9000004A  }
0x2f8: {  	s0 =	stileid.u32;
	[bflag:$0x2] =	sbarrier.arrive $0xFFFF  }
0x2f9: {  	p0 =	sne.s32 s0, $0x0;
	s0 =	rddreg [dreg:$0x1]  }
0x2fa: {  	s0 =	sadd.s32 @!p0 $0x100000, s0  }
0x2fb: {  	[sflag:s0] =	ssyncadd.tile.s32 @!p0 $0x1;
	_ =	shalt  }
.Lfunc_end2:
_tile_overlayer_lowered:
.L_overlay_start_2:
0x2fc: {  	(tag) =	ssettag $0x2  }
0x2fd: {  	s0 =	rddreg [dreg:$0x0];
	s2 =	stileid.u32  }
0x2fe: {  	s1 =	rddreg [dreg:$0x1];
	p0 =	sne.s32 s2, $0x0  }
0x2ff: {  	s3 =	rddreg [dreg:$0x2];
	[bflag:$0x3] =	sbarrier.arrive $0xFFFF;
	s2 =	simm.s32 @!p0 $0x1C09  }
0x300: {  	[timem:s3], [sflag:s2] =	dma.local @!p0 [hbm:s0], s1  }
0x301: {  	s0 =	simm.s32 @!p0 $0x9  }
0x302: {  	_ =	swait.ge @!p0 [sflag:s0], s1  }
0x303: {  	s1 =	ssub.s32 @!p0 $0x0, s1;
	[sflag:s0] =	ssyncset.done @!p0 $0x0  }
0x304: {  	[sflag:s0] =	ssyncadd.s32 @!p0 s1  }
0x305: {  	[bflag:$0x3] =	sbarrier.arrive $0xFFFF  }
0x306: {  	_ =	shalt  }

// kernel: sparse-core-data-format-call.cloned.1.call-start
scs
called_computation_lowered:
.L_overlay_start_0:
0x0: {  	s2 =	sld [smem:$0x3FD9]  }
0x1: {  	s3 =	sld [smem:$0x3FFE];
	_ =	sdelay $0x1  }
0x2: {  	s1 =	srdreg.scid  }
0x3: {  	s0 =	sand.u32 $0x1, s1  }
0x4: {  	s18 =	sshll.u32 s0, $0xA;
	s2 =	sadd.s32 s3, s2  }
0x5: {  	s2 =	sadd.s32 s2, s18  }
0x6: {  	[smem:$0x3FC2] =	sst s2  }
0x7: {  	_ = 	snop  }
0x8: {  	s2 =	sld [smem:$0x3FC8];
	(tm) =	ssettm $0x1  }
0x9: {  	s19 =	sld [smem:$0x3FFB];
	_ =	sdelay $0x3  }
0xa: {  	_ =	strace s19  }
0xb: {  	s3 =	sld [smem:$0x3FFC];
	_ =	sdelay $0x3  }
0xc: {  	_ =	strace s3  }
0xd: {  	s3 =	sld [smem:$0x3FFD];
	_ =	sdelay $0x3  }
0xe: {  	_ =	strace s3  }
0xf: {  	_ =	strace $0x8FFFFFFF  }
0x10: {  	s20 =	sld [smem:$0x3FDB];
	_ =	sdelay $0x1  }
0x11: {  	s4 =	simm.s32 $_scs_section_size  }
0x12: {  	s5 =	simm.s32 $_size__tile_overlayer_lowered;
	s6 =	simm.s32 $_tile_overlayer_lowered  }
0x13: {  	s23 =	simm.s32 $0x1BFF;
	s22 =	sshll.u32 s6, $0x1;
	s3 =	sadd.s32 s4, s20  }
0x14: {  	s7 =	simm.s32 $0x0;
	s21 =	sshll.u32 s5, $0x1;
	s5 =	sadd.s32 s22, s3  }
0x15: {  	[timem:s7], [sflag:s23] =	dma.local [hbm:s5], s21  }
0x16: {  	_ =	swait.ge [sflag:s23], s21  }
0x17: {  	s4 =	ssub.s32 $0x0, s21;
	[sflag:s23] =	ssyncset.done $0x0  }
0x18: {  	[sflag:s23] =	ssyncadd.s32 s4;
	_ =	sdelay $0x1  }
0x19: {  	s24 =	simm.s32 $0x1B8B  }
0x1a: {  	_ =	swait.ge [sflag:s24], $0x1  }
0x1b: {  	[sflag:s24] =	ssyncset.done $0x0  }
0x1c: {  	s26 =	simm.s32 $0x1B8E;
	s25 =	sld [smem:$0x3FFE];
	[sflag:s24] =	ssyncadd.s32 $0xFFFFFFFF  }
0x1d: {  	s27 =	simm.s32 $execute0_lowered;
	[smem:$0x3FD2] =	sst s26  }
0x1e: {  	s5 =	sshll.u32 s27, $0x1;
	_ =	strace $0x80000046;
	[dreg:$0x1] =	wrdreg $0xFFFFFFFF  }
0x1f: {  	s28 =	simm.s32 $_size_execute0_lowered;
	s3 =	sadd.s32 s3, s5;
	[dreg:$0x0] =	wrdreg $0x0  }
0x20: {  	s5 =	sshll.u32 s28, $0x1;
	[dreg:$0x2] =	wrdreg s3  }
0x21: {  	[dreg:$0x3] =	wrdreg s5  }
0x22: {  	[dreg:$0x4] =	wrdreg $0xC0  }
0x23: {  	_ =	task [dreg:s7], $0x5FFFF  }
0x24: {  	[dreg:$0x1] =	wrdreg $0xFFFFFFFF  }
0x25: {  	[dreg:$0x0] =	wrdreg $0x60  }
0x26: {  	[dreg:$0x2] =	wrdreg s2  }
0x27: {  	[dreg:$0x3] =	wrdreg s25  }
0x28: {  	[dreg:$0x4] =	wrdreg $0x9  }
0x29: {  	_ =	task.clear_ibuf [dreg:s7], $0x5FFFF;
	_ =	strace $0x90000046  }
0x2a: {  	s29 =	simm.s32 $0x9;
	_ =	strace $0x80000048  }
0x2b: {  	_ =	swait.ge [sflag:s29], $0x1  }
0x2c: {  	[sflag:s29] =	ssyncadd.s32 $0xFFFFFFFF  }
0x2d: {  	_ =	strace $0x90000048  }
0x2e: {  	_ =	sfence  }
0x2f: {  	s30 =	sld [smem:$0x0];
	_ =	sdelay $0x2  }
0x30: {  	s31 =	sshll.u32 s1, $0xD;
	s1 =	sshrl.u32 s1, $0x2  }
0x31: {  	s3 =	sand.u32 $0x4000, s31;
	s1 =	sadd.s32 s1, s30  }
0x32: {  	s0 =	sor.u32 s3, s0;
	s1 =	sshll.u32 s1, $0x11  }
0x33: {  	s0 =	sor.u32 s1, s0  }
0x34: {  	s0 =	sadd.s32 $0x8F2B, s0  }
0x35: {  	[sflag:s0] =	ssyncadd.remote.s32 $0x1  }
0x36: {  	_ =	sfence.sel $0xFFFF  }
0x37: {  	[dreg:$0x0] =	wrdreg $0xFFFFFFFF;
	(pc) =	sbr.abs _section_cstart, $3  }
0x38: {  	[dreg:$0x1] =	wrdreg $0xFFFFFFFF  }
0x39: {  	_ =	task.clear_ibuf [dreg:s7], $0x2FFFF;
	_ =	strace $0x9FFFFFFF  }
0x3a: {  	(tm) =	ssettm $0x7FFFFFFF  }
0x3b: {  	_ =	shalt  }
tec
execute0_lowered:
.L_overlay_start_1:
0x0: {  	(tag) =	ssettag $0x1  }
0x1: {  	s0 =	srdreg.scid;
	s2 =	rddreg [dreg:$0x0]  }
0x2: {  	s5 =	rddreg [dreg:$0x1];
	s1 =	stileid.u32  }
0x3: {  	s4 =	simm.s32 $0x1;
	s6 =	simm.s32 $0x2;
	s15 =	simm.s32 $0x0  }
0x4: {  	p0 =	por $0x0, $0x0;
	s8 =	simm.s32 $0x80;
	s0 =	sshll.u32 s0, $0x4  }
0x5: {  	s14 =	simm.s32 $0x0;
	s9 =	simm.s32 $0x0;
	s3 =	sand.u32 $0x10, s0  }
.Ltmp0:
0x6: {  	s10 =	simm.s32 $0x0;
	s3 =	sor.u32 s1, s3;
	(pc) =	sbr.rel .LBB1_1-.Ltmp0, $4  }
0x7: {  	s0 =	rddreg [dreg:$0x2];
	_ =	strace $0x80000047;
	s3 =	sshll.u32 s3, $0x7  }
0x8: {  	s12 =	simm.s32 $0x0;
	[sflag:s4] =	ssyncpa.u1 $0x0;
	s7 =	ssub.s32 $0xF4200, s3  }
0x9: {  	s13 =	simm.s32 $0x0;
	[sflag:s6] =	ssyncpa.u1 $0x0;
	s6 =	sshrl.u32 s7, $0xC  }
0xa: {  	s5 =	sadd.s32 $0x1200, s5;
	s11 =	smov.u32 s3;
	s7 =	sadd.s32 $0x2, s6  }
.LBB1_5:
0xb: {  	p1 =	slt.u32 s13, $0x2  }
0xc: {  	s17 =	smov.u32 s15;
	p2 =	sgt.s32 @!p1 s15, $0xF41C0;
	s16 =	sshra.s32 @!p1 s15, $0x1F  }
0xd: {  	p3 =	sgt.s32 @!p1 s14, $0x40;
	s18 =	sshra.s32 @!p1 s14, $0x1F;
	p2 =	por !p2, p1  }
0xe: {  	s15 =	sand.u32 @!p1 s16, s15;
	p3 =	por !p3, p1;
	s16 =	smov.u32 s14  }
0xf: {  	s14 =	sand.u32 @!p1 s18, s14;
	s17 =	simm.s32 @p2 $0xF41C0;
	s16 =	simm.s32 @p3 $0x40  }
0x10: {  	s15 =	ssub.s32 @!p1 s17, s15;
	s14 =	ssub.s32 @!p1 s16, s14  }
0x11: {  	s18 =	smov.u32 s12;
	s16 =	sadd.s32 @!p1 $0xFFF0BE40, s15;
	s17 =	sadd.s32 @!p1 $0xFFFFFFC0, s14  }
0x12: {  	s15 =	ssub.s32 @!p1 $0xF4240, s15;
	p2 =	sgt.s32 @!p1 s16, $0x7F;
	p3 =	sgt.s32 @!p1 s17, $0x3F  }
0x13: {  	s14 =	ssub.s32 @!p1 $0x80, s14;
	p2 =	por !p2, p1;
	p3 =	por !p3, p1  }
0x14: {  	s16 =	sadd.s32 $0x1000, s11;
	s15 =	simm.s32 @!p2 $0x0;
	s14 =	simm.s32 @!p3 $0x0  }
0x15: {  	p2 =	sgt.s32 s16, $0xF423F;
	s14 =	smul.u32 @!p1 s14, s15;
	s15 =	sadd.s32 $0x40, s12  }
0x16: {  	s18 =	smov.u32 @p2 s15  }
0x17: {  	s16 =	smov.u32 @p2 s3;
	p2 =	sgt.s32 s18, $0x3F  }
0x18: {  	s18 =	simm.s32 @p2 $0x0;
	p2 =	sne.s32 s13, s7  }
.Ltmp1:
0x19: {  	p0 =	por !p0, !p0;
	s17 =	simm.s32 @!p1 $0x2;
	(pc) =	sbr.rel @!p2 .LBB1_6-.Ltmp1, $4  }
0x1a: {  	s15 =	smov.u32 s9;
	s9 =	smov.u32 s11;
	s14 =	sand.u32 @!p1 $0x3FFFFFFF, s14  }
0x1b: {  	s11 =	smov.u32 s16;
	_ =	swait.ge @!p1 [sflag:s17], s14;
	s19 =	ssub.s32 @!p1 $0x0, s14  }
0x1c: {  	s14 =	smov.u32 s10;
	s13 =	sadd.s32 $0x1, s13;
	[sflag:s17] =	ssyncset.done @!p1 $0x0  }
0x1d: {  	s10 =	smov.u32 s12;
	s12 =	smov.u32 s18;
	[sflag:s17] =	ssyncadd.s32 @!p1 s19  }
.LBB1_1:
0x1e: {  	p1 =	sgt.u32 s13, s6  }
0x1f: {  	s16 =	sshrl.u32 @!p1 s12, $0x3  }
0x20: {  	s17 =	sshll.u32 @!p1 s11, $0x3;
	s16 =	smul.u32 @!p1 $0x7A1400, s16  }
0x21: {  	s18 =	sshll.u32 @!p1 s12, $0x7;
	s17 =	sand.u32 @!p1 $0xFFFFFC00, s17  }
0x22: {  	s16 =	sadd.s32 @!p1 s16, s17;
	s17 =	sand.u32 @!p1 $0x380, s18  }
0x23: {  	s18 =	sand.u32 @!p1 $0x7F, s11;
	s16 =	sor.u32 @!p1 s17, s16  }
0x24: {  	s17 =	sor.u32 @!p1 s18, s16  }
0x25: {  	s18 =	smulhi.u32 @!p1 $0x218D6287, s17;
	_ =	sdelay $0x1  }
0x26: {  	s16 =	smulhi.u32 @!p1 $0x218D6287, s16;
	s18 =	sshrl.u32 @!p1 s18, $0x11  }
0x27: {  	s18 =	smul.u32 @!p1 $0xF4280, s18  }
0x28: {  	s19 =	sxor.u32 @!p1 $0xFFFFFFFF, s13;
	s16 =	sshrl.u32 @!p1 s16, $0x11  }
0x29: {  	s19 =	sshll.u32 @!p1 s19, $0xD;
	s16 =	sand.u32 @!p1 $0x3F, s16;
	s17 =	ssub.s32 @!p1 s17, s18  }
0x2a: {  	s16 =	smul.u32 @!p1 $0x1E850, s16;
	s18 =	sshrl.u32 @!p1 s17, $0x3;
	s17 =	sand.u32 @!p1 $0x7, s17  }
0x2b: {  	s19 =	sand.u32 @!p1 $0x2000, s19;
	s18 =	sadd.s32 @!p1 s2, s18;
	s17 =	sshll.u32 @!p1 s17, $0x12  }
0x2c: {  	s16 =	sadd.s32 @!p1 s16, s18;
	s17 =	sor.u32 @!p1 $0x400, s17;
	s18 =	simm.s32 @!p1 $0x7A1400  }
0x2d: {  	[tilespmem:s19], [sflag:$0x1] =	stream.strided.gather @!p1 [hbm4b:s16+s17], $0x2000, s18, s17, $0x38;
	[tilespmem:$0x8100] =	vst v63  }
0x2e: {  	p1 =	seq.s32 s13, $0x0  }
0x2f: {  	p2 =	sge.u32 @!p1 s13, s7  }
0x30: {  	p1 =	por p1, p2  }
.Ltmp2:
0x31: {  	_ = 	snop;
	(pc) =	sbr.rel @p1 .LBB1_5-.Ltmp2, $1  }
0x32: {  	_ =	sdelay $0x3  }
0x33: {  	s16 =	simm.s32 $0x1  }
0x34: {  	_ =	swait.ge [sflag:s4], $0x2000;
	s16 =	simm.s32 @!p0 $0x0  }
0x35: {  	[sflag:s4] =	ssyncset.done $0x0;
	s17 =	sshll.u32 s16, $0xD  }
0x36: {  	[sflag:s4] =	ssyncadd.s32 $0xFFFFE000;
	s17 =	sor.u32 $0x40, s17  }
0x37: {  	s16 =	smul.u32 $0x8200, s16;
	v0 =	vld [tilespmem:s17+$0x30]  }
0x38: {  	v1 =	vld [tilespmem:s17+$0xFFFFFFD0]  }
0x39: {  	s16 =	sshrl.u32 s16, $0x2;
	v5 =	vld [tilespmem:s17+$0xFFFFFFE0]  }
0x3a: {  	v6 =	vld [tilespmem:s17+$0xFFFFFFF0];
	s19 =	sor.u32 $0x4000, s16  }
0x3b: {  	s31 =	sand.u32 $0x1, s13;
	v4 =	vld [tilespmem:s17+$0x0];
	s18 =	sadd.s32 $0x0, s19  }
0x3c: {  	v3 =	vld [tilespmem:s17+$0x10];
	s16 =	smul.u32 $0x8200, s31;
	[tilespmem:s18+$0x1C70 ss:$0x41] =	vst.msk $0xffff, v0  }
0x3d: {  	v2 =	vld [tilespmem:s17+$0x20];
	[tilespmem:s18+$0x410 ss:$0x41] =	vst.msk $0xffff, v1  }
0x3e: {  	s16 =	sshrl.u32 s16, $0x2;
	v1 =	vld [tilespmem:s17+$0xFFFFFFC0];
	[tilespmem:s18+$0x820 ss:$0x41] =	vst.msk $0xffff, v5;
	s17 =	sadd.s32 $0x80, s17  }
0x3f: {  	s20 =	simm.s32 $0x4;
	s21 =	simm.s32 $0x8;
	s16 =	sor.u32 $0x4000, s16;
	[tilespmem:s18+$0xC30 ss:$0x41] =	vst.msk $0xffff, v6;
	v0 =	vld [tilespmem:s17+$0x30]  }
.LBB1_3:
0x40: {  	p1 =	sne.s32 s21, $0xFC;
	v5 =	vld [tilespmem:s17+$0xFFFFFFD0];
	[tilespmem:s18+$0x1040 ss:$0x41] =	vst.msk $0xffff, v4  }
0x41: {  	v6 =	vld [tilespmem:s17+$0xFFFFFFE0];
	[tilespmem:s18+$0x1450 ss:$0x41] =	vst.msk $0xffff, v3  }
0x42: {  	s22 =	sshra.s32 s20, $0x2;
	s20 =	smov.u32 s21;
	v7 =	vld [tilespmem:s17+$0xFFFFFFF0];
	[tilespmem:s18+$0x1860 ss:$0x41] =	vst.msk $0xffff, v2  }
.Ltmp3:
0x43: {  	v4 =	vld [tilespmem:s17+$0x0];
	[tilespmem:s18+$0x0 ss:$0x41] =	vst.msk $0xffff, v1;
	s18 =	sadd.s32 s22, s19;
	(pc) =	sbr.rel @p1 .LBB1_3-.Ltmp3, $4  }
0x44: {  	v3 =	vld [tilespmem:s17+$0x10];
	[tilespmem:s18+$0x1C70 ss:$0x41] =	vst.msk $0xffff, v0  }
0x45: {  	[tilespmem:s18+$0x410 ss:$0x41] =	vst.msk $0xffff, v5;
	v2 =	vld [tilespmem:s17+$0x20]  }
0x46: {  	v1 =	vld [tilespmem:s17+$0xFFFFFFC0];
	[tilespmem:s18+$0x820 ss:$0x41] =	vst.msk $0xffff, v6;
	s17 =	sadd.s32 $0x80, s17  }
0x47: {  	s21 =	sadd.s32 $0x4, s21;
	v0 =	vld [tilespmem:s17+$0x30];
	[tilespmem:s18+$0xC30 ss:$0x41] =	vst.msk $0xffff, v7  }
0x48: {  	s21 =	sshll.u32 s9, $0x7;
	s22 =	sshll.u32 s10, $0x3;
	s20 =	sshra.s32 s20, $0x2  }
0x49: {  	p1 =	sgt.s32 s9, $0xF41C0;
	s30 =	sshra.s32 s9, $0x1F;
	s25 =	sshra.s32 s10, $0x1F  }
0x4a: {  	v5 =	vld [tilespmem:s17+$0xFFFFFFD0];
	s28 =	sshrl.u32 s10, $0x3;
	s23 =	sand.u32 $0xFFFFFC00, s21;
	s22 =	sand.u32 $0xFFFFFC00, s22  }
0x4b: {  	[tilespmem:s18+$0x1040 ss:$0x41] =	vst.msk $0xffff, v4;
	v58 =	vld [tilespmem:s17+$0xFFFFFFE0];
	s21 =	sand.u32 $0x380, s21;
	s19 =	sadd.s32 s20, s19;
	s22 =	sadd.s32 s22, s23  }
0x4c: {  	v59 =	vld [tilespmem:s17+$0xFFFFFFF0];
	[tilespmem:s18+$0x1450 ss:$0x41] =	vst.msk $0xffff, v3;
	s29 =	sor.u32 s21, s22;
	s21 =	smov.u32 s9;
	s22 =	sand.u32 s30, s9  }
0x4d: {  	v60 =	vld [tilespmem:s17+$0x0];
	[tilespmem:s18+$0x1860 ss:$0x41] =	vst.msk $0xffff, v2;
	s30 =	sand.u32 $0x7, s10;
	s20 =	sshrl.u32 s29, $0x7;
	s21 =	simm.s32 @!p1 $0xF41C0  }
0x4e: {  	v61 =	vld [tilespmem:s17+$0x10];
	[tilespmem:s18+$0x0 ss:$0x41] =	vst.msk $0xffff, v1;
	p1 =	sgt.s32 s10, $0x40;
	s24 =	ssub.s32 s21, s22;
	s21 =	smov.u32 s10  }
0x4f: {  	v62 =	vld [tilespmem:s17+$0x20];
	[tilespmem:s19+$0x1C70 ss:$0x41] =	vst.msk $0xffff, v0;
	s31 =	smulhi.u32 $0x218DEF5, s20;
	s22 =	sand.u32 s25, s10;
	s21 =	simm.s32 @!p1 $0x40  }
0x50: {  	v63 =	vld [tilespmem:s17+$0xFFFFFFC0];
	[tilespmem:s19+$0x410 ss:$0x41] =	vst.msk $0xffff, v5;
	s26 =	sadd.s32 $0xFFF0BE40, s24;
	s17 =	ssub.s32 $0xF4240, s24;
	s21 =	ssub.s32 s21, s22  }
0x51: {  	[tilespmem:s19+$0x820 ss:$0x41] =	vst.msk $0xffff, v58;
	s23 =	sshrl.u32 s31, $0xD;
	p1 =	sgt.s32 s26, $0x7F;
	s27 =	sadd.s32 $0xFFFFFFC0, s21  }
0x52: {  	[tilespmem:s19+$0xC30 ss:$0x41] =	vst.msk $0xffff, v59;
	s23 =	smul.u32 $0xF4240, s23;
	s18 =	ssub.s32 $0x80, s21;
	p2 =	sgt.s32 s27, $0x3F  }
.Ltmp4:
0x53: {  	[tilespmem:s19+$0x1040 ss:$0x41] =	vst.msk $0xffff, v60;
	s17 =	simm.s32 @p1 $0x0;
	s18 =	simm.s32 @p2 $0x0;
	(pc) =	sbr.rel .LBB1_5-.Ltmp4, $4  }
0x54: {  	s29 =	sand.u32 $0xF, s28;
	[tilespmem:s19+$0x1450 ss:$0x41] =	vst.msk $0xffff, v61;
	s20 =	ssub.s32 s20, s23;
	s17 =	smul.u32 s18, s17  }
0x55: {  	[tilespmem:s19+$0x1860 ss:$0x41] =	vst.msk $0xffff, v62;
	s21 =	sshll.u32 s30, $0x12;
	s20 =	sshll.u32 s20, $0x4;
	s18 =	sadd.s32 s5, s29  }
0x56: {  	[tilespmem:s19+$0x0 ss:$0x41] =	vst.msk $0xffff, v63;
	s31 =	sor.u32 $0x40, s21;
	s18 =	sadd.s32 s20, s18;
	s17 =	sand.u32 $0x3FFFFFFF, s17  }
0x57: {  	[hbm4b:s18+s31] =	stream.strided.scatter [tilespmem:s16], [sflag:$0x2], s17, s8, s31, $0x18;
	[tilespmem:$0x8100] =	vst v63  }
.LBB1_6:
0x58: {  	_ =	sfence.sel $0x180000  }
0x59: {  	s2 =	simm.s32 $0x1;
	[bflag:$0x0] =	sbarrier.arrive $0xFFFF  }
0x5a: {  	s31 =	simm.s32 $0x2;
	[sflag:s2] =	ssyncpa.u1 $0x1  }
0x5b: {  	[sflag:s31] =	ssyncpa.u1 $0x1  }
0x5c: {  	p0 =	sne.s32 s1, $0x0;
	_ =	strace $0x90000047  }
0x5d: {  	s0 =	sadd.s32 @!p0 $0x100000, s0;
	[bflag:$0x2] =	sbarrier.arrive $0xFFFF  }
0x5e: {  	[sflag:s0] =	ssyncadd.tile.s32 @!p0 $0x1;
	_ =	shalt  }
.Lfunc_end1:
_tile_overlayer_lowered:
.L_overlay_start_2:
0x5f: {  	(tag) =	ssettag $0x2  }
0x60: {  	s0 =	rddreg [dreg:$0x0];
	s2 =	stileid.u32  }
0x61: {  	s1 =	rddreg [dreg:$0x1];
	p0 =	sne.s32 s2, $0x0  }
0x62: {  	s3 =	rddreg [dreg:$0x2];
	[bflag:$0x3] =	sbarrier.arrive $0xFFFF;
	s2 =	simm.s32 @!p0 $0x1C01  }
0x63: {  	[timem:s3], [sflag:s2] =	dma.local @!p0 [hbm:s0], s1  }
0x64: {  	s0 =	simm.s32 @!p0 $0x1  }
0x65: {  	_ =	swait.ge @!p0 [sflag:s0], s1  }
0x66: {  	s1 =	ssub.s32 @!p0 $0x0, s1;
	[sflag:s0] =	ssyncset.done @!p0 $0x0  }
0x67: {  	[sflag:s0] =	ssyncadd.s32 @!p0 s1  }
0x68: {  	[bflag:$0x3] =	sbarrier.arrive $0xFFFF  }
0x69: {  	_ =	shalt  }

</sc_bundles>
